<compile_context>
chip_gen: v7x
topology: tpu7x:2x2x1
jax: 0.10.2.dev20260603
libtpu: 0.0.44.dev20260713+nightly
codegen_flags: <defaults>
</compile_context>

<pallas_src>
import functools

import jax
import jax.numpy as jnp
from jax import lax
from jax.experimental import pallas as pl
from jax.experimental.pallas import tpu as pltpu
import jax.experimental.pallas.tpu_sc as plsc

N = 10000
E = 320000
D = 128

NC = 2
NS = 16
NW = NC * NS
L = 16
K = 128
C = 80
EPW = C * K
E_PAD = NW * EPW
N_PAD = 10240
RPT = N_PAD // NS
RCH = RPT // K
DEG_W = 16
BLK = N_PAD // 8

_mesh = plsc.VectorSubcoreMesh(
    core_axis_name="c", subcore_axis_name="s", num_cores=NC, num_subcores=NS)


def _deg_body(col_hbm, dp_hbm, col_v, hist_v, sbuf_v, stage_v, shared):
    c = lax.axis_index("c")
    s = lax.axis_index("s")
    w = s * NC + c

    pltpu.sync_copy(col_hbm.at[w], col_v)

    def zero_hist(i, _):
        hist_v[pl.ds(i * L, L)] = jnp.zeros((L,), jnp.float32)
        return 0

    lax.fori_loop(0, N_PAD // L, zero_hist, 0)

    def count(e, _):
        idx = col_v[pl.ds(e * L, L)]
        cnt, last = plsc.scan_count(idx)
        plsc.addupdate_scatter(hist_v, [idx], cnt.astype(jnp.float32),
                               mask=last)
        return 0

    lax.fori_loop(0, EPW // L, count, 0)

    pltpu.sync_copy(hist_v, shared.at[s])
    plsc.subcore_barrier()

    for r in range(NS):
        pltpu.sync_copy(shared.at[r, pl.ds(s * RPT, RPT)], sbuf_v.at[r])

    lanes = lax.iota(jnp.int32, L)

    def combine(v, _):
        acc = jnp.zeros((L,), jnp.float32)
        for r in range(NS):
            acc = acc + sbuf_v[r, pl.ds(v * L, L)]
        plsc.store_scatter(stage_v, [(lanes + v * L) * DEG_W], acc)
        return 0

    lax.fori_loop(0, RPT // L, combine, 0)

    pltpu.sync_copy(stage_v, dp_hbm.at[c, pl.ds(s * RPT * DEG_W, RPT * DEG_W)])


_deg_pass = functools.partial(
    pl.kernel,
    out_type=jax.ShapeDtypeStruct((NC, N_PAD * DEG_W), jnp.float32),
    mesh=_mesh,
    scratch_types=[
        pltpu.VMEM((EPW,), jnp.int32),
        pltpu.VMEM((N_PAD,), jnp.float32),
        pltpu.VMEM((NS, RPT), jnp.float32),
        pltpu.VMEM((RPT * DEG_W,), jnp.float32),
        pltpu.VMEM_SHARED((NS, N_PAD), jnp.float32),
    ],
    compiler_params=pltpu.CompilerParams(needs_layout_passes=False),
)(_deg_body)


NBUF = 2
PH = 40
NCHUNK = E_PAD // K
F0 = 120
F1 = 2 * C - F0


def _agg_body(hs_hbm, col_hbm, row_hbm, agg_hbm, col_q, row_q,
              gb0, gb1, gs0, gs1, ss0, ss1, aggtab):
    c = lax.axis_index("c")
    s = lax.axis_index("s")
    gb = (gb0, gb1)
    gs = (gs0, gs1)
    ss = (ss0, ss1)

    start = jnp.minimum(s * RPT, N - RPT)
    for k in range(RCH):
        b = k % 2
        if k >= 2:
            pltpu.make_async_copy(gb[b], aggtab.at[pl.ds(start, K)],
                                  ss[b]).wait()
        pltpu.async_copy(hs_hbm.at[pl.ds(start + k * K, K)], gb[b],
                         gs[b]).wait()
        pltpu.async_copy(gb[b], aggtab.at[pl.ds(start + k * K, K)], ss[b])
    for b in range(2):
        pltpu.make_async_copy(gb[b], aggtab.at[pl.ds(start, K)], ss[b]).wait()
    plsc.subcore_barrier()

    base = jnp.where(c == 0, s * F0, NS * F0 + s * F1)
    nph = jnp.where(c == 0, F0 // PH, F1 // PH)

    for p in range(F0 // PH):
        @pl.when(p < nph)
        def _():
            pltpu.sync_copy(col_hbm.at[pl.ds(base + p * PH, PH)], col_q)
            pltpu.sync_copy(row_hbm.at[pl.ds(base + p * PH, PH)], row_q)
            for b in range(NBUF):
                pltpu.async_copy(hs_hbm.at[col_q.at[b]], gb[b], gs[b])

            def round_(g, _):
                j0 = g * NBUF
                for b in range(NBUF):
                    pltpu.make_async_copy(hs_hbm.at[col_q.at[0]], gb[b],
                                          gs[b]).wait()
                    pltpu.async_copy(gb[b], aggtab.at[row_q.at[j0 + b]],
                                     ss[b], add=True)
                for b in range(NBUF):
                    pltpu.make_async_copy(gb[b], aggtab.at[row_q.at[0]],
                                          ss[b]).wait()

                    @pl.when(g < PH // NBUF - 1)
                    def _():
                        pltpu.async_copy(hs_hbm.at[col_q.at[j0 + NBUF + b]],
                                         gb[b], gs[b])
                return 0

            lax.fori_loop(0, PH // NBUF, round_, 0)
    plsc.subcore_barrier()

    for k in range(RCH):
        b = k % 2
        if k >= 2:
            pltpu.make_async_copy(gb[b], agg_hbm.at[c, pl.ds(0, K)],
                                  ss[b]).wait()
        pltpu.async_copy(aggtab.at[pl.ds(s * RPT + k * K, K)], gb[b],
                         gs[b]).wait()
        pltpu.async_copy(gb[b], agg_hbm.at[c, pl.ds(s * RPT + k * K, K)],
                         ss[b])
    for b in range(2):
        pltpu.make_async_copy(gb[b], agg_hbm.at[c, pl.ds(0, K)], ss[b]).wait()


def _linear_body(x_ref, w_ref, b_ref, dp_ref, hs_ref):
    deg = dp_ref[0, :, 0:1] + dp_ref[1, :, 0:1] + 1.0
    dinv = lax.rsqrt(deg)
    h = lax.dot_general(
        x_ref[...], w_ref[...],
        (((1,), (1,)), ((), ())),
        preferred_element_type=jnp.float32,
    )
    hs_ref[...] = (h + b_ref[...]) * dinv


def _final_body(agg_ref, hs_ref, dp_ref, out_ref):
    deg = dp_ref[0, :, 0:1] + dp_ref[1, :, 0:1] + 1.0
    dinv = lax.rsqrt(deg)
    out_ref[...] = (agg_ref[0] + agg_ref[1] - hs_ref[...]) * dinv


def kernel(X, edge_index, W, b):
    row = edge_index[0]
    col = edge_index[1]
    pad = jnp.full((E_PAD - E,), N, jnp.int32)
    row4 = jnp.concatenate([row, pad]).reshape(NCHUNK, K)
    colp = jnp.concatenate([col, pad])
    col4 = colp.reshape(NCHUNK, K)
    col2 = colp.reshape(NW, EPW)
    b2 = b.reshape(1, D)

    dp = _deg_pass(col2).reshape(NC, N_PAD, DEG_W)

    hs = pl.pallas_call(
        _linear_body,
        grid=(N_PAD // BLK,),
        in_specs=[
            pl.BlockSpec((BLK, D), lambda i: (i, 0)),
            pl.BlockSpec((D, D), lambda i: (0, 0)),
            pl.BlockSpec((1, D), lambda i: (0, 0)),
            pl.BlockSpec((NC, BLK, DEG_W), lambda i: (0, i, 0)),
        ],
        out_specs=pl.BlockSpec((BLK, D), lambda i: (i, 0)),
        out_shape=jax.ShapeDtypeStruct((N_PAD, D), jnp.float32),
    )(X, W, b2, dp)

    agg = functools.partial(
        pl.kernel,
        out_type=jax.ShapeDtypeStruct((NC, N_PAD, D), jnp.float32),
        mesh=_mesh,
        scratch_types=[
            pltpu.VMEM((PH, K), jnp.int32),
            pltpu.VMEM((PH, K), jnp.int32),
            pltpu.VMEM((K, D), jnp.float32),
            pltpu.VMEM((K, D), jnp.float32),
            pltpu.SemaphoreType.DMA,
            pltpu.SemaphoreType.DMA,
            pltpu.SemaphoreType.DMA,
            pltpu.SemaphoreType.DMA,
            pltpu.VMEM_SHARED((N_PAD, D), jnp.float32),
        ],
    )(_agg_body)(hs, col4, row4)

    out = pl.pallas_call(
        _final_body,
        grid=(N_PAD // BLK,),
        in_specs=[
            pl.BlockSpec((NC, BLK, D), lambda i: (0, i, 0)),
            pl.BlockSpec((BLK, D), lambda i: (i, 0)),
            pl.BlockSpec((NC, BLK, DEG_W), lambda i: (0, i, 0)),
        ],
        out_specs=pl.BlockSpec((BLK, D), lambda i: (i, 0)),
        out_shape=jax.ShapeDtypeStruct((N, D), jnp.float32),
    )(agg, hs, dp)

    return out

# --- scband reference (transcript-rebuilt; emitter-appended) ---
"""Pipeline reference for scband-gcnlayer-33956011442288 (READ-ONLY COPY).

The authoritative reference and input builder live on the scoring server;
editing this copy changes nothing except your own understanding.
"""

import jax, jax.numpy as jnp
import numpy as np

N = 10000
E = 320000
D_IN = 128
D_OUT = 128


def setup_inputs(seed: int = 0) -> dict:
    key = jax.random.key(seed)
    k1, k2, k3, k4 = jax.random.split(key, 4)
    X = jax.random.normal(k1, (N, D_IN), dtype=jnp.float32)
    edge_index = jax.random.randint(k2, (2, E), 0, N, dtype=jnp.int32)
    # nn.Linear(in_size, out_size): W is [out, in], b is [out]
    W = jax.random.normal(k3, (D_OUT, D_IN), dtype=jnp.float32) * 0.05
    b = jax.random.normal(k4, (D_OUT,), dtype=jnp.float32) * 0.05
    return {"X": X, "edge_index": edge_index, "W": W, "b": b}


def reference(X, edge_index, W, b):
    # GCN 'SYM' preproc: D_hat^{-1/2} (A + I) D_hat^{-1/2} @ (X W^T + b)
    row = edge_index[0]
    col = edge_index[1]
    # A_hat = A + I; D_hat = diag(A_hat.sum(0)) -> column degree + 1 (self loop)
    deg = jnp.zeros((N,), jnp.float32).at[col].add(1.0) + 1.0
    dinv = deg ** (-0.5)
    # Linear layer
    h = X @ W.T + b
    # Right-scale by D^{-1/2}
    h = h * dinv[:, None]
    # A_hat @ h: sparse propagation (gather on col, scatter-add on row) + self loop
    agg = jnp.zeros((N, D_OUT), h.dtype).at[row].add(h[col]) + h
    # Left-scale by D^{-1/2}
    out = agg * dinv[:, None]
    return out

if __name__ == "__main__":
    import jax
    _d = setup_inputs()
    print(jax.jit(kernel)(*tuple(_d.values())))

</pallas_src>

<mosaic_0001>
#map = affine_map<(d0, d1) -> (0, 0)>
#map1 = affine_map<(d0, d1) -> (0, 0, 0)>
module attributes {stable_mosaic.version = 14 : i64} {
  func.func @_agg_body(%arg0: i32, %arg1: i32, %arg2: memref<10240x128xf32, #tpu.memory_space<hbm>>, %arg3: memref<2560x128xi32, #tpu.memory_space<hbm>>, %arg4: memref<2560x128xi32, #tpu.memory_space<hbm>>, %arg5: memref<2x10240x128xf32, #tpu.memory_space<hbm>>, %arg6: memref<40x128xi32, #tpu.memory_space<vmem>>, %arg7: memref<40x128xi32, #tpu.memory_space<vmem>>, %arg8: memref<128x128xf32, #tpu.memory_space<vmem>>, %arg9: memref<128x128xf32, #tpu.memory_space<vmem>>, %arg10: memref<!tpu.dma_semaphore, #tpu.memory_space<semaphore_mem>>, %arg11: memref<!tpu.dma_semaphore, #tpu.memory_space<semaphore_mem>>, %arg12: memref<!tpu.dma_semaphore, #tpu.memory_space<semaphore_mem>>, %arg13: memref<!tpu.dma_semaphore, #tpu.memory_space<semaphore_mem>>, %arg14: memref<10240x128xf32, #tpu.memory_space<vmem_shared>>) attributes {dimension_semantics = [#tpu.dimension_semantics<core_parallel>, #tpu.dimension_semantics<subcore_parallel>], iteration_bounds = array<i64: 2, 16>, scalar_prefetch = 0 : i64, scratch_operands = 9 : i64, tpu.core_type = #tpu.core_type<sc_vector_subcore>, window_params = [{transform_indices = #map}, {transform_indices = #map}, {transform_indices = #map}, {transform_indices = #map1}]} {
    %mul3A = arith.constant 640 : i32
    %mul3A_0 = arith.muli %arg1, %mul3A : i32
    %min3A = arith.constant 9360 : i32
    %min3A_1 = arith.minsi %mul3A_0, %min3A : i32
    %add3A = arith.constant 0 : i32
    %add3A_2 = arith.addi %min3A_1, %add3A : i32
    %dma_start3A = arith.constant 0 : i32
    %dma_start3A_3 = tpu.memref_slice %arg2[%add3A_2, %dma_start3A] : memref<10240x128xf32, #tpu.memory_space<hbm>> -> memref<128x128xf32, #tpu.memory_space<hbm>>
    %dma_start3A_4 = arith.constant 0 : i32
    %dma_start3A_5 = tpu.memref_slice %arg2[%add3A_2, %dma_start3A_4] : memref<10240x128xf32, #tpu.memory_space<hbm>> -> memref<128x128xf32, #tpu.memory_space<hbm>>
    tpu.enqueue_dma source(%dma_start3A_5 : memref<128x128xf32, #tpu.memory_space<hbm>>) target(%arg8 : memref<128x128xf32, #tpu.memory_space<vmem>>) target_semaphore(%arg10 : memref<!tpu.dma_semaphore, #tpu.memory_space<semaphore_mem>>)
    %dma_wait3A = arith.constant 0 : i32
    %dma_wait3A_6 = tpu.memref_slice %arg2[%add3A_2, %dma_wait3A] : memref<10240x128xf32, #tpu.memory_space<hbm>> -> memref<128x128xf32, #tpu.memory_space<hbm>>
    %dma_wait3A_7 = arith.constant 0 : i32
    %dma_wait3A_8 = tpu.memref_slice %arg2[%add3A_2, %dma_wait3A_7] : memref<10240x128xf32, #tpu.memory_space<hbm>> -> memref<128x128xf32, #tpu.memory_space<hbm>>
    tpu.wait_dma2 semaphore(%arg10 : memref<!tpu.dma_semaphore, #tpu.memory_space<semaphore_mem>>) src(%dma_wait3A_8 : memref<128x128xf32, #tpu.memory_space<hbm>>) dst(%arg8 : memref<128x128xf32, #tpu.memory_space<vmem>>)
    %add3A_9 = arith.constant 0 : i32
    %add3A_10 = arith.addi %min3A_1, %add3A_9 : i32
    %dma_start3A_11 = arith.constant 0 : i32
    %dma_start3A_12 = tpu.memref_slice %arg14[%add3A_10, %dma_start3A_11] : memref<10240x128xf32, #tpu.memory_space<vmem_shared>> -> memref<128x128xf32, #tpu.memory_space<vmem_shared>>
    %dma_start3A_13 = arith.constant 0 : i32
    %dma_start3A_14 = tpu.memref_slice %arg14[%add3A_10, %dma_start3A_13] : memref<10240x128xf32, #tpu.memory_space<vmem_shared>> -> memref<128x128xf32, #tpu.memory_space<vmem_shared>>
    tpu.enqueue_dma source(%arg8 : memref<128x128xf32, #tpu.memory_space<vmem>>) target(%dma_start3A_14 : memref<128x128xf32, #tpu.memory_space<vmem_shared>>) target_semaphore(%arg12 : memref<!tpu.dma_semaphore, #tpu.memory_space<semaphore_mem>>)
    %add3A_15 = arith.constant 128 : i32
    %add3A_16 = arith.addi %min3A_1, %add3A_15 : i32
    %dma_start3A_17 = arith.constant 0 : i32
    %dma_start3A_18 = tpu.memref_slice %arg2[%add3A_16, %dma_start3A_17] : memref<10240x128xf32, #tpu.memory_space<hbm>> -> memref<128x128xf32, #tpu.memory_space<hbm>>
    %dma_start3A_19 = arith.constant 0 : i32
    %dma_start3A_20 = tpu.memref_slice %arg2[%add3A_16, %dma_start3A_19] : memref<10240x128xf32, #tpu.memory_space<hbm>> -> memref<128x128xf32, #tpu.memory_space<hbm>>
    tpu.enqueue_dma source(%dma_start3A_20 : memref<128x128xf32, #tpu.memory_space<hbm>>) target(%arg9 : memref<128x128xf32, #tpu.memory_space<vmem>>) target_semaphore(%arg11 : memref<!tpu.dma_semaphore, #tpu.memory_space<semaphore_mem>>)
    %dma_wait3A_21 = arith.constant 0 : i32
    %dma_wait3A_22 = tpu.memref_slice %arg2[%add3A_16, %dma_wait3A_21] : memref<10240x128xf32, #tpu.memory_space<hbm>> -> memref<128x128xf32, #tpu.memory_space<hbm>>
    %dma_wait3A_23 = arith.constant 0 : i32
    %dma_wait3A_24 = tpu.memref_slice %arg2[%add3A_16, %dma_wait3A_23] : memref<10240x128xf32, #tpu.memory_space<hbm>> -> memref<128x128xf32, #tpu.memory_space<hbm>>
    tpu.wait_dma2 semaphore(%arg11 : memref<!tpu.dma_semaphore, #tpu.memory_space<semaphore_mem>>) src(%dma_wait3A_24 : memref<128x128xf32, #tpu.memory_space<hbm>>) dst(%arg9 : memref<128x128xf32, #tpu.memory_space<vmem>>)
    %add3A_25 = arith.constant 128 : i32
    %add3A_26 = arith.addi %min3A_1, %add3A_25 : i32
    %dma_start3A_27 = arith.constant 0 : i32
    %dma_start3A_28 = tpu.memref_slice %arg14[%add3A_26, %dma_start3A_27] : memref<10240x128xf32, #tpu.memory_space<vmem_shared>> -> memref<128x128xf32, #tpu.memory_space<vmem_shared>>
    %dma_start3A_29 = arith.constant 0 : i32
    %dma_start3A_30 = tpu.memref_slice %arg14[%add3A_26, %dma_start3A_29] : memref<10240x128xf32, #tpu.memory_space<vmem_shared>> -> memref<128x128xf32, #tpu.memory_space<vmem_shared>>
    tpu.enqueue_dma source(%arg9 : memref<128x128xf32, #tpu.memory_space<vmem>>) target(%dma_start3A_30 : memref<128x128xf32, #tpu.memory_space<vmem_shared>>) target_semaphore(%arg13 : memref<!tpu.dma_semaphore, #tpu.memory_space<semaphore_mem>>)
    %dma_wait3A_31 = arith.constant 0 : i32
    %dma_wait3A_32 = tpu.memref_slice %arg14[%min3A_1, %dma_wait3A_31] : memref<10240x128xf32, #tpu.memory_space<vmem_shared>> -> memref<128x128xf32, #tpu.memory_space<vmem_shared>>
    %dma_wait3A_33 = arith.constant 0 : i32
    %dma_wait3A_34 = tpu.memref_slice %arg14[%min3A_1, %dma_wait3A_33] : memref<10240x128xf32, #tpu.memory_space<vmem_shared>> -> memref<128x128xf32, #tpu.memory_space<vmem_shared>>
    tpu.wait_dma2 semaphore(%arg12 : memref<!tpu.dma_semaphore, #tpu.memory_space<semaphore_mem>>) src(%arg8 : memref<128x128xf32, #tpu.memory_space<vmem>>) dst(%dma_wait3A_34 : memref<128x128xf32, #tpu.memory_space<vmem_shared>>)
    %add3A_35 = arith.constant 256 : i32
    %add3A_36 = arith.addi %min3A_1, %add3A_35 : i32
    %dma_start3A_37 = arith.constant 0 : i32
    %dma_start3A_38 = tpu.memref_slice %arg2[%add3A_36, %dma_start3A_37] : memref<10240x128xf32, #tpu.memory_space<hbm>> -> memref<128x128xf32, #tpu.memory_space<hbm>>
    %dma_start3A_39 = arith.constant 0 : i32
    %dma_start3A_40 = tpu.memref_slice %arg2[%add3A_36, %dma_start3A_39] : memref<10240x128xf32, #tpu.memory_space<hbm>> -> memref<128x128xf32, #tpu.memory_space<hbm>>
    tpu.enqueue_dma source(%dma_start3A_40 : memref<128x128xf32, #tpu.memory_space<hbm>>) target(%arg8 : memref<128x128xf32, #tpu.memory_space<vmem>>) target_semaphore(%arg10 : memref<!tpu.dma_semaphore, #tpu.memory_space<semaphore_mem>>)
    %dma_wait3A_41 = arith.constant 0 : i32
    %dma_wait3A_42 = tpu.memref_slice %arg2[%add3A_36, %dma_wait3A_41] : memref<10240x128xf32, #tpu.memory_space<hbm>> -> memref<128x128xf32, #tpu.memory_space<hbm>>
    %dma_wait3A_43 = arith.constant 0 : i32
    %dma_wait3A_44 = tpu.memref_slice %arg2[%add3A_36, %dma_wait3A_43] : memref<10240x128xf32, #tpu.memory_space<hbm>> -> memref<128x128xf32, #tpu.memory_space<hbm>>
    tpu.wait_dma2 semaphore(%arg10 : memref<!tpu.dma_semaphore, #tpu.memory_space<semaphore_mem>>) src(%dma_wait3A_44 : memref<128x128xf32, #tpu.memory_space<hbm>>) dst(%arg8 : memref<128x128xf32, #tpu.memory_space<vmem>>)
    %add3A_45 = arith.constant 256 : i32
    %add3A_46 = arith.addi %min3A_1, %add3A_45 : i32
    %dma_start3A_47 = arith.constant 0 : i32
    %dma_start3A_48 = tpu.memref_slice %arg14[%add3A_46, %dma_start3A_47] : memref<10240x128xf32, #tpu.memory_space<vmem_shared>> -> memref<128x128xf32, #tpu.memory_space<vmem_shared>>
    %dma_start3A_49 = arith.constant 0 : i32
    %dma_start3A_50 = tpu.memref_slice %arg14[%add3A_46, %dma_start3A_49] : memref<10240x128xf32, #tpu.memory_space<vmem_shared>> -> memref<128x128xf32, #tpu.memory_space<vmem_shared>>
    tpu.enqueue_dma source(%arg8 : memref<128x128xf32, #tpu.memory_space<vmem>>) target(%dma_start3A_50 : memref<128x128xf32, #tpu.memory_space<vmem_shared>>) target_semaphore(%arg12 : memref<!tpu.dma_semaphore, #tpu.memory_space<semaphore_mem>>)
    %dma_wait3A_51 = arith.constant 0 : i32
    %dma_wait3A_52 = tpu.memref_slice %arg14[%min3A_1, %dma_wait3A_51] : memref<10240x128xf32, #tpu.memory_space<vmem_shared>> -> memref<128x128xf32, #tpu.memory_space<vmem_shared>>
    %dma_wait3A_53 = arith.constant 0 : i32
    %dma_wait3A_54 = tpu.memref_slice %arg14[%min3A_1, %dma_wait3A_53] : memref<10240x128xf32, #tpu.memory_space<vmem_shared>> -> memref<128x128xf32, #tpu.memory_space<vmem_shared>>
    tpu.wait_dma2 semaphore(%arg13 : memref<!tpu.dma_semaphore, #tpu.memory_space<semaphore_mem>>) src(%arg9 : memref<128x128xf32, #tpu.memory_space<vmem>>) dst(%dma_wait3A_54 : memref<128x128xf32, #tpu.memory_space<vmem_shared>>)
    %add3A_55 = arith.constant 384 : i32
    %add3A_56 = arith.addi %min3A_1, %add3A_55 : i32
    %dma_start3A_57 = arith.constant 0 : i32
    %dma_start3A_58 = tpu.memref_slice %arg2[%add3A_56, %dma_start3A_57] : memref<10240x128xf32, #tpu.memory_space<hbm>> -> memref<128x128xf32, #tpu.memory_space<hbm>>
    %dma_start3A_59 = arith.constant 0 : i32
    %dma_start3A_60 = tpu.memref_slice %arg2[%add3A_56, %dma_start3A_59] : memref<10240x128xf32, #tpu.memory_space<hbm>> -> memref<128x128xf32, #tpu.memory_space<hbm>>
    tpu.enqueue_dma source(%dma_start3A_60 : memref<128x128xf32, #tpu.memory_space<hbm>>) target(%arg9 : memref<128x128xf32, #tpu.memory_space<vmem>>) target_semaphore(%arg11 : memref<!tpu.dma_semaphore, #tpu.memory_space<semaphore_mem>>)
    %dma_wait3A_61 = arith.constant 0 : i32
    %dma_wait3A_62 = tpu.memref_slice %arg2[%add3A_56, %dma_wait3A_61] : memref<10240x128xf32, #tpu.memory_space<hbm>> -> memref<128x128xf32, #tpu.memory_space<hbm>>
    %dma_wait3A_63 = arith.constant 0 : i32
    %dma_wait3A_64 = tpu.memref_slice %arg2[%add3A_56, %dma_wait3A_63] : memref<10240x128xf32, #tpu.memory_space<hbm>> -> memref<128x128xf32, #tpu.memory_space<hbm>>
    tpu.wait_dma2 semaphore(%arg11 : memref<!tpu.dma_semaphore, #tpu.memory_space<semaphore_mem>>) src(%dma_wait3A_64 : memref<128x128xf32, #tpu.memory_space<hbm>>) dst(%arg9 : memref<128x128xf32, #tpu.memory_space<vmem>>)
    %add3A_65 = arith.constant 384 : i32
    %add3A_66 = arith.addi %min3A_1, %add3A_65 : i32
    %dma_start3A_67 = arith.constant 0 : i32
    %dma_start3A_68 = tpu.memref_slice %arg14[%add3A_66, %dma_start3A_67] : memref<10240x128xf32, #tpu.memory_space<vmem_shared>> -> memref<128x128xf32, #tpu.memory_space<vmem_shared>>
    %dma_start3A_69 = arith.constant 0 : i32
    %dma_start3A_70 = tpu.memref_slice %arg14[%add3A_66, %dma_start3A_69] : memref<10240x128xf32, #tpu.memory_space<vmem_shared>> -> memref<128x128xf32, #tpu.memory_space<vmem_shared>>
    tpu.enqueue_dma source(%arg9 : memref<128x128xf32, #tpu.memory_space<vmem>>) target(%dma_start3A_70 : memref<128x128xf32, #tpu.memory_space<vmem_shared>>) target_semaphore(%arg13 : memref<!tpu.dma_semaphore, #tpu.memory_space<semaphore_mem>>)
    %dma_wait3A_71 = arith.constant 0 : i32
    %dma_wait3A_72 = tpu.memref_slice %arg14[%min3A_1, %dma_wait3A_71] : memref<10240x128xf32, #tpu.memory_space<vmem_shared>> -> memref<128x128xf32, #tpu.memory_space<vmem_shared>>
    %dma_wait3A_73 = arith.constant 0 : i32
    %dma_wait3A_74 = tpu.memref_slice %arg14[%min3A_1, %dma_wait3A_73] : memref<10240x128xf32, #tpu.memory_space<vmem_shared>> -> memref<128x128xf32, #tpu.memory_space<vmem_shared>>
    tpu.wait_dma2 semaphore(%arg12 : memref<!tpu.dma_semaphore, #tpu.memory_space<semaphore_mem>>) src(%arg8 : memref<128x128xf32, #tpu.memory_space<vmem>>) dst(%dma_wait3A_74 : memref<128x128xf32, #tpu.memory_space<vmem_shared>>)
    %add3A_75 = arith.constant 512 : i32
    %add3A_76 = arith.addi %min3A_1, %add3A_75 : i32
    %dma_start3A_77 = arith.constant 0 : i32
    %dma_start3A_78 = tpu.memref_slice %arg2[%add3A_76, %dma_start3A_77] : memref<10240x128xf32, #tpu.memory_space<hbm>> -> memref<128x128xf32, #tpu.memory_space<hbm>>
    %dma_start3A_79 = arith.constant 0 : i32
    %dma_start3A_80 = tpu.memref_slice %arg2[%add3A_76, %dma_start3A_79] : memref<10240x128xf32, #tpu.memory_space<hbm>> -> memref<128x128xf32, #tpu.memory_space<hbm>>
    tpu.enqueue_dma source(%dma_start3A_80 : memref<128x128xf32, #tpu.memory_space<hbm>>) target(%arg8 : memref<128x128xf32, #tpu.memory_space<vmem>>) target_semaphore(%arg10 : memref<!tpu.dma_semaphore, #tpu.memory_space<semaphore_mem>>)
    %dma_wait3A_81 = arith.constant 0 : i32
    %dma_wait3A_82 = tpu.memref_slice %arg2[%add3A_76, %dma_wait3A_81] : memref<10240x128xf32, #tpu.memory_space<hbm>> -> memref<128x128xf32, #tpu.memory_space<hbm>>
    %dma_wait3A_83 = arith.constant 0 : i32
    %dma_wait3A_84 = tpu.memref_slice %arg2[%add3A_76, %dma_wait3A_83] : memref<10240x128xf32, #tpu.memory_space<hbm>> -> memref<128x128xf32, #tpu.memory_space<hbm>>
    tpu.wait_dma2 semaphore(%arg10 : memref<!tpu.dma_semaphore, #tpu.memory_space<semaphore_mem>>) src(%dma_wait3A_84 : memref<128x128xf32, #tpu.memory_space<hbm>>) dst(%arg8 : memref<128x128xf32, #tpu.memory_space<vmem>>)
    %add3A_85 = arith.constant 512 : i32
    %add3A_86 = arith.addi %min3A_1, %add3A_85 : i32
    %dma_start3A_87 = arith.constant 0 : i32
    %dma_start3A_88 = tpu.memref_slice %arg14[%add3A_86, %dma_start3A_87] : memref<10240x128xf32, #tpu.memory_space<vmem_shared>> -> memref<128x128xf32, #tpu.memory_space<vmem_shared>>
    %dma_start3A_89 = arith.constant 0 : i32
    %dma_start3A_90 = tpu.memref_slice %arg14[%add3A_86, %dma_start3A_89] : memref<10240x128xf32, #tpu.memory_space<vmem_shared>> -> memref<128x128xf32, #tpu.memory_space<vmem_shared>>
    tpu.enqueue_dma source(%arg8 : memref<128x128xf32, #tpu.memory_space<vmem>>) target(%dma_start3A_90 : memref<128x128xf32, #tpu.memory_space<vmem_shared>>) target_semaphore(%arg12 : memref<!tpu.dma_semaphore, #tpu.memory_space<semaphore_mem>>)
    %dma_wait3A_91 = arith.constant 0 : i32
    %dma_wait3A_92 = tpu.memref_slice %arg14[%min3A_1, %dma_wait3A_91] : memref<10240x128xf32, #tpu.memory_space<vmem_shared>> -> memref<128x128xf32, #tpu.memory_space<vmem_shared>>
    %dma_wait3A_93 = arith.constant 0 : i32
    %dma_wait3A_94 = tpu.memref_slice %arg14[%min3A_1, %dma_wait3A_93] : memref<10240x128xf32, #tpu.memory_space<vmem_shared>> -> memref<128x128xf32, #tpu.memory_space<vmem_shared>>
    tpu.wait_dma2 semaphore(%arg12 : memref<!tpu.dma_semaphore, #tpu.memory_space<semaphore_mem>>) src(%arg8 : memref<128x128xf32, #tpu.memory_space<vmem>>) dst(%dma_wait3A_94 : memref<128x128xf32, #tpu.memory_space<vmem_shared>>)
    %dma_wait3A_95 = arith.constant 0 : i32
    %dma_wait3A_96 = tpu.memref_slice %arg14[%min3A_1, %dma_wait3A_95] : memref<10240x128xf32, #tpu.memory_space<vmem_shared>> -> memref<128x128xf32, #tpu.memory_space<vmem_shared>>
    %dma_wait3A_97 = arith.constant 0 : i32
    %dma_wait3A_98 = tpu.memref_slice %arg14[%min3A_1, %dma_wait3A_97] : memref<10240x128xf32, #tpu.memory_space<vmem_shared>> -> memref<128x128xf32, #tpu.memory_space<vmem_shared>>
    tpu.wait_dma2 semaphore(%arg13 : memref<!tpu.dma_semaphore, #tpu.memory_space<semaphore_mem>>) src(%arg9 : memref<128x128xf32, #tpu.memory_space<vmem>>) dst(%dma_wait3A_98 : memref<128x128xf32, #tpu.memory_space<vmem_shared>>)
    %barrier3A = arith.constant 0 : index
    tpu.barrier barrier_id(%barrier3A)
    %eq3A = arith.constant 0 : i32
    %eq3A_99 = arith.cmpi eq, %arg0, %eq3A : i32
    %mul3A_100 = arith.constant 120 : i32
    %mul3A_101 = arith.muli %arg1, %mul3A_100 : i32
    %mul3A_102 = arith.constant 40 : i32
    %mul3A_103 = arith.muli %arg1, %mul3A_102 : i32
    %add3A_104 = arith.constant 1920 : i32
    %add3A_105 = arith.addi %add3A_104, %mul3A_103 : i32
    %select_n3A = arith.select %eq3A_99, %mul3A_101, %add3A_105 : i32
    %eq3A_106 = arith.constant 0 : i32
    %eq3A_107 = arith.cmpi eq, %arg0, %eq3A_106 : i32
    %jit3A = arith.constant 3 : i32
    %jit3A_108 = arith.constant 1 : i32
    %select_n3A_109 = arith.select %eq3A_107, %jit3A, %jit3A_108 : i32
    %gt3A = arith.constant 0 : i32
    %gt3A_110 = arith.cmpi sgt, %select_n3A_109, %gt3A : i32
    %convert_element_type3A = arith.extui %gt3A_110 : i1 to i32
    %cond3A = arith.constant 0 : i32
    %cond3A_111 = arith.cmpi ne, %convert_element_type3A, %cond3A : i32
    scf.if %cond3A_111 {
      %add3A_273 = arith.constant 0 : i32
      %add3A_274 = arith.addi %select_n3A, %add3A_273 : i32
      "tpu.region"() ({
        %run_scoped3A = tpu.sem_alloc : memref<!tpu.dma_semaphore, #tpu.memory_space<semaphore_mem>>
        %dma_start3A_297 = arith.constant 0 : i32
        %dma_start3A_298 = tpu.memref_slice %arg3[%add3A_274, %dma_start3A_297] : memref<2560x128xi32, #tpu.memory_space<hbm>> -> memref<40x128xi32, #tpu.memory_space<hbm>>
        %dma_start3A_299 = arith.constant 0 : i32
        %dma_start3A_300 = tpu.memref_slice %arg3[%add3A_274, %dma_start3A_299] : memref<2560x128xi32, #tpu.memory_space<hbm>> -> memref<40x128xi32, #tpu.memory_space<hbm>>
        tpu.enqueue_dma source(%dma_start3A_300 : memref<40x128xi32, #tpu.memory_space<hbm>>) target(%arg6 : memref<40x128xi32, #tpu.memory_space<vmem>>) target_semaphore(%run_scoped3A : memref<!tpu.dma_semaphore, #tpu.memory_space<semaphore_mem>>)
        %dma_wait3A_301 = arith.constant 0 : i32
        %dma_wait3A_302 = tpu.memref_slice %arg3[%add3A_274, %dma_wait3A_301] : memref<2560x128xi32, #tpu.memory_space<hbm>> -> memref<40x128xi32, #tpu.memory_space<hbm>>
        %dma_wait3A_303 = arith.constant 0 : i32
        %dma_wait3A_304 = tpu.memref_slice %arg3[%add3A_274, %dma_wait3A_303] : memref<2560x128xi32, #tpu.memory_space<hbm>> -> memref<40x128xi32, #tpu.memory_space<hbm>>
        tpu.wait_dma2 semaphore(%run_scoped3A : memref<!tpu.dma_semaphore, #tpu.memory_space<semaphore_mem>>) src(%dma_wait3A_304 : memref<40x128xi32, #tpu.memory_space<hbm>>) dst(%arg6 : memref<40x128xi32, #tpu.memory_space<vmem>>)
        tpu.yield
      }) : () -> ()
      %add3A_275 = arith.constant 0 : i32
      %add3A_276 = arith.addi %select_n3A, %add3A_275 : i32
      "tpu.region"() ({
        %run_scoped3A = tpu.sem_alloc : memref<!tpu.dma_semaphore, #tpu.memory_space<semaphore_mem>>
        %dma_start3A_297 = arith.constant 0 : i32
        %dma_start3A_298 = tpu.memref_slice %arg4[%add3A_276, %dma_start3A_297] : memref<2560x128xi32, #tpu.memory_space<hbm>> -> memref<40x128xi32, #tpu.memory_space<hbm>>
        %dma_start3A_299 = arith.constant 0 : i32
        %dma_start3A_300 = tpu.memref_slice %arg4[%add3A_276, %dma_start3A_299] : memref<2560x128xi32, #tpu.memory_space<hbm>> -> memref<40x128xi32, #tpu.memory_space<hbm>>
        tpu.enqueue_dma source(%dma_start3A_300 : memref<40x128xi32, #tpu.memory_space<hbm>>) target(%arg7 : memref<40x128xi32, #tpu.memory_space<vmem>>) target_semaphore(%run_scoped3A : memref<!tpu.dma_semaphore, #tpu.memory_space<semaphore_mem>>)
        %dma_wait3A_301 = arith.constant 0 : i32
        %dma_wait3A_302 = tpu.memref_slice %arg4[%add3A_276, %dma_wait3A_301] : memref<2560x128xi32, #tpu.memory_space<hbm>> -> memref<40x128xi32, #tpu.memory_space<hbm>>
        %dma_wait3A_303 = arith.constant 0 : i32
        %dma_wait3A_304 = tpu.memref_slice %arg4[%add3A_276, %dma_wait3A_303] : memref<2560x128xi32, #tpu.memory_space<hbm>> -> memref<40x128xi32, #tpu.memory_space<hbm>>
        tpu.wait_dma2 semaphore(%run_scoped3A : memref<!tpu.dma_semaphore, #tpu.memory_space<semaphore_mem>>) src(%dma_wait3A_304 : memref<40x128xi32, #tpu.memory_space<hbm>>) dst(%arg7 : memref<40x128xi32, #tpu.memory_space<vmem>>)
        tpu.yield
      }) : () -> ()
      %dma_start3A_277 = arith.constant 0 : i32
      %dma_start3A_278 = arith.constant 0 : i32
      %dma_start3A_279 = tpu.memref_slice %arg6[%dma_start3A_277, %dma_start3A_278] : memref<40x128xi32, #tpu.memory_space<vmem>> -> memref<1x128xi32, #tpu.memory_space<vmem>>
      %dma_start3A_280 = tpu.memref_squeeze %dma_start3A_279 : memref<1x128xi32, #tpu.memory_space<vmem>> -> memref<128xi32, #tpu.memory_space<vmem>>
      %dma_start3A_281 = arith.constant 0 : i32
      %dma_start3A_282 = arith.constant 0 : i32
      %dma_start3A_283 = tpu.memref_slice %arg2[%dma_start3A_281, %dma_start3A_282] : memref<10240x128xf32, #tpu.memory_space<hbm>> -> memref<10240x128xf32, #tpu.memory_space<hbm>>
      tpu.enqueue_indirect_dma source(%dma_start3A_283 : memref<10240x128xf32, #tpu.memory_space<hbm>>) target(%arg8 : memref<128x128xf32, #tpu.memory_space<vmem>>) offsets(%dma_start3A_280 : memref<128xi32, #tpu.memory_space<vmem>>) semaphore(%arg10 : memref<!tpu.dma_semaphore, #tpu.memory_space<semaphore_mem>>)
      %dma_start3A_284 = arith.constant 1 : i32
      %dma_start3A_285 = arith.constant 0 : i32
      %dma_start3A_286 = tpu.memref_slice %arg6[%dma_start3A_284, %dma_start3A_285] : memref<40x128xi32, #tpu.memory_space<vmem>> -> memref<1x128xi32, #tpu.memory_space<vmem>>
      %dma_start3A_287 = tpu.memref_squeeze %dma_start3A_286 : memref<1x128xi32, #tpu.memory_space<vmem>> -> memref<128xi32, #tpu.memory_space<vmem>>
      %dma_start3A_288 = arith.constant 0 : i32
      %dma_start3A_289 = arith.constant 0 : i32
      %dma_start3A_290 = tpu.memref_slice %arg2[%dma_start3A_288, %dma_start3A_289] : memref<10240x128xf32, #tpu.memory_space<hbm>> -> memref<10240x128xf32, #tpu.memory_space<hbm>>
      tpu.enqueue_indirect_dma source(%dma_start3A_290 : memref<10240x128xf32, #tpu.memory_space<hbm>>) target(%arg9 : memref<128x128xf32, #tpu.memory_space<vmem>>) offsets(%dma_start3A_287 : memref<128xi32, #tpu.memory_space<vmem>>) semaphore(%arg11 : memref<!tpu.dma_semaphore, #tpu.memory_space<semaphore_mem>>)
      %scan3A = arith.constant 0 : i32
      %scan3A_291 = arith.constant 0 : i32
      %scan3A_292 = arith.constant 20 : i32
      %scan3A_293 = arith.addi %scan3A_291, %scan3A_292 : i32
      %scan3A_294 = arith.constant 1 : i32
      %scan3A_295 = scf.for %scan3A_297 = %scan3A_291 to %scan3A_293 step %scan3A_294 iter_args(%scan3A_298 = %scan3A) -> (i32)  : i32 {
        %mul3A_299 = arith.constant 2 : i32
        %mul3A_300 = arith.muli %scan3A_297, %mul3A_299 : i32
        %dma_wait3A_301 = arith.constant 0 : i32
        %dma_wait3A_302 = arith.constant 0 : i32
        %dma_wait3A_303 = tpu.memref_slice %arg6[%dma_wait3A_301, %dma_wait3A_302] : memref<40x128xi32, #tpu.memory_space<vmem>> -> memref<1x128xi32, #tpu.memory_space<vmem>>
        %dma_wait3A_304 = tpu.memref_squeeze %dma_wait3A_303 : memref<1x128xi32, #tpu.memory_space<vmem>> -> memref<128xi32, #tpu.memory_space<vmem>>
        %dma_wait3A_305 = arith.constant 0 : i32
        %dma_wait3A_306 = arith.constant 0 : i32
        %dma_wait3A_307 = tpu.memref_slice %arg2[%dma_wait3A_305, %dma_wait3A_306] : memref<10240x128xf32, #tpu.memory_space<hbm>> -> memref<10240x128xf32, #tpu.memory_space<hbm>>
        tpu.wait_indirect_dma semaphore(%arg10 : memref<!tpu.dma_semaphore, #tpu.memory_space<semaphore_mem>>) src(%dma_wait3A_307 : memref<10240x128xf32, #tpu.memory_space<hbm>>) dst(%arg8 : memref<128x128xf32, #tpu.memory_space<vmem>>)
        %add3A_308 = arith.constant 0 : i32
        %add3A_309 = arith.addi %mul3A_300, %add3A_308 : i32
        %dma_start3A_310 = arith.constant 0 : i32
        %dma_start3A_311 = tpu.memref_slice %arg7[%add3A_309, %dma_start3A_310] : memref<40x128xi32, #tpu.memory_space<vmem>> -> memref<1x128xi32, #tpu.memory_space<vmem>>
        %dma_start3A_312 = tpu.memref_squeeze %dma_start3A_311 : memref<1x128xi32, #tpu.memory_space<vmem>> -> memref<128xi32, #tpu.memory_space<vmem>>
        %dma_start3A_313 = arith.constant 0 : i32
        %dma_start3A_314 = arith.constant 0 : i32
        %dma_start3A_315 = tpu.memref_slice %arg14[%dma_start3A_313, %dma_start3A_314] : memref<10240x128xf32, #tpu.memory_space<vmem_shared>> -> memref<10240x128xf32, #tpu.memory_space<vmem_shared>>
        tpu.enqueue_indirect_dma source(%arg8 : memref<128x128xf32, #tpu.memory_space<vmem>>) target(%dma_start3A_315 : memref<10240x128xf32, #tpu.memory_space<vmem_shared>>) offsets(%dma_start3A_312 : memref<128xi32, #tpu.memory_space<vmem>>) semaphore(%arg12 : memref<!tpu.dma_semaphore, #tpu.memory_space<semaphore_mem>>) {add = true}
        %dma_wait3A_316 = arith.constant 0 : i32
        %dma_wait3A_317 = arith.constant 0 : i32
        %dma_wait3A_318 = tpu.memref_slice %arg6[%dma_wait3A_316, %dma_wait3A_317] : memref<40x128xi32, #tpu.memory_space<vmem>> -> memref<1x128xi32, #tpu.memory_space<vmem>>
        %dma_wait3A_319 = tpu.memref_squeeze %dma_wait3A_318 : memref<1x128xi32, #tpu.memory_space<vmem>> -> memref<128xi32, #tpu.memory_space<vmem>>
        %dma_wait3A_320 = arith.constant 0 : i32
        %dma_wait3A_321 = arith.constant 0 : i32
        %dma_wait3A_322 = tpu.memref_slice %arg2[%dma_wait3A_320, %dma_wait3A_321] : memref<10240x128xf32, #tpu.memory_space<hbm>> -> memref<10240x128xf32, #tpu.memory_space<hbm>>
        tpu.wait_indirect_dma semaphore(%arg11 : memref<!tpu.dma_semaphore, #tpu.memory_space<semaphore_mem>>) src(%dma_wait3A_322 : memref<10240x128xf32, #tpu.memory_space<hbm>>) dst(%arg9 : memref<128x128xf32, #tpu.memory_space<vmem>>)
        %add3A_323 = arith.constant 1 : i32
        %add3A_324 = arith.addi %mul3A_300, %add3A_323 : i32
        %dma_start3A_325 = arith.constant 0 : i32
        %dma_start3A_326 = tpu.memref_slice %arg7[%add3A_324, %dma_start3A_325] : memref<40x128xi32, #tpu.memory_space<vmem>> -> memref<1x128xi32, #tpu.memory_space<vmem>>
        %dma_start3A_327 = tpu.memref_squeeze %dma_start3A_326 : memref<1x128xi32, #tpu.memory_space<vmem>> -> memref<128xi32, #tpu.memory_space<vmem>>
        %dma_start3A_328 = arith.constant 0 : i32
        %dma_start3A_329 = arith.constant 0 : i32
        %dma_start3A_330 = tpu.memref_slice %arg14[%dma_start3A_328, %dma_start3A_329] : memref<10240x128xf32, #tpu.memory_space<vmem_shared>> -> memref<10240x128xf32, #tpu.memory_space<vmem_shared>>
        tpu.enqueue_indirect_dma source(%arg9 : memref<128x128xf32, #tpu.memory_space<vmem>>) target(%dma_start3A_330 : memref<10240x128xf32, #tpu.memory_space<vmem_shared>>) offsets(%dma_start3A_327 : memref<128xi32, #tpu.memory_space<vmem>>) semaphore(%arg13 : memref<!tpu.dma_semaphore, #tpu.memory_space<semaphore_mem>>) {add = true}
        %dma_wait3A_331 = arith.constant 0 : i32
        %dma_wait3A_332 = arith.constant 0 : i32
        %dma_wait3A_333 = tpu.memref_slice %arg7[%dma_wait3A_331, %dma_wait3A_332] : memref<40x128xi32, #tpu.memory_space<vmem>> -> memref<1x128xi32, #tpu.memory_space<vmem>>
        %dma_wait3A_334 = tpu.memref_squeeze %dma_wait3A_333 : memref<1x128xi32, #tpu.memory_space<vmem>> -> memref<128xi32, #tpu.memory_space<vmem>>
        %dma_wait3A_335 = arith.constant 0 : i32
        %dma_wait3A_336 = arith.constant 0 : i32
        %dma_wait3A_337 = tpu.memref_slice %arg14[%dma_wait3A_335, %dma_wait3A_336] : memref<10240x128xf32, #tpu.memory_space<vmem_shared>> -> memref<10240x128xf32, #tpu.memory_space<vmem_shared>>
        tpu.wait_indirect_dma semaphore(%arg12 : memref<!tpu.dma_semaphore, #tpu.memory_space<semaphore_mem>>) src(%arg8 : memref<128x128xf32, #tpu.memory_space<vmem>>) dst(%dma_wait3A_337 : memref<10240x128xf32, #tpu.memory_space<vmem_shared>>)
        %lt3A = arith.constant 19 : i32
        %lt3A_338 = arith.cmpi slt, %scan3A_297, %lt3A : i32
        %convert_element_type3A_339 = arith.extui %lt3A_338 : i1 to i32
        %cond3A_340 = arith.constant 0 : i32
        %cond3A_341 = arith.cmpi ne, %convert_element_type3A_339, %cond3A_340 : i32
        scf.if %cond3A_341 {
          %add3A_355 = arith.constant 2 : i32
          %add3A_356 = arith.addi %mul3A_300, %add3A_355 : i32
          %add3A_357 = arith.constant 0 : i32
          %add3A_358 = arith.addi %add3A_356, %add3A_357 : i32
          %dma_start3A_359 = arith.constant 0 : i32
          %dma_start3A_360 = tpu.memref_slice %arg6[%add3A_358, %dma_start3A_359] : memref<40x128xi32, #tpu.memory_space<vmem>> -> memref<1x128xi32, #tpu.memory_space<vmem>>
          %dma_start3A_361 = tpu.memref_squeeze %dma_start3A_360 : memref<1x128xi32, #tpu.memory_space<vmem>> -> memref<128xi32, #tpu.memory_space<vmem>>
          %dma_start3A_362 = arith.constant 0 : i32
          %dma_start3A_363 = arith.constant 0 : i32
          %dma_start3A_364 = tpu.memref_slice %arg2[%dma_start3A_362, %dma_start3A_363] : memref<10240x128xf32, #tpu.memory_space<hbm>> -> memref<10240x128xf32, #tpu.memory_space<hbm>>
          tpu.enqueue_indirect_dma source(%dma_start3A_364 : memref<10240x128xf32, #tpu.memory_space<hbm>>) target(%arg8 : memref<128x128xf32, #tpu.memory_space<vmem>>) offsets(%dma_start3A_361 : memref<128xi32, #tpu.memory_space<vmem>>) semaphore(%arg10 : memref<!tpu.dma_semaphore, #tpu.memory_space<semaphore_mem>>)
        } else {
        }
        %dma_wait3A_342 = arith.constant 0 : i32
        %dma_wait3A_343 = arith.constant 0 : i32
        %dma_wait3A_344 = tpu.memref_slice %arg7[%dma_wait3A_342, %dma_wait3A_343] : memref<40x128xi32, #tpu.memory_space<vmem>> -> memref<1x128xi32, #tpu.memory_space<vmem>>
        %dma_wait3A_345 = tpu.memref_squeeze %dma_wait3A_344 : memref<1x128xi32, #tpu.memory_space<vmem>> -> memref<128xi32, #tpu.memory_space<vmem>>
        %dma_wait3A_346 = arith.constant 0 : i32
        %dma_wait3A_347 = arith.constant 0 : i32
        %dma_wait3A_348 = tpu.memref_slice %arg14[%dma_wait3A_346, %dma_wait3A_347] : memref<10240x128xf32, #tpu.memory_space<vmem_shared>> -> memref<10240x128xf32, #tpu.memory_space<vmem_shared>>
        tpu.wait_indirect_dma semaphore(%arg13 : memref<!tpu.dma_semaphore, #tpu.memory_space<semaphore_mem>>) src(%arg9 : memref<128x128xf32, #tpu.memory_space<vmem>>) dst(%dma_wait3A_348 : memref<10240x128xf32, #tpu.memory_space<vmem_shared>>)
        %lt3A_349 = arith.constant 19 : i32
        %lt3A_350 = arith.cmpi slt, %scan3A_297, %lt3A_349 : i32
        %convert_element_type3A_351 = arith.extui %lt3A_350 : i1 to i32
        %cond3A_352 = arith.constant 0 : i32
        %cond3A_353 = arith.cmpi ne, %convert_element_type3A_351, %cond3A_352 : i32
        scf.if %cond3A_353 {
          %add3A_355 = arith.constant 2 : i32
          %add3A_356 = arith.addi %mul3A_300, %add3A_355 : i32
          %add3A_357 = arith.constant 1 : i32
          %add3A_358 = arith.addi %add3A_356, %add3A_357 : i32
          %dma_start3A_359 = arith.constant 0 : i32
          %dma_start3A_360 = tpu.memref_slice %arg6[%add3A_358, %dma_start3A_359] : memref<40x128xi32, #tpu.memory_space<vmem>> -> memref<1x128xi32, #tpu.memory_space<vmem>>
          %dma_start3A_361 = tpu.memref_squeeze %dma_start3A_360 : memref<1x128xi32, #tpu.memory_space<vmem>> -> memref<128xi32, #tpu.memory_space<vmem>>
          %dma_start3A_362 = arith.constant 0 : i32
          %dma_start3A_363 = arith.constant 0 : i32
          %dma_start3A_364 = tpu.memref_slice %arg2[%dma_start3A_362, %dma_start3A_363] : memref<10240x128xf32, #tpu.memory_space<hbm>> -> memref<10240x128xf32, #tpu.memory_space<hbm>>
          tpu.enqueue_indirect_dma source(%dma_start3A_364 : memref<10240x128xf32, #tpu.memory_space<hbm>>) target(%arg9 : memref<128x128xf32, #tpu.memory_space<vmem>>) offsets(%dma_start3A_361 : memref<128xi32, #tpu.memory_space<vmem>>) semaphore(%arg11 : memref<!tpu.dma_semaphore, #tpu.memory_space<semaphore_mem>>)
        } else {
        }
        %scan3A_354 = arith.constant 0 : i32
        scf.yield %scan3A_354 : i32
      }
      %scan3A_296 = arith.constant 20 : i32
    } else {
    }
    %gt3A_112 = arith.constant 1 : i32
    %gt3A_113 = arith.cmpi sgt, %select_n3A_109, %gt3A_112 : i32
    %convert_element_type3A_114 = arith.extui %gt3A_113 : i1 to i32
    %cond3A_115 = arith.constant 0 : i32
    %cond3A_116 = arith.cmpi ne, %convert_element_type3A_114, %cond3A_115 : i32
    scf.if %cond3A_116 {
      %add3A_273 = arith.constant 40 : i32
      %add3A_274 = arith.addi %select_n3A, %add3A_273 : i32
      "tpu.region"() ({
        %run_scoped3A = tpu.sem_alloc : memref<!tpu.dma_semaphore, #tpu.memory_space<semaphore_mem>>
        %dma_start3A_297 = arith.constant 0 : i32
        %dma_start3A_298 = tpu.memref_slice %arg3[%add3A_274, %dma_start3A_297] : memref<2560x128xi32, #tpu.memory_space<hbm>> -> memref<40x128xi32, #tpu.memory_space<hbm>>
        %dma_start3A_299 = arith.constant 0 : i32
        %dma_start3A_300 = tpu.memref_slice %arg3[%add3A_274, %dma_start3A_299] : memref<2560x128xi32, #tpu.memory_space<hbm>> -> memref<40x128xi32, #tpu.memory_space<hbm>>
        tpu.enqueue_dma source(%dma_start3A_300 : memref<40x128xi32, #tpu.memory_space<hbm>>) target(%arg6 : memref<40x128xi32, #tpu.memory_space<vmem>>) target_semaphore(%run_scoped3A : memref<!tpu.dma_semaphore, #tpu.memory_space<semaphore_mem>>)
        %dma_wait3A_301 = arith.constant 0 : i32
        %dma_wait3A_302 = tpu.memref_slice %arg3[%add3A_274, %dma_wait3A_301] : memref<2560x128xi32, #tpu.memory_space<hbm>> -> memref<40x128xi32, #tpu.memory_space<hbm>>
        %dma_wait3A_303 = arith.constant 0 : i32
        %dma_wait3A_304 = tpu.memref_slice %arg3[%add3A_274, %dma_wait3A_303] : memref<2560x128xi32, #tpu.memory_space<hbm>> -> memref<40x128xi32, #tpu.memory_space<hbm>>
        tpu.wait_dma2 semaphore(%run_scoped3A : memref<!tpu.dma_semaphore, #tpu.memory_space<semaphore_mem>>) src(%dma_wait3A_304 : memref<40x128xi32, #tpu.memory_space<hbm>>) dst(%arg6 : memref<40x128xi32, #tpu.memory_space<vmem>>)
        tpu.yield
      }) : () -> ()
      %add3A_275 = arith.constant 40 : i32
      %add3A_276 = arith.addi %select_n3A, %add3A_275 : i32
      "tpu.region"() ({
        %run_scoped3A = tpu.sem_alloc : memref<!tpu.dma_semaphore, #tpu.memory_space<semaphore_mem>>
        %dma_start3A_297 = arith.constant 0 : i32
        %dma_start3A_298 = tpu.memref_slice %arg4[%add3A_276, %dma_start3A_297] : memref<2560x128xi32, #tpu.memory_space<hbm>> -> memref<40x128xi32, #tpu.memory_space<hbm>>
        %dma_start3A_299 = arith.constant 0 : i32
        %dma_start3A_300 = tpu.memref_slice %arg4[%add3A_276, %dma_start3A_299] : memref<2560x128xi32, #tpu.memory_space<hbm>> -> memref<40x128xi32, #tpu.memory_space<hbm>>
        tpu.enqueue_dma source(%dma_start3A_300 : memref<40x128xi32, #tpu.memory_space<hbm>>) target(%arg7 : memref<40x128xi32, #tpu.memory_space<vmem>>) target_semaphore(%run_scoped3A : memref<!tpu.dma_semaphore, #tpu.memory_space<semaphore_mem>>)
        %dma_wait3A_301 = arith.constant 0 : i32
        %dma_wait3A_302 = tpu.memref_slice %arg4[%add3A_276, %dma_wait3A_301] : memref<2560x128xi32, #tpu.memory_space<hbm>> -> memref<40x128xi32, #tpu.memory_space<hbm>>
        %dma_wait3A_303 = arith.constant 0 : i32
        %dma_wait3A_304 = tpu.memref_slice %arg4[%add3A_276, %dma_wait3A_303] : memref<2560x128xi32, #tpu.memory_space<hbm>> -> memref<40x128xi32, #tpu.memory_space<hbm>>
        tpu.wait_dma2 semaphore(%run_scoped3A : memref<!tpu.dma_semaphore, #tpu.memory_space<semaphore_mem>>) src(%dma_wait3A_304 : memref<40x128xi32, #tpu.memory_space<hbm>>) dst(%arg7 : memref<40x128xi32, #tpu.memory_space<vmem>>)
        tpu.yield
      }) : () -> ()
      %dma_start3A_277 = arith.constant 0 : i32
      %dma_start3A_278 = arith.constant 0 : i32
      %dma_start3A_279 = tpu.memref_slice %arg6[%dma_start3A_277, %dma_start3A_278] : memref<40x128xi32, #tpu.memory_space<vmem>> -> memref<1x128xi32, #tpu.memory_space<vmem>>
      %dma_start3A_280 = tpu.memref_squeeze %dma_start3A_279 : memref<1x128xi32, #tpu.memory_space<vmem>> -> memref<128xi32, #tpu.memory_space<vmem>>
      %dma_start3A_281 = arith.constant 0 : i32
      %dma_start3A_282 = arith.constant 0 : i32
      %dma_start3A_283 = tpu.memref_slice %arg2[%dma_start3A_281, %dma_start3A_282] : memref<10240x128xf32, #tpu.memory_space<hbm>> -> memref<10240x128xf32, #tpu.memory_space<hbm>>
      tpu.enqueue_indirect_dma source(%dma_start3A_283 : memref<10240x128xf32, #tpu.memory_space<hbm>>) target(%arg8 : memref<128x128xf32, #tpu.memory_space<vmem>>) offsets(%dma_start3A_280 : memref<128xi32, #tpu.memory_space<vmem>>) semaphore(%arg10 : memref<!tpu.dma_semaphore, #tpu.memory_space<semaphore_mem>>)
      %dma_start3A_284 = arith.constant 1 : i32
      %dma_start3A_285 = arith.constant 0 : i32
      %dma_start3A_286 = tpu.memref_slice %arg6[%dma_start3A_284, %dma_start3A_285] : memref<40x128xi32, #tpu.memory_space<vmem>> -> memref<1x128xi32, #tpu.memory_space<vmem>>
      %dma_start3A_287 = tpu.memref_squeeze %dma_start3A_286 : memref<1x128xi32, #tpu.memory_space<vmem>> -> memref<128xi32, #tpu.memory_space<vmem>>
      %dma_start3A_288 = arith.constant 0 : i32
      %dma_start3A_289 = arith.constant 0 : i32
      %dma_start3A_290 = tpu.memref_slice %arg2[%dma_start3A_288, %dma_start3A_289] : memref<10240x128xf32, #tpu.memory_space<hbm>> -> memref<10240x128xf32, #tpu.memory_space<hbm>>
      tpu.enqueue_indirect_dma source(%dma_start3A_290 : memref<10240x128xf32, #tpu.memory_space<hbm>>) target(%arg9 : memref<128x128xf32, #tpu.memory_space<vmem>>) offsets(%dma_start3A_287 : memref<128xi32, #tpu.memory_space<vmem>>) semaphore(%arg11 : memref<!tpu.dma_semaphore, #tpu.memory_space<semaphore_mem>>)
      %scan3A = arith.constant 0 : i32
      %scan3A_291 = arith.constant 0 : i32
      %scan3A_292 = arith.constant 20 : i32
      %scan3A_293 = arith.addi %scan3A_291, %scan3A_292 : i32
      %scan3A_294 = arith.constant 1 : i32
      %scan3A_295 = scf.for %scan3A_297 = %scan3A_291 to %scan3A_293 step %scan3A_294 iter_args(%scan3A_298 = %scan3A) -> (i32)  : i32 {
        %mul3A_299 = arith.constant 2 : i32
        %mul3A_300 = arith.muli %scan3A_297, %mul3A_299 : i32
        %dma_wait3A_301 = arith.constant 0 : i32
        %dma_wait3A_302 = arith.constant 0 : i32
        %dma_wait3A_303 = tpu.memref_slice %arg6[%dma_wait3A_301, %dma_wait3A_302] : memref<40x128xi32, #tpu.memory_space<vmem>> -> memref<1x128xi32, #tpu.memory_space<vmem>>
        %dma_wait3A_304 = tpu.memref_squeeze %dma_wait3A_303 : memref<1x128xi32, #tpu.memory_space<vmem>> -> memref<128xi32, #tpu.memory_space<vmem>>
        %dma_wait3A_305 = arith.constant 0 : i32
        %dma_wait3A_306 = arith.constant 0 : i32
        %dma_wait3A_307 = tpu.memref_slice %arg2[%dma_wait3A_305, %dma_wait3A_306] : memref<10240x128xf32, #tpu.memory_space<hbm>> -> memref<10240x128xf32, #tpu.memory_space<hbm>>
        tpu.wait_indirect_dma semaphore(%arg10 : memref<!tpu.dma_semaphore, #tpu.memory_space<semaphore_mem>>) src(%dma_wait3A_307 : memref<10240x128xf32, #tpu.memory_space<hbm>>) dst(%arg8 : memref<128x128xf32, #tpu.memory_space<vmem>>)
        %add3A_308 = arith.constant 0 : i32
        %add3A_309 = arith.addi %mul3A_300, %add3A_308 : i32
        %dma_start3A_310 = arith.constant 0 : i32
        %dma_start3A_311 = tpu.memref_slice %arg7[%add3A_309, %dma_start3A_310] : memref<40x128xi32, #tpu.memory_space<vmem>> -> memref<1x128xi32, #tpu.memory_space<vmem>>
        %dma_start3A_312 = tpu.memref_squeeze %dma_start3A_311 : memref<1x128xi32, #tpu.memory_space<vmem>> -> memref<128xi32, #tpu.memory_space<vmem>>
        %dma_start3A_313 = arith.constant 0 : i32
        %dma_start3A_314 = arith.constant 0 : i32
        %dma_start3A_315 = tpu.memref_slice %arg14[%dma_start3A_313, %dma_start3A_314] : memref<10240x128xf32, #tpu.memory_space<vmem_shared>> -> memref<10240x128xf32, #tpu.memory_space<vmem_shared>>
        tpu.enqueue_indirect_dma source(%arg8 : memref<128x128xf32, #tpu.memory_space<vmem>>) target(%dma_start3A_315 : memref<10240x128xf32, #tpu.memory_space<vmem_shared>>) offsets(%dma_start3A_312 : memref<128xi32, #tpu.memory_space<vmem>>) semaphore(%arg12 : memref<!tpu.dma_semaphore, #tpu.memory_space<semaphore_mem>>) {add = true}
        %dma_wait3A_316 = arith.constant 0 : i32
        %dma_wait3A_317 = arith.constant 0 : i32
        %dma_wait3A_318 = tpu.memref_slice %arg6[%dma_wait3A_316, %dma_wait3A_317] : memref<40x128xi32, #tpu.memory_space<vmem>> -> memref<1x128xi32, #tpu.memory_space<vmem>>
        %dma_wait3A_319 = tpu.memref_squeeze %dma_wait3A_318 : memref<1x128xi32, #tpu.memory_space<vmem>> -> memref<128xi32, #tpu.memory_space<vmem>>
        %dma_wait3A_320 = arith.constant 0 : i32
        %dma_wait3A_321 = arith.constant 0 : i32
        %dma_wait3A_322 = tpu.memref_slice %arg2[%dma_wait3A_320, %dma_wait3A_321] : memref<10240x128xf32, #tpu.memory_space<hbm>> -> memref<10240x128xf32, #tpu.memory_space<hbm>>
        tpu.wait_indirect_dma semaphore(%arg11 : memref<!tpu.dma_semaphore, #tpu.memory_space<semaphore_mem>>) src(%dma_wait3A_322 : memref<10240x128xf32, #tpu.memory_space<hbm>>) dst(%arg9 : memref<128x128xf32, #tpu.memory_space<vmem>>)
        %add3A_323 = arith.constant 1 : i32
        %add3A_324 = arith.addi %mul3A_300, %add3A_323 : i32
        %dma_start3A_325 = arith.constant 0 : i32
        %dma_start3A_326 = tpu.memref_slice %arg7[%add3A_324, %dma_start3A_325] : memref<40x128xi32, #tpu.memory_space<vmem>> -> memref<1x128xi32, #tpu.memory_space<vmem>>
        %dma_start3A_327 = tpu.memref_squeeze %dma_start3A_326 : memref<1x128xi32, #tpu.memory_space<vmem>> -> memref<128xi32, #tpu.memory_space<vmem>>
        %dma_start3A_328 = arith.constant 0 : i32
        %dma_start3A_329 = arith.constant 0 : i32
        %dma_start3A_330 = tpu.memref_slice %arg14[%dma_start3A_328, %dma_start3A_329] : memref<10240x128xf32, #tpu.memory_space<vmem_shared>> -> memref<10240x128xf32, #tpu.memory_space<vmem_shared>>
        tpu.enqueue_indirect_dma source(%arg9 : memref<128x128xf32, #tpu.memory_space<vmem>>) target(%dma_start3A_330 : memref<10240x128xf32, #tpu.memory_space<vmem_shared>>) offsets(%dma_start3A_327 : memref<128xi32, #tpu.memory_space<vmem>>) semaphore(%arg13 : memref<!tpu.dma_semaphore, #tpu.memory_space<semaphore_mem>>) {add = true}
        %dma_wait3A_331 = arith.constant 0 : i32
        %dma_wait3A_332 = arith.constant 0 : i32
        %dma_wait3A_333 = tpu.memref_slice %arg7[%dma_wait3A_331, %dma_wait3A_332] : memref<40x128xi32, #tpu.memory_space<vmem>> -> memref<1x128xi32, #tpu.memory_space<vmem>>
        %dma_wait3A_334 = tpu.memref_squeeze %dma_wait3A_333 : memref<1x128xi32, #tpu.memory_space<vmem>> -> memref<128xi32, #tpu.memory_space<vmem>>
        %dma_wait3A_335 = arith.constant 0 : i32
        %dma_wait3A_336 = arith.constant 0 : i32
        %dma_wait3A_337 = tpu.memref_slice %arg14[%dma_wait3A_335, %dma_wait3A_336] : memref<10240x128xf32, #tpu.memory_space<vmem_shared>> -> memref<10240x128xf32, #tpu.memory_space<vmem_shared>>
        tpu.wait_indirect_dma semaphore(%arg12 : memref<!tpu.dma_semaphore, #tpu.memory_space<semaphore_mem>>) src(%arg8 : memref<128x128xf32, #tpu.memory_space<vmem>>) dst(%dma_wait3A_337 : memref<10240x128xf32, #tpu.memory_space<vmem_shared>>)
        %lt3A = arith.constant 19 : i32
        %lt3A_338 = arith.cmpi slt, %scan3A_297, %lt3A : i32
        %convert_element_type3A_339 = arith.extui %lt3A_338 : i1 to i32
        %cond3A_340 = arith.constant 0 : i32
        %cond3A_341 = arith.cmpi ne, %convert_element_type3A_339, %cond3A_340 : i32
        scf.if %cond3A_341 {
          %add3A_355 = arith.constant 2 : i32
          %add3A_356 = arith.addi %mul3A_300, %add3A_355 : i32
          %add3A_357 = arith.constant 0 : i32
          %add3A_358 = arith.addi %add3A_356, %add3A_357 : i32
          %dma_start3A_359 = arith.constant 0 : i32
          %dma_start3A_360 = tpu.memref_slice %arg6[%add3A_358, %dma_start3A_359] : memref<40x128xi32, #tpu.memory_space<vmem>> -> memref<1x128xi32, #tpu.memory_space<vmem>>
          %dma_start3A_361 = tpu.memref_squeeze %dma_start3A_360 : memref<1x128xi32, #tpu.memory_space<vmem>> -> memref<128xi32, #tpu.memory_space<vmem>>
          %dma_start3A_362 = arith.constant 0 : i32
          %dma_start3A_363 = arith.constant 0 : i32
          %dma_start3A_364 = tpu.memref_slice %arg2[%dma_start3A_362, %dma_start3A_363] : memref<10240x128xf32, #tpu.memory_space<hbm>> -> memref<10240x128xf32, #tpu.memory_space<hbm>>
          tpu.enqueue_indirect_dma source(%dma_start3A_364 : memref<10240x128xf32, #tpu.memory_space<hbm>>) target(%arg8 : memref<128x128xf32, #tpu.memory_space<vmem>>) offsets(%dma_start3A_361 : memref<128xi32, #tpu.memory_space<vmem>>) semaphore(%arg10 : memref<!tpu.dma_semaphore, #tpu.memory_space<semaphore_mem>>)
        } else {
        }
        %dma_wait3A_342 = arith.constant 0 : i32
        %dma_wait3A_343 = arith.constant 0 : i32
        %dma_wait3A_344 = tpu.memref_slice %arg7[%dma_wait3A_342, %dma_wait3A_343] : memref<40x128xi32, #tpu.memory_space<vmem>> -> memref<1x128xi32, #tpu.memory_space<vmem>>
        %dma_wait3A_345 = tpu.memref_squeeze %dma_wait3A_344 : memref<1x128xi32, #tpu.memory_space<vmem>> -> memref<128xi32, #tpu.memory_space<vmem>>
        %dma_wait3A_346 = arith.constant 0 : i32
        %dma_wait3A_347 = arith.constant 0 : i32
        %dma_wait3A_348 = tpu.memref_slice %arg14[%dma_wait3A_346, %dma_wait3A_347] : memref<10240x128xf32, #tpu.memory_space<vmem_shared>> -> memref<10240x128xf32, #tpu.memory_space<vmem_shared>>
        tpu.wait_indirect_dma semaphore(%arg13 : memref<!tpu.dma_semaphore, #tpu.memory_space<semaphore_mem>>) src(%arg9 : memref<128x128xf32, #tpu.memory_space<vmem>>) dst(%dma_wait3A_348 : memref<10240x128xf32, #tpu.memory_space<vmem_shared>>)
        %lt3A_349 = arith.constant 19 : i32
        %lt3A_350 = arith.cmpi slt, %scan3A_297, %lt3A_349 : i32
        %convert_element_type3A_351 = arith.extui %lt3A_350 : i1 to i32
        %cond3A_352 = arith.constant 0 : i32
        %cond3A_353 = arith.cmpi ne, %convert_element_type3A_351, %cond3A_352 : i32
        scf.if %cond3A_353 {
          %add3A_355 = arith.constant 2 : i32
          %add3A_356 = arith.addi %mul3A_300, %add3A_355 : i32
          %add3A_357 = arith.constant 1 : i32
          %add3A_358 = arith.addi %add3A_356, %add3A_357 : i32
          %dma_start3A_359 = arith.constant 0 : i32
          %dma_start3A_360 = tpu.memref_slice %arg6[%add3A_358, %dma_start3A_359] : memref<40x128xi32, #tpu.memory_space<vmem>> -> memref<1x128xi32, #tpu.memory_space<vmem>>
          %dma_start3A_361 = tpu.memref_squeeze %dma_start3A_360 : memref<1x128xi32, #tpu.memory_space<vmem>> -> memref<128xi32, #tpu.memory_space<vmem>>
          %dma_start3A_362 = arith.constant 0 : i32
          %dma_start3A_363 = arith.constant 0 : i32
          %dma_start3A_364 = tpu.memref_slice %arg2[%dma_start3A_362, %dma_start3A_363] : memref<10240x128xf32, #tpu.memory_space<hbm>> -> memref<10240x128xf32, #tpu.memory_space<hbm>>
          tpu.enqueue_indirect_dma source(%dma_start3A_364 : memref<10240x128xf32, #tpu.memory_space<hbm>>) target(%arg9 : memref<128x128xf32, #tpu.memory_space<vmem>>) offsets(%dma_start3A_361 : memref<128xi32, #tpu.memory_space<vmem>>) semaphore(%arg11 : memref<!tpu.dma_semaphore, #tpu.memory_space<semaphore_mem>>)
        } else {
        }
        %scan3A_354 = arith.constant 0 : i32
        scf.yield %scan3A_354 : i32
      }
      %scan3A_296 = arith.constant 20 : i32
    } else {
    }
    %gt3A_117 = arith.constant 2 : i32
    %gt3A_118 = arith.cmpi sgt, %select_n3A_109, %gt3A_117 : i32
    %convert_element_type3A_119 = arith.extui %gt3A_118 : i1 to i32
    %cond3A_120 = arith.constant 0 : i32
    %cond3A_121 = arith.cmpi ne, %convert_element_type3A_119, %cond3A_120 : i32
    scf.if %cond3A_121 {
      %add3A_273 = arith.constant 80 : i32
      %add3A_274 = arith.addi %select_n3A, %add3A_273 : i32
      "tpu.region"() ({
        %run_scoped3A = tpu.sem_alloc : memref<!tpu.dma_semaphore, #tpu.memory_space<semaphore_mem>>
        %dma_start3A_297 = arith.constant 0 : i32
        %dma_start3A_298 = tpu.memref_slice %arg3[%add3A_274, %dma_start3A_297] : memref<2560x128xi32, #tpu.memory_space<hbm>> -> memref<40x128xi32, #tpu.memory_space<hbm>>
        %dma_start3A_299 = arith.constant 0 : i32
        %dma_start3A_300 = tpu.memref_slice %arg3[%add3A_274, %dma_start3A_299] : memref<2560x128xi32, #tpu.memory_space<hbm>> -> memref<40x128xi32, #tpu.memory_space<hbm>>
        tpu.enqueue_dma source(%dma_start3A_300 : memref<40x128xi32, #tpu.memory_space<hbm>>) target(%arg6 : memref<40x128xi32, #tpu.memory_space<vmem>>) target_semaphore(%run_scoped3A : memref<!tpu.dma_semaphore, #tpu.memory_space<semaphore_mem>>)
        %dma_wait3A_301 = arith.constant 0 : i32
        %dma_wait3A_302 = tpu.memref_slice %arg3[%add3A_274, %dma_wait3A_301] : memref<2560x128xi32, #tpu.memory_space<hbm>> -> memref<40x128xi32, #tpu.memory_space<hbm>>
        %dma_wait3A_303 = arith.constant 0 : i32
        %dma_wait3A_304 = tpu.memref_slice %arg3[%add3A_274, %dma_wait3A_303] : memref<2560x128xi32, #tpu.memory_space<hbm>> -> memref<40x128xi32, #tpu.memory_space<hbm>>
        tpu.wait_dma2 semaphore(%run_scoped3A : memref<!tpu.dma_semaphore, #tpu.memory_space<semaphore_mem>>) src(%dma_wait3A_304 : memref<40x128xi32, #tpu.memory_space<hbm>>) dst(%arg6 : memref<40x128xi32, #tpu.memory_space<vmem>>)
        tpu.yield
      }) : () -> ()
      %add3A_275 = arith.constant 80 : i32
      %add3A_276 = arith.addi %select_n3A, %add3A_275 : i32
      "tpu.region"() ({
        %run_scoped3A = tpu.sem_alloc : memref<!tpu.dma_semaphore, #tpu.memory_space<semaphore_mem>>
        %dma_start3A_297 = arith.constant 0 : i32
        %dma_start3A_298 = tpu.memref_slice %arg4[%add3A_276, %dma_start3A_297] : memref<2560x128xi32, #tpu.memory_space<hbm>> -> memref<40x128xi32, #tpu.memory_space<hbm>>
        %dma_start3A_299 = arith.constant 0 : i32
        %dma_start3A_300 = tpu.memref_slice %arg4[%add3A_276, %dma_start3A_299] : memref<2560x128xi32, #tpu.memory_space<hbm>> -> memref<40x128xi32, #tpu.memory_space<hbm>>
        tpu.enqueue_dma source(%dma_start3A_300 : memref<40x128xi32, #tpu.memory_space<hbm>>) target(%arg7 : memref<40x128xi32, #tpu.memory_space<vmem>>) target_semaphore(%run_scoped3A : memref<!tpu.dma_semaphore, #tpu.memory_space<semaphore_mem>>)
        %dma_wait3A_301 = arith.constant 0 : i32
        %dma_wait3A_302 = tpu.memref_slice %arg4[%add3A_276, %dma_wait3A_301] : memref<2560x128xi32, #tpu.memory_space<hbm>> -> memref<40x128xi32, #tpu.memory_space<hbm>>
        %dma_wait3A_303 = arith.constant 0 : i32
        %dma_wait3A_304 = tpu.memref_slice %arg4[%add3A_276, %dma_wait3A_303] : memref<2560x128xi32, #tpu.memory_space<hbm>> -> memref<40x128xi32, #tpu.memory_space<hbm>>
        tpu.wait_dma2 semaphore(%run_scoped3A : memref<!tpu.dma_semaphore, #tpu.memory_space<semaphore_mem>>) src(%dma_wait3A_304 : memref<40x128xi32, #tpu.memory_space<hbm>>) dst(%arg7 : memref<40x128xi32, #tpu.memory_space<vmem>>)
        tpu.yield
      }) : () -> ()
      %dma_start3A_277 = arith.constant 0 : i32
      %dma_start3A_278 = arith.constant 0 : i32
      %dma_start3A_279 = tpu.memref_slice %arg6[%dma_start3A_277, %dma_start3A_278] : memref<40x128xi32, #tpu.memory_space<vmem>> -> memref<1x128xi32, #tpu.memory_space<vmem>>
      %dma_start3A_280 = tpu.memref_squeeze %dma_start3A_279 : memref<1x128xi32, #tpu.memory_space<vmem>> -> memref<128xi32, #tpu.memory_space<vmem>>
      %dma_start3A_281 = arith.constant 0 : i32
      %dma_start3A_282 = arith.constant 0 : i32
      %dma_start3A_283 = tpu.memref_slice %arg2[%dma_start3A_281, %dma_start3A_282] : memref<10240x128xf32, #tpu.memory_space<hbm>> -> memref<10240x128xf32, #tpu.memory_space<hbm>>
      tpu.enqueue_indirect_dma source(%dma_start3A_283 : memref<10240x128xf32, #tpu.memory_space<hbm>>) target(%arg8 : memref<128x128xf32, #tpu.memory_space<vmem>>) offsets(%dma_start3A_280 : memref<128xi32, #tpu.memory_space<vmem>>) semaphore(%arg10 : memref<!tpu.dma_semaphore, #tpu.memory_space<semaphore_mem>>)
      %dma_start3A_284 = arith.constant 1 : i32
      %dma_start3A_285 = arith.constant 0 : i32
      %dma_start3A_286 = tpu.memref_slice %arg6[%dma_start3A_284, %dma_start3A_285] : memref<40x128xi32, #tpu.memory_space<vmem>> -> memref<1x128xi32, #tpu.memory_space<vmem>>
      %dma_start3A_287 = tpu.memref_squeeze %dma_start3A_286 : memref<1x128xi32, #tpu.memory_space<vmem>> -> memref<128xi32, #tpu.memory_space<vmem>>
      %dma_start3A_288 = arith.constant 0 : i32
      %dma_start3A_289 = arith.constant 0 : i32
      %dma_start3A_290 = tpu.memref_slice %arg2[%dma_start3A_288, %dma_start3A_289] : memref<10240x128xf32, #tpu.memory_space<hbm>> -> memref<10240x128xf32, #tpu.memory_space<hbm>>
      tpu.enqueue_indirect_dma source(%dma_start3A_290 : memref<10240x128xf32, #tpu.memory_space<hbm>>) target(%arg9 : memref<128x128xf32, #tpu.memory_space<vmem>>) offsets(%dma_start3A_287 : memref<128xi32, #tpu.memory_space<vmem>>) semaphore(%arg11 : memref<!tpu.dma_semaphore, #tpu.memory_space<semaphore_mem>>)
      %scan3A = arith.constant 0 : i32
      %scan3A_291 = arith.constant 0 : i32
      %scan3A_292 = arith.constant 20 : i32
      %scan3A_293 = arith.addi %scan3A_291, %scan3A_292 : i32
      %scan3A_294 = arith.constant 1 : i32
      %scan3A_295 = scf.for %scan3A_297 = %scan3A_291 to %scan3A_293 step %scan3A_294 iter_args(%scan3A_298 = %scan3A) -> (i32)  : i32 {
        %mul3A_299 = arith.constant 2 : i32
        %mul3A_300 = arith.muli %scan3A_297, %mul3A_299 : i32
        %dma_wait3A_301 = arith.constant 0 : i32
        %dma_wait3A_302 = arith.constant 0 : i32
        %dma_wait3A_303 = tpu.memref_slice %arg6[%dma_wait3A_301, %dma_wait3A_302] : memref<40x128xi32, #tpu.memory_space<vmem>> -> memref<1x128xi32, #tpu.memory_space<vmem>>
        %dma_wait3A_304 = tpu.memref_squeeze %dma_wait3A_303 : memref<1x128xi32, #tpu.memory_space<vmem>> -> memref<128xi32, #tpu.memory_space<vmem>>
        %dma_wait3A_305 = arith.constant 0 : i32
        %dma_wait3A_306 = arith.constant 0 : i32
        %dma_wait3A_307 = tpu.memref_slice %arg2[%dma_wait3A_305, %dma_wait3A_306] : memref<10240x128xf32, #tpu.memory_space<hbm>> -> memref<10240x128xf32, #tpu.memory_space<hbm>>
        tpu.wait_indirect_dma semaphore(%arg10 : memref<!tpu.dma_semaphore, #tpu.memory_space<semaphore_mem>>) src(%dma_wait3A_307 : memref<10240x128xf32, #tpu.memory_space<hbm>>) dst(%arg8 : memref<128x128xf32, #tpu.memory_space<vmem>>)
        %add3A_308 = arith.constant 0 : i32
        %add3A_309 = arith.addi %mul3A_300, %add3A_308 : i32
        %dma_start3A_310 = arith.constant 0 : i32
        %dma_start3A_311 = tpu.memref_slice %arg7[%add3A_309, %dma_start3A_310] : memref<40x128xi32, #tpu.memory_space<vmem>> -> memref<1x128xi32, #tpu.memory_space<vmem>>
        %dma_start3A_312 = tpu.memref_squeeze %dma_start3A_311 : memref<1x128xi32, #tpu.memory_space<vmem>> -> memref<128xi32, #tpu.memory_space<vmem>>
        %dma_start3A_313 = arith.constant 0 : i32
        %dma_start3A_314 = arith.constant 0 : i32
        %dma_start3A_315 = tpu.memref_slice %arg14[%dma_start3A_313, %dma_start3A_314] : memref<10240x128xf32, #tpu.memory_space<vmem_shared>> -> memref<10240x128xf32, #tpu.memory_space<vmem_shared>>
        tpu.enqueue_indirect_dma source(%arg8 : memref<128x128xf32, #tpu.memory_space<vmem>>) target(%dma_start3A_315 : memref<10240x128xf32, #tpu.memory_space<vmem_shared>>) offsets(%dma_start3A_312 : memref<128xi32, #tpu.memory_space<vmem>>) semaphore(%arg12 : memref<!tpu.dma_semaphore, #tpu.memory_space<semaphore_mem>>) {add = true}
        %dma_wait3A_316 = arith.constant 0 : i32
        %dma_wait3A_317 = arith.constant 0 : i32
        %dma_wait3A_318 = tpu.memref_slice %arg6[%dma_wait3A_316, %dma_wait3A_317] : memref<40x128xi32, #tpu.memory_space<vmem>> -> memref<1x128xi32, #tpu.memory_space<vmem>>
        %dma_wait3A_319 = tpu.memref_squeeze %dma_wait3A_318 : memref<1x128xi32, #tpu.memory_space<vmem>> -> memref<128xi32, #tpu.memory_space<vmem>>
        %dma_wait3A_320 = arith.constant 0 : i32
        %dma_wait3A_321 = arith.constant 0 : i32
        %dma_wait3A_322 = tpu.memref_slice %arg2[%dma_wait3A_320, %dma_wait3A_321] : memref<10240x128xf32, #tpu.memory_space<hbm>> -> memref<10240x128xf32, #tpu.memory_space<hbm>>
        tpu.wait_indirect_dma semaphore(%arg11 : memref<!tpu.dma_semaphore, #tpu.memory_space<semaphore_mem>>) src(%dma_wait3A_322 : memref<10240x128xf32, #tpu.memory_space<hbm>>) dst(%arg9 : memref<128x128xf32, #tpu.memory_space<vmem>>)
        %add3A_323 = arith.constant 1 : i32
        %add3A_324 = arith.addi %mul3A_300, %add3A_323 : i32
        %dma_start3A_325 = arith.constant 0 : i32
        %dma_start3A_326 = tpu.memref_slice %arg7[%add3A_324, %dma_start3A_325] : memref<40x128xi32, #tpu.memory_space<vmem>> -> memref<1x128xi32, #tpu.memory_space<vmem>>
        %dma_start3A_327 = tpu.memref_squeeze %dma_start3A_326 : memref<1x128xi32, #tpu.memory_space<vmem>> -> memref<128xi32, #tpu.memory_space<vmem>>
        %dma_start3A_328 = arith.constant 0 : i32
        %dma_start3A_329 = arith.constant 0 : i32
        %dma_start3A_330 = tpu.memref_slice %arg14[%dma_start3A_328, %dma_start3A_329] : memref<10240x128xf32, #tpu.memory_space<vmem_shared>> -> memref<10240x128xf32, #tpu.memory_space<vmem_shared>>
        tpu.enqueue_indirect_dma source(%arg9 : memref<128x128xf32, #tpu.memory_space<vmem>>) target(%dma_start3A_330 : memref<10240x128xf32, #tpu.memory_space<vmem_shared>>) offsets(%dma_start3A_327 : memref<128xi32, #tpu.memory_space<vmem>>) semaphore(%arg13 : memref<!tpu.dma_semaphore, #tpu.memory_space<semaphore_mem>>) {add = true}
        %dma_wait3A_331 = arith.constant 0 : i32
        %dma_wait3A_332 = arith.constant 0 : i32
        %dma_wait3A_333 = tpu.memref_slice %arg7[%dma_wait3A_331, %dma_wait3A_332] : memref<40x128xi32, #tpu.memory_space<vmem>> -> memref<1x128xi32, #tpu.memory_space<vmem>>
        %dma_wait3A_334 = tpu.memref_squeeze %dma_wait3A_333 : memref<1x128xi32, #tpu.memory_space<vmem>> -> memref<128xi32, #tpu.memory_space<vmem>>
        %dma_wait3A_335 = arith.constant 0 : i32
        %dma_wait3A_336 = arith.constant 0 : i32
        %dma_wait3A_337 = tpu.memref_slice %arg14[%dma_wait3A_335, %dma_wait3A_336] : memref<10240x128xf32, #tpu.memory_space<vmem_shared>> -> memref<10240x128xf32, #tpu.memory_space<vmem_shared>>
        tpu.wait_indirect_dma semaphore(%arg12 : memref<!tpu.dma_semaphore, #tpu.memory_space<semaphore_mem>>) src(%arg8 : memref<128x128xf32, #tpu.memory_space<vmem>>) dst(%dma_wait3A_337 : memref<10240x128xf32, #tpu.memory_space<vmem_shared>>)
        %lt3A = arith.constant 19 : i32
        %lt3A_338 = arith.cmpi slt, %scan3A_297, %lt3A : i32
        %convert_element_type3A_339 = arith.extui %lt3A_338 : i1 to i32
        %cond3A_340 = arith.constant 0 : i32
        %cond3A_341 = arith.cmpi ne, %convert_element_type3A_339, %cond3A_340 : i32
        scf.if %cond3A_341 {
          %add3A_355 = arith.constant 2 : i32
          %add3A_356 = arith.addi %mul3A_300, %add3A_355 : i32
          %add3A_357 = arith.constant 0 : i32
          %add3A_358 = arith.addi %add3A_356, %add3A_357 : i32
          %dma_start3A_359 = arith.constant 0 : i32
          %dma_start3A_360 = tpu.memref_slice %arg6[%add3A_358, %dma_start3A_359] : memref<40x128xi32, #tpu.memory_space<vmem>> -> memref<1x128xi32, #tpu.memory_space<vmem>>
          %dma_start3A_361 = tpu.memref_squeeze %dma_start3A_360 : memref<1x128xi32, #tpu.memory_space<vmem>> -> memref<128xi32, #tpu.memory_space<vmem>>
          %dma_start3A_362 = arith.constant 0 : i32
          %dma_start3A_363 = arith.constant 0 : i32
          %dma_start3A_364 = tpu.memref_slice %arg2[%dma_start3A_362, %dma_start3A_363] : memref<10240x128xf32, #tpu.memory_space<hbm>> -> memref<10240x128xf32, #tpu.memory_space<hbm>>
          tpu.enqueue_indirect_dma source(%dma_start3A_364 : memref<10240x128xf32, #tpu.memory_space<hbm>>) target(%arg8 : memref<128x128xf32, #tpu.memory_space<vmem>>) offsets(%dma_start3A_361 : memref<128xi32, #tpu.memory_space<vmem>>) semaphore(%arg10 : memref<!tpu.dma_semaphore, #tpu.memory_space<semaphore_mem>>)
        } else {
        }
        %dma_wait3A_342 = arith.constant 0 : i32
        %dma_wait3A_343 = arith.constant 0 : i32
        %dma_wait3A_344 = tpu.memref_slice %arg7[%dma_wait3A_342, %dma_wait3A_343] : memref<40x128xi32, #tpu.memory_space<vmem>> -> memref<1x128xi32, #tpu.memory_space<vmem>>
        %dma_wait3A_345 = tpu.memref_squeeze %dma_wait3A_344 : memref<1x128xi32, #tpu.memory_space<vmem>> -> memref<128xi32, #tpu.memory_space<vmem>>
        %dma_wait3A_346 = arith.constant 0 : i32
        %dma_wait3A_347 = arith.constant 0 : i32
        %dma_wait3A_348 = tpu.memref_slice %arg14[%dma_wait3A_346, %dma_wait3A_347] : memref<10240x128xf32, #tpu.memory_space<vmem_shared>> -> memref<10240x128xf32, #tpu.memory_space<vmem_shared>>
        tpu.wait_indirect_dma semaphore(%arg13 : memref<!tpu.dma_semaphore, #tpu.memory_space<semaphore_mem>>) src(%arg9 : memref<128x128xf32, #tpu.memory_space<vmem>>) dst(%dma_wait3A_348 : memref<10240x128xf32, #tpu.memory_space<vmem_shared>>)
        %lt3A_349 = arith.constant 19 : i32
        %lt3A_350 = arith.cmpi slt, %scan3A_297, %lt3A_349 : i32
        %convert_element_type3A_351 = arith.extui %lt3A_350 : i1 to i32
        %cond3A_352 = arith.constant 0 : i32
        %cond3A_353 = arith.cmpi ne, %convert_element_type3A_351, %cond3A_352 : i32
        scf.if %cond3A_353 {
          %add3A_355 = arith.constant 2 : i32
          %add3A_356 = arith.addi %mul3A_300, %add3A_355 : i32
          %add3A_357 = arith.constant 1 : i32
          %add3A_358 = arith.addi %add3A_356, %add3A_357 : i32
          %dma_start3A_359 = arith.constant 0 : i32
          %dma_start3A_360 = tpu.memref_slice %arg6[%add3A_358, %dma_start3A_359] : memref<40x128xi32, #tpu.memory_space<vmem>> -> memref<1x128xi32, #tpu.memory_space<vmem>>
          %dma_start3A_361 = tpu.memref_squeeze %dma_start3A_360 : memref<1x128xi32, #tpu.memory_space<vmem>> -> memref<128xi32, #tpu.memory_space<vmem>>
          %dma_start3A_362 = arith.constant 0 : i32
          %dma_start3A_363 = arith.constant 0 : i32
          %dma_start3A_364 = tpu.memref_slice %arg2[%dma_start3A_362, %dma_start3A_363] : memref<10240x128xf32, #tpu.memory_space<hbm>> -> memref<10240x128xf32, #tpu.memory_space<hbm>>
          tpu.enqueue_indirect_dma source(%dma_start3A_364 : memref<10240x128xf32, #tpu.memory_space<hbm>>) target(%arg9 : memref<128x128xf32, #tpu.memory_space<vmem>>) offsets(%dma_start3A_361 : memref<128xi32, #tpu.memory_space<vmem>>) semaphore(%arg11 : memref<!tpu.dma_semaphore, #tpu.memory_space<semaphore_mem>>)
        } else {
        }
        %scan3A_354 = arith.constant 0 : i32
        scf.yield %scan3A_354 : i32
      }
      %scan3A_296 = arith.constant 20 : i32
    } else {
    }
    %barrier3A_122 = arith.constant 0 : index
    tpu.barrier barrier_id(%barrier3A_122)
    %mul3A_123 = arith.constant 640 : i32
    %mul3A_124 = arith.muli %arg1, %mul3A_123 : i32
    %add3A_125 = arith.constant 0 : i32
    %add3A_126 = arith.addi %mul3A_124, %add3A_125 : i32
    %dma_start3A_127 = arith.constant 0 : i32
    %dma_start3A_128 = tpu.memref_slice %arg14[%add3A_126, %dma_start3A_127] : memref<10240x128xf32, #tpu.memory_space<vmem_shared>> -> memref<128x128xf32, #tpu.memory_space<vmem_shared>>
    %dma_start3A_129 = arith.constant 0 : i32
    %dma_start3A_130 = tpu.memref_slice %arg14[%add3A_126, %dma_start3A_129] : memref<10240x128xf32, #tpu.memory_space<vmem_shared>> -> memref<128x128xf32, #tpu.memory_space<vmem_shared>>
    tpu.enqueue_dma source(%dma_start3A_130 : memref<128x128xf32, #tpu.memory_space<vmem_shared>>) target(%arg8 : memref<128x128xf32, #tpu.memory_space<vmem>>) target_semaphore(%arg10 : memref<!tpu.dma_semaphore, #tpu.memory_space<semaphore_mem>>)
    %dma_wait3A_131 = arith.constant 0 : i32
    %dma_wait3A_132 = tpu.memref_slice %arg14[%add3A_126, %dma_wait3A_131] : memref<10240x128xf32, #tpu.memory_space<vmem_shared>> -> memref<128x128xf32, #tpu.memory_space<vmem_shared>>
    %dma_wait3A_133 = arith.constant 0 : i32
    %dma_wait3A_134 = tpu.memref_slice %arg14[%add3A_126, %dma_wait3A_133] : memref<10240x128xf32, #tpu.memory_space<vmem_shared>> -> memref<128x128xf32, #tpu.memory_space<vmem_shared>>
    tpu.wait_dma2 semaphore(%arg10 : memref<!tpu.dma_semaphore, #tpu.memory_space<semaphore_mem>>) src(%dma_wait3A_134 : memref<128x128xf32, #tpu.memory_space<vmem_shared>>) dst(%arg8 : memref<128x128xf32, #tpu.memory_space<vmem>>)
    %mul3A_135 = arith.constant 640 : i32
    %mul3A_136 = arith.muli %arg1, %mul3A_135 : i32
    %add3A_137 = arith.constant 0 : i32
    %add3A_138 = arith.addi %mul3A_136, %add3A_137 : i32
    %dma_start3A_139 = arith.constant 0 : i32
    %dma_start3A_140 = tpu.memref_slice %arg5[%arg0, %add3A_138, %dma_start3A_139] : memref<2x10240x128xf32, #tpu.memory_space<hbm>> -> memref<1x128x128xf32, #tpu.memory_space<hbm>>
    %dma_start3A_141 = tpu.memref_squeeze %dma_start3A_140 : memref<1x128x128xf32, #tpu.memory_space<hbm>> -> memref<128x128xf32, #tpu.memory_space<hbm>>
    %dma_start3A_142 = arith.constant 0 : i32
    %dma_start3A_143 = tpu.memref_slice %arg5[%arg0, %add3A_138, %dma_start3A_142] : memref<2x10240x128xf32, #tpu.memory_space<hbm>> -> memref<1x128x128xf32, #tpu.memory_space<hbm>>
    %dma_start3A_144 = tpu.memref_squeeze %dma_start3A_143 : memref<1x128x128xf32, #tpu.memory_space<hbm>> -> memref<128x128xf32, #tpu.memory_space<hbm>>
    tpu.enqueue_dma source(%arg8 : memref<128x128xf32, #tpu.memory_space<vmem>>) target(%dma_start3A_144 : memref<128x128xf32, #tpu.memory_space<hbm>>) target_semaphore(%arg12 : memref<!tpu.dma_semaphore, #tpu.memory_space<semaphore_mem>>)
    %mul3A_145 = arith.constant 640 : i32
    %mul3A_146 = arith.muli %arg1, %mul3A_145 : i32
    %add3A_147 = arith.constant 128 : i32
    %add3A_148 = arith.addi %mul3A_146, %add3A_147 : i32
    %dma_start3A_149 = arith.constant 0 : i32
    %dma_start3A_150 = tpu.memref_slice %arg14[%add3A_148, %dma_start3A_149] : memref<10240x128xf32, #tpu.memory_space<vmem_shared>> -> memref<128x128xf32, #tpu.memory_space<vmem_shared>>
    %dma_start3A_151 = arith.constant 0 : i32
    %dma_start3A_152 = tpu.memref_slice %arg14[%add3A_148, %dma_start3A_151] : memref<10240x128xf32, #tpu.memory_space<vmem_shared>> -> memref<128x128xf32, #tpu.memory_space<vmem_shared>>
    tpu.enqueue_dma source(%dma_start3A_152 : memref<128x128xf32, #tpu.memory_space<vmem_shared>>) target(%arg9 : memref<128x128xf32, #tpu.memory_space<vmem>>) target_semaphore(%arg11 : memref<!tpu.dma_semaphore, #tpu.memory_space<semaphore_mem>>)
    %dma_wait3A_153 = arith.constant 0 : i32
    %dma_wait3A_154 = tpu.memref_slice %arg14[%add3A_148, %dma_wait3A_153] : memref<10240x128xf32, #tpu.memory_space<vmem_shared>> -> memref<128x128xf32, #tpu.memory_space<vmem_shared>>
    %dma_wait3A_155 = arith.constant 0 : i32
    %dma_wait3A_156 = tpu.memref_slice %arg14[%add3A_148, %dma_wait3A_155] : memref<10240x128xf32, #tpu.memory_space<vmem_shared>> -> memref<128x128xf32, #tpu.memory_space<vmem_shared>>
    tpu.wait_dma2 semaphore(%arg11 : memref<!tpu.dma_semaphore, #tpu.memory_space<semaphore_mem>>) src(%dma_wait3A_156 : memref<128x128xf32, #tpu.memory_space<vmem_shared>>) dst(%arg9 : memref<128x128xf32, #tpu.memory_space<vmem>>)
    %mul3A_157 = arith.constant 640 : i32
    %mul3A_158 = arith.muli %arg1, %mul3A_157 : i32
    %add3A_159 = arith.constant 128 : i32
    %add3A_160 = arith.addi %mul3A_158, %add3A_159 : i32
    %dma_start3A_161 = arith.constant 0 : i32
    %dma_start3A_162 = tpu.memref_slice %arg5[%arg0, %add3A_160, %dma_start3A_161] : memref<2x10240x128xf32, #tpu.memory_space<hbm>> -> memref<1x128x128xf32, #tpu.memory_space<hbm>>
    %dma_start3A_163 = tpu.memref_squeeze %dma_start3A_162 : memref<1x128x128xf32, #tpu.memory_space<hbm>> -> memref<128x128xf32, #tpu.memory_space<hbm>>
    %dma_start3A_164 = arith.constant 0 : i32
    %dma_start3A_165 = tpu.memref_slice %arg5[%arg0, %add3A_160, %dma_start3A_164] : memref<2x10240x128xf32, #tpu.memory_space<hbm>> -> memref<1x128x128xf32, #tpu.memory_space<hbm>>
    %dma_start3A_166 = tpu.memref_squeeze %dma_start3A_165 : memref<1x128x128xf32, #tpu.memory_space<hbm>> -> memref<128x128xf32, #tpu.memory_space<hbm>>
    tpu.enqueue_dma source(%arg9 : memref<128x128xf32, #tpu.memory_space<vmem>>) target(%dma_start3A_166 : memref<128x128xf32, #tpu.memory_space<hbm>>) target_semaphore(%arg13 : memref<!tpu.dma_semaphore, #tpu.memory_space<semaphore_mem>>)
    %dma_wait3A_167 = arith.constant 0 : i32
    %dma_wait3A_168 = arith.constant 0 : i32
    %dma_wait3A_169 = tpu.memref_slice %arg5[%arg0, %dma_wait3A_167, %dma_wait3A_168] : memref<2x10240x128xf32, #tpu.memory_space<hbm>> -> memref<1x128x128xf32, #tpu.memory_space<hbm>>
    %dma_wait3A_170 = tpu.memref_squeeze %dma_wait3A_169 : memref<1x128x128xf32, #tpu.memory_space<hbm>> -> memref<128x128xf32, #tpu.memory_space<hbm>>
    %dma_wait3A_171 = arith.constant 0 : i32
    %dma_wait3A_172 = arith.constant 0 : i32
    %dma_wait3A_173 = tpu.memref_slice %arg5[%arg0, %dma_wait3A_171, %dma_wait3A_172] : memref<2x10240x128xf32, #tpu.memory_space<hbm>> -> memref<1x128x128xf32, #tpu.memory_space<hbm>>
    %dma_wait3A_174 = tpu.memref_squeeze %dma_wait3A_173 : memref<1x128x128xf32, #tpu.memory_space<hbm>> -> memref<128x128xf32, #tpu.memory_space<hbm>>
    tpu.wait_dma2 semaphore(%arg12 : memref<!tpu.dma_semaphore, #tpu.memory_space<semaphore_mem>>) src(%arg8 : memref<128x128xf32, #tpu.memory_space<vmem>>) dst(%dma_wait3A_174 : memref<128x128xf32, #tpu.memory_space<hbm>>)
    %mul3A_175 = arith.constant 640 : i32
    %mul3A_176 = arith.muli %arg1, %mul3A_175 : i32
    %add3A_177 = arith.constant 256 : i32
    %add3A_178 = arith.addi %mul3A_176, %add3A_177 : i32
    %dma_start3A_179 = arith.constant 0 : i32
    %dma_start3A_180 = tpu.memref_slice %arg14[%add3A_178, %dma_start3A_179] : memref<10240x128xf32, #tpu.memory_space<vmem_shared>> -> memref<128x128xf32, #tpu.memory_space<vmem_shared>>
    %dma_start3A_181 = arith.constant 0 : i32
    %dma_start3A_182 = tpu.memref_slice %arg14[%add3A_178, %dma_start3A_181] : memref<10240x128xf32, #tpu.memory_space<vmem_shared>> -> memref<128x128xf32, #tpu.memory_space<vmem_shared>>
    tpu.enqueue_dma source(%dma_start3A_182 : memref<128x128xf32, #tpu.memory_space<vmem_shared>>) target(%arg8 : memref<128x128xf32, #tpu.memory_space<vmem>>) target_semaphore(%arg10 : memref<!tpu.dma_semaphore, #tpu.memory_space<semaphore_mem>>)
    %dma_wait3A_183 = arith.constant 0 : i32
    %dma_wait3A_184 = tpu.memref_slice %arg14[%add3A_178, %dma_wait3A_183] : memref<10240x128xf32, #tpu.memory_space<vmem_shared>> -> memref<128x128xf32, #tpu.memory_space<vmem_shared>>
    %dma_wait3A_185 = arith.constant 0 : i32
    %dma_wait3A_186 = tpu.memref_slice %arg14[%add3A_178, %dma_wait3A_185] : memref<10240x128xf32, #tpu.memory_space<vmem_shared>> -> memref<128x128xf32, #tpu.memory_space<vmem_shared>>
    tpu.wait_dma2 semaphore(%arg10 : memref<!tpu.dma_semaphore, #tpu.memory_space<semaphore_mem>>) src(%dma_wait3A_186 : memref<128x128xf32, #tpu.memory_space<vmem_shared>>) dst(%arg8 : memref<128x128xf32, #tpu.memory_space<vmem>>)
    %mul3A_187 = arith.constant 640 : i32
    %mul3A_188 = arith.muli %arg1, %mul3A_187 : i32
    %add3A_189 = arith.constant 256 : i32
    %add3A_190 = arith.addi %mul3A_188, %add3A_189 : i32
    %dma_start3A_191 = arith.constant 0 : i32
    %dma_start3A_192 = tpu.memref_slice %arg5[%arg0, %add3A_190, %dma_start3A_191] : memref<2x10240x128xf32, #tpu.memory_space<hbm>> -> memref<1x128x128xf32, #tpu.memory_space<hbm>>
    %dma_start3A_193 = tpu.memref_squeeze %dma_start3A_192 : memref<1x128x128xf32, #tpu.memory_space<hbm>> -> memref<128x128xf32, #tpu.memory_space<hbm>>
    %dma_start3A_194 = arith.constant 0 : i32
    %dma_start3A_195 = tpu.memref_slice %arg5[%arg0, %add3A_190, %dma_start3A_194] : memref<2x10240x128xf32, #tpu.memory_space<hbm>> -> memref<1x128x128xf32, #tpu.memory_space<hbm>>
    %dma_start3A_196 = tpu.memref_squeeze %dma_start3A_195 : memref<1x128x128xf32, #tpu.memory_space<hbm>> -> memref<128x128xf32, #tpu.memory_space<hbm>>
    tpu.enqueue_dma source(%arg8 : memref<128x128xf32, #tpu.memory_space<vmem>>) target(%dma_start3A_196 : memref<128x128xf32, #tpu.memory_space<hbm>>) target_semaphore(%arg12 : memref<!tpu.dma_semaphore, #tpu.memory_space<semaphore_mem>>)
    %dma_wait3A_197 = arith.constant 0 : i32
    %dma_wait3A_198 = arith.constant 0 : i32
    %dma_wait3A_199 = tpu.memref_slice %arg5[%arg0, %dma_wait3A_197, %dma_wait3A_198] : memref<2x10240x128xf32, #tpu.memory_space<hbm>> -> memref<1x128x128xf32, #tpu.memory_space<hbm>>
    %dma_wait3A_200 = tpu.memref_squeeze %dma_wait3A_199 : memref<1x128x128xf32, #tpu.memory_space<hbm>> -> memref<128x128xf32, #tpu.memory_space<hbm>>
    %dma_wait3A_201 = arith.constant 0 : i32
    %dma_wait3A_202 = arith.constant 0 : i32
    %dma_wait3A_203 = tpu.memref_slice %arg5[%arg0, %dma_wait3A_201, %dma_wait3A_202] : memref<2x10240x128xf32, #tpu.memory_space<hbm>> -> memref<1x128x128xf32, #tpu.memory_space<hbm>>
    %dma_wait3A_204 = tpu.memref_squeeze %dma_wait3A_203 : memref<1x128x128xf32, #tpu.memory_space<hbm>> -> memref<128x128xf32, #tpu.memory_space<hbm>>
    tpu.wait_dma2 semaphore(%arg13 : memref<!tpu.dma_semaphore, #tpu.memory_space<semaphore_mem>>) src(%arg9 : memref<128x128xf32, #tpu.memory_space<vmem>>) dst(%dma_wait3A_204 : memref<128x128xf32, #tpu.memory_space<hbm>>)
    %mul3A_205 = arith.constant 640 : i32
    %mul3A_206 = arith.muli %arg1, %mul3A_205 : i32
    %add3A_207 = arith.constant 384 : i32
    %add3A_208 = arith.addi %mul3A_206, %add3A_207 : i32
    %dma_start3A_209 = arith.constant 0 : i32
    %dma_start3A_210 = tpu.memref_slice %arg14[%add3A_208, %dma_start3A_209] : memref<10240x128xf32, #tpu.memory_space<vmem_shared>> -> memref<128x128xf32, #tpu.memory_space<vmem_shared>>
    %dma_start3A_211 = arith.constant 0 : i32
    %dma_start3A_212 = tpu.memref_slice %arg14[%add3A_208, %dma_start3A_211] : memref<10240x128xf32, #tpu.memory_space<vmem_shared>> -> memref<128x128xf32, #tpu.memory_space<vmem_shared>>
    tpu.enqueue_dma source(%dma_start3A_212 : memref<128x128xf32, #tpu.memory_space<vmem_shared>>) target(%arg9 : memref<128x128xf32, #tpu.memory_space<vmem>>) target_semaphore(%arg11 : memref<!tpu.dma_semaphore, #tpu.memory_space<semaphore_mem>>)
    %dma_wait3A_213 = arith.constant 0 : i32
    %dma_wait3A_214 = tpu.memref_slice %arg14[%add3A_208, %dma_wait3A_213] : memref<10240x128xf32, #tpu.memory_space<vmem_shared>> -> memref<128x128xf32, #tpu.memory_space<vmem_shared>>
    %dma_wait3A_215 = arith.constant 0 : i32
    %dma_wait3A_216 = tpu.memref_slice %arg14[%add3A_208, %dma_wait3A_215] : memref<10240x128xf32, #tpu.memory_space<vmem_shared>> -> memref<128x128xf32, #tpu.memory_space<vmem_shared>>
    tpu.wait_dma2 semaphore(%arg11 : memref<!tpu.dma_semaphore, #tpu.memory_space<semaphore_mem>>) src(%dma_wait3A_216 : memref<128x128xf32, #tpu.memory_space<vmem_shared>>) dst(%arg9 : memref<128x128xf32, #tpu.memory_space<vmem>>)
    %mul3A_217 = arith.constant 640 : i32
    %mul3A_218 = arith.muli %arg1, %mul3A_217 : i32
    %add3A_219 = arith.constant 384 : i32
    %add3A_220 = arith.addi %mul3A_218, %add3A_219 : i32
    %dma_start3A_221 = arith.constant 0 : i32
    %dma_start3A_222 = tpu.memref_slice %arg5[%arg0, %add3A_220, %dma_start3A_221] : memref<2x10240x128xf32, #tpu.memory_space<hbm>> -> memref<1x128x128xf32, #tpu.memory_space<hbm>>
    %dma_start3A_223 = tpu.memref_squeeze %dma_start3A_222 : memref<1x128x128xf32, #tpu.memory_space<hbm>> -> memref<128x128xf32, #tpu.memory_space<hbm>>
    %dma_start3A_224 = arith.constant 0 : i32
    %dma_start3A_225 = tpu.memref_slice %arg5[%arg0, %add3A_220, %dma_start3A_224] : memref<2x10240x128xf32, #tpu.memory_space<hbm>> -> memref<1x128x128xf32, #tpu.memory_space<hbm>>
    %dma_start3A_226 = tpu.memref_squeeze %dma_start3A_225 : memref<1x128x128xf32, #tpu.memory_space<hbm>> -> memref<128x128xf32, #tpu.memory_space<hbm>>
    tpu.enqueue_dma source(%arg9 : memref<128x128xf32, #tpu.memory_space<vmem>>) target(%dma_start3A_226 : memref<128x128xf32, #tpu.memory_space<hbm>>) target_semaphore(%arg13 : memref<!tpu.dma_semaphore, #tpu.memory_space<semaphore_mem>>)
    %dma_wait3A_227 = arith.constant 0 : i32
    %dma_wait3A_228 = arith.constant 0 : i32
    %dma_wait3A_229 = tpu.memref_slice %arg5[%arg0, %dma_wait3A_227, %dma_wait3A_228] : memref<2x10240x128xf32, #tpu.memory_space<hbm>> -> memref<1x128x128xf32, #tpu.memory_space<hbm>>
    %dma_wait3A_230 = tpu.memref_squeeze %dma_wait3A_229 : memref<1x128x128xf32, #tpu.memory_space<hbm>> -> memref<128x128xf32, #tpu.memory_space<hbm>>
    %dma_wait3A_231 = arith.constant 0 : i32
    %dma_wait3A_232 = arith.constant 0 : i32
    %dma_wait3A_233 = tpu.memref_slice %arg5[%arg0, %dma_wait3A_231, %dma_wait3A_232] : memref<2x10240x128xf32, #tpu.memory_space<hbm>> -> memref<1x128x128xf32, #tpu.memory_space<hbm>>
    %dma_wait3A_234 = tpu.memref_squeeze %dma_wait3A_233 : memref<1x128x128xf32, #tpu.memory_space<hbm>> -> memref<128x128xf32, #tpu.memory_space<hbm>>
    tpu.wait_dma2 semaphore(%arg12 : memref<!tpu.dma_semaphore, #tpu.memory_space<semaphore_mem>>) src(%arg8 : memref<128x128xf32, #tpu.memory_space<vmem>>) dst(%dma_wait3A_234 : memref<128x128xf32, #tpu.memory_space<hbm>>)
    %mul3A_235 = arith.constant 640 : i32
    %mul3A_236 = arith.muli %arg1, %mul3A_235 : i32
    %add3A_237 = arith.constant 512 : i32
    %add3A_238 = arith.addi %mul3A_236, %add3A_237 : i32
    %dma_start3A_239 = arith.constant 0 : i32
    %dma_start3A_240 = tpu.memref_slice %arg14[%add3A_238, %dma_start3A_239] : memref<10240x128xf32, #tpu.memory_space<vmem_shared>> -> memref<128x128xf32, #tpu.memory_space<vmem_shared>>
    %dma_start3A_241 = arith.constant 0 : i32
    %dma_start3A_242 = tpu.memref_slice %arg14[%add3A_238, %dma_start3A_241] : memref<10240x128xf32, #tpu.memory_space<vmem_shared>> -> memref<128x128xf32, #tpu.memory_space<vmem_shared>>
    tpu.enqueue_dma source(%dma_start3A_242 : memref<128x128xf32, #tpu.memory_space<vmem_shared>>) target(%arg8 : memref<128x128xf32, #tpu.memory_space<vmem>>) target_semaphore(%arg10 : memref<!tpu.dma_semaphore, #tpu.memory_space<semaphore_mem>>)
    %dma_wait3A_243 = arith.constant 0 : i32
    %dma_wait3A_244 = tpu.memref_slice %arg14[%add3A_238, %dma_wait3A_243] : memref<10240x128xf32, #tpu.memory_space<vmem_shared>> -> memref<128x128xf32, #tpu.memory_space<vmem_shared>>
    %dma_wait3A_245 = arith.constant 0 : i32
    %dma_wait3A_246 = tpu.memref_slice %arg14[%add3A_238, %dma_wait3A_245] : memref<10240x128xf32, #tpu.memory_space<vmem_shared>> -> memref<128x128xf32, #tpu.memory_space<vmem_shared>>
    tpu.wait_dma2 semaphore(%arg10 : memref<!tpu.dma_semaphore, #tpu.memory_space<semaphore_mem>>) src(%dma_wait3A_246 : memref<128x128xf32, #tpu.memory_space<vmem_shared>>) dst(%arg8 : memref<128x128xf32, #tpu.memory_space<vmem>>)
    %mul3A_247 = arith.constant 640 : i32
    %mul3A_248 = arith.muli %arg1, %mul3A_247 : i32
    %add3A_249 = arith.constant 512 : i32
    %add3A_250 = arith.addi %mul3A_248, %add3A_249 : i32
    %dma_start3A_251 = arith.constant 0 : i32
    %dma_start3A_252 = tpu.memref_slice %arg5[%arg0, %add3A_250, %dma_start3A_251] : memref<2x10240x128xf32, #tpu.memory_space<hbm>> -> memref<1x128x128xf32, #tpu.memory_space<hbm>>
    %dma_start3A_253 = tpu.memref_squeeze %dma_start3A_252 : memref<1x128x128xf32, #tpu.memory_space<hbm>> -> memref<128x128xf32, #tpu.memory_space<hbm>>
    %dma_start3A_254 = arith.constant 0 : i32
    %dma_start3A_255 = tpu.memref_slice %arg5[%arg0, %add3A_250, %dma_start3A_254] : memref<2x10240x128xf32, #tpu.memory_space<hbm>> -> memref<1x128x128xf32, #tpu.memory_space<hbm>>
    %dma_start3A_256 = tpu.memref_squeeze %dma_start3A_255 : memref<1x128x128xf32, #tpu.memory_space<hbm>> -> memref<128x128xf32, #tpu.memory_space<hbm>>
    tpu.enqueue_dma source(%arg8 : memref<128x128xf32, #tpu.memory_space<vmem>>) target(%dma_start3A_256 : memref<128x128xf32, #tpu.memory_space<hbm>>) target_semaphore(%arg12 : memref<!tpu.dma_semaphore, #tpu.memory_space<semaphore_mem>>)
    %dma_wait3A_257 = arith.constant 0 : i32
    %dma_wait3A_258 = arith.constant 0 : i32
    %dma_wait3A_259 = tpu.memref_slice %arg5[%arg0, %dma_wait3A_257, %dma_wait3A_258] : memref<2x10240x128xf32, #tpu.memory_space<hbm>> -> memref<1x128x128xf32, #tpu.memory_space<hbm>>
    %dma_wait3A_260 = tpu.memref_squeeze %dma_wait3A_259 : memref<1x128x128xf32, #tpu.memory_space<hbm>> -> memref<128x128xf32, #tpu.memory_space<hbm>>
    %dma_wait3A_261 = arith.constant 0 : i32
    %dma_wait3A_262 = arith.constant 0 : i32
    %dma_wait3A_263 = tpu.memref_slice %arg5[%arg0, %dma_wait3A_261, %dma_wait3A_262] : memref<2x10240x128xf32, #tpu.memory_space<hbm>> -> memref<1x128x128xf32, #tpu.memory_space<hbm>>
    %dma_wait3A_264 = tpu.memref_squeeze %dma_wait3A_263 : memref<1x128x128xf32, #tpu.memory_space<hbm>> -> memref<128x128xf32, #tpu.memory_space<hbm>>
    tpu.wait_dma2 semaphore(%arg12 : memref<!tpu.dma_semaphore, #tpu.memory_space<semaphore_mem>>) src(%arg8 : memref<128x128xf32, #tpu.memory_space<vmem>>) dst(%dma_wait3A_264 : memref<128x128xf32, #tpu.memory_space<hbm>>)
    %dma_wait3A_265 = arith.constant 0 : i32
    %dma_wait3A_266 = arith.constant 0 : i32
    %dma_wait3A_267 = tpu.memref_slice %arg5[%arg0, %dma_wait3A_265, %dma_wait3A_266] : memref<2x10240x128xf32, #tpu.memory_space<hbm>> -> memref<1x128x128xf32, #tpu.memory_space<hbm>>
    %dma_wait3A_268 = tpu.memref_squeeze %dma_wait3A_267 : memref<1x128x128xf32, #tpu.memory_space<hbm>> -> memref<128x128xf32, #tpu.memory_space<hbm>>
    %dma_wait3A_269 = arith.constant 0 : i32
    %dma_wait3A_270 = arith.constant 0 : i32
    %dma_wait3A_271 = tpu.memref_slice %arg5[%arg0, %dma_wait3A_269, %dma_wait3A_270] : memref<2x10240x128xf32, #tpu.memory_space<hbm>> -> memref<1x128x128xf32, #tpu.memory_space<hbm>>
    %dma_wait3A_272 = tpu.memref_squeeze %dma_wait3A_271 : memref<1x128x128xf32, #tpu.memory_space<hbm>> -> memref<128x128xf32, #tpu.memory_space<hbm>>
    tpu.wait_dma2 semaphore(%arg13 : memref<!tpu.dma_semaphore, #tpu.memory_space<semaphore_mem>>) src(%arg9 : memref<128x128xf32, #tpu.memory_space<vmem>>) dst(%dma_wait3A_272 : memref<128x128xf32, #tpu.memory_space<hbm>>)
    return
  }
}

#map = affine_map<(d0, d1) -> (0, 0)>
module attributes {stable_mosaic.version = 14 : i64} {
  func.func @_deg_body(%arg0: i32, %arg1: i32, %arg2: memref<32x10240xi32, #tpu.memory_space<hbm>>, %arg3: memref<2x163840xf32, #tpu.memory_space<hbm>>, %arg4: memref<10240xi32, #tpu.memory_space<vmem>>, %arg5: memref<10240xf32, #tpu.memory_space<vmem>>, %arg6: memref<16x640xf32, #tpu.memory_space<vmem>>, %arg7: memref<10240xf32, #tpu.memory_space<vmem>>, %arg8: memref<16x10240xf32, #tpu.memory_space<vmem_shared>>) attributes {dimension_semantics = [#tpu.dimension_semantics<core_parallel>, #tpu.dimension_semantics<subcore_parallel>], iteration_bounds = array<i64: 2, 16>, scalar_prefetch = 0 : i64, scratch_operands = 5 : i64, tpu.core_type = #tpu.core_type<sc_vector_subcore>, window_params = [{transform_indices = #map}, {transform_indices = #map}]} {
    %mul3A = arith.constant 2 : i32
    %mul3A_0 = arith.muli %arg1, %mul3A : i32
    %add3A = arith.addi %mul3A_0, %arg0 : i32
    "tpu.region"() ({
      %run_scoped3A_88 = tpu.sem_alloc : memref<!tpu.dma_semaphore, #tpu.memory_space<semaphore_mem>>
      %dma_start3A = arith.constant 0 : i32
      %dma_start3A_89 = tpu.memref_slice %arg2[%add3A, %dma_start3A] : memref<32x10240xi32, #tpu.memory_space<hbm>> -> memref<1x10240xi32, #tpu.memory_space<hbm>>
      %dma_start3A_90 = tpu.memref_squeeze %dma_start3A_89 : memref<1x10240xi32, #tpu.memory_space<hbm>> -> memref<10240xi32, #tpu.memory_space<hbm>>
      %dma_start3A_91 = arith.constant 0 : i32
      %dma_start3A_92 = tpu.memref_slice %arg2[%add3A, %dma_start3A_91] : memref<32x10240xi32, #tpu.memory_space<hbm>> -> memref<1x10240xi32, #tpu.memory_space<hbm>>
      %dma_start3A_93 = tpu.memref_squeeze %dma_start3A_92 : memref<1x10240xi32, #tpu.memory_space<hbm>> -> memref<10240xi32, #tpu.memory_space<hbm>>
      tpu.enqueue_dma source(%dma_start3A_93 : memref<10240xi32, #tpu.memory_space<hbm>>) target(%arg4 : memref<10240xi32, #tpu.memory_space<vmem>>) target_semaphore(%run_scoped3A_88 : memref<!tpu.dma_semaphore, #tpu.memory_space<semaphore_mem>>)
      %dma_wait3A = arith.constant 0 : i32
      %dma_wait3A_94 = tpu.memref_slice %arg2[%add3A, %dma_wait3A] : memref<32x10240xi32, #tpu.memory_space<hbm>> -> memref<1x10240xi32, #tpu.memory_space<hbm>>
      %dma_wait3A_95 = tpu.memref_squeeze %dma_wait3A_94 : memref<1x10240xi32, #tpu.memory_space<hbm>> -> memref<10240xi32, #tpu.memory_space<hbm>>
      %dma_wait3A_96 = arith.constant 0 : i32
      %dma_wait3A_97 = tpu.memref_slice %arg2[%add3A, %dma_wait3A_96] : memref<32x10240xi32, #tpu.memory_space<hbm>> -> memref<1x10240xi32, #tpu.memory_space<hbm>>
      %dma_wait3A_98 = tpu.memref_squeeze %dma_wait3A_97 : memref<1x10240xi32, #tpu.memory_space<hbm>> -> memref<10240xi32, #tpu.memory_space<hbm>>
      tpu.wait_dma2 semaphore(%run_scoped3A_88 : memref<!tpu.dma_semaphore, #tpu.memory_space<semaphore_mem>>) src(%dma_wait3A_98 : memref<10240xi32, #tpu.memory_space<hbm>>) dst(%arg4 : memref<10240xi32, #tpu.memory_space<vmem>>)
      tpu.yield
    }) : () -> ()
    %scan3A = arith.constant 0 : i32
    %scan3A_1 = arith.constant 0 : i32
    %scan3A_2 = arith.constant 640 : i32
    %scan3A_3 = arith.addi %scan3A_1, %scan3A_2 : i32
    %scan3A_4 = arith.constant 1 : i32
    %scan3A_5 = scf.for %scan3A_88 = %scan3A_1 to %scan3A_3 step %scan3A_4 iter_args(%scan3A_89 = %scan3A) -> (i32)  : i32 {
      %broadcast_in_dim3A = arith.constant 0.000000e+00 : f32
      %broadcast_in_dim3A_90 = vector.broadcast %broadcast_in_dim3A : f32 to vector<16xf32>
      %mul3A_91 = arith.constant 16 : i32
      %mul3A_92 = arith.muli %scan3A_88, %mul3A_91 : i32
      %swap3A = arith.index_cast %mul3A_92 : i32 to index
      %swap3A_93 = tpu.vector_load %arg5[%swap3A] {strides = array<i32>} : memref<10240xf32, #tpu.memory_space<vmem>>, vector<16xf32>,
      tpu.vector_store %arg5[%swap3A], %broadcast_in_dim3A_90 {strides = array<i32>} : memref<10240xf32, #tpu.memory_space<vmem>>, vector<16xf32>,
      %scan3A_94 = arith.constant 0 : i32
      scf.yield %scan3A_94 : i32
    }
    %scan3A_6 = arith.constant 640 : i32
    %scan3A_7 = arith.constant 0 : i32
    %scan3A_8 = arith.constant 0 : i32
    %scan3A_9 = arith.constant 640 : i32
    %scan3A_10 = arith.addi %scan3A_8, %scan3A_9 : i32
    %scan3A_11 = arith.constant 1 : i32
    %scan3A_12 = scf.for %scan3A_88 = %scan3A_8 to %scan3A_10 step %scan3A_11 iter_args(%scan3A_89 = %scan3A_7) -> (i32)  : i32 {
      %mul3A_90 = arith.constant 16 : i32
      %mul3A_91 = arith.muli %scan3A_88, %mul3A_90 : i32
      %get3A = arith.index_cast %mul3A_91 : i32 to index
      %get3A_92 = tpu.vector_load %arg4[%get3A] {strides = array<i32>} : memref<10240xi32, #tpu.memory_space<vmem>>, vector<16xi32>,
      %broadcast_in_dim3A = arith.constant true
      %broadcast_in_dim3A_93 = vector.broadcast %broadcast_in_dim3A : i1 to vector<16xi1>
      %unique3A, %unique3A_94 = tpu.scan_count mask(%broadcast_in_dim3A_93 : vector<16xi1>) value(%get3A_92 : vector<16xi32>) : vector<16xi1>, vector<16xi32>
      %convert_element_type3A = arith.sitofp %unique3A_94 : vector<16xi32> to vector<16xf32>
      tpu.vector_store_idx %arg5[%get3A_92], %convert_element_type3A masked %unique3A {add = true} : memref<10240xf32, #tpu.memory_space<vmem>>[vector<16xi32>], vector<16xf32>, vector<16xi1>
      %scan3A_95 = arith.constant 0 : i32
      scf.yield %scan3A_95 : i32
    }
    %scan3A_13 = arith.constant 640 : i32
    "tpu.region"() ({
      %run_scoped3A_88 = tpu.sem_alloc : memref<!tpu.dma_semaphore, #tpu.memory_space<semaphore_mem>>
      %dma_start3A = arith.constant 0 : i32
      %dma_start3A_89 = tpu.memref_slice %arg8[%arg1, %dma_start3A] : memref<16x10240xf32, #tpu.memory_space<vmem_shared>> -> memref<1x10240xf32, #tpu.memory_space<vmem_shared>>
      %dma_start3A_90 = tpu.memref_squeeze %dma_start3A_89 : memref<1x10240xf32, #tpu.memory_space<vmem_shared>> -> memref<10240xf32, #tpu.memory_space<vmem_shared>>
      %dma_start3A_91 = arith.constant 0 : i32
      %dma_start3A_92 = tpu.memref_slice %arg8[%arg1, %dma_start3A_91] : memref<16x10240xf32, #tpu.memory_space<vmem_shared>> -> memref<1x10240xf32, #tpu.memory_space<vmem_shared>>
      %dma_start3A_93 = tpu.memref_squeeze %dma_start3A_92 : memref<1x10240xf32, #tpu.memory_space<vmem_shared>> -> memref<10240xf32, #tpu.memory_space<vmem_shared>>
      tpu.enqueue_dma source(%arg5 : memref<10240xf32, #tpu.memory_space<vmem>>) target(%dma_start3A_93 : memref<10240xf32, #tpu.memory_space<vmem_shared>>) target_semaphore(%run_scoped3A_88 : memref<!tpu.dma_semaphore, #tpu.memory_space<semaphore_mem>>)
      %dma_wait3A = arith.constant 0 : i32
      %dma_wait3A_94 = tpu.memref_slice %arg8[%arg1, %dma_wait3A] : memref<16x10240xf32, #tpu.memory_space<vmem_shared>> -> memref<1x10240xf32, #tpu.memory_space<vmem_shared>>
      %dma_wait3A_95 = tpu.memref_squeeze %dma_wait3A_94 : memref<1x10240xf32, #tpu.memory_space<vmem_shared>> -> memref<10240xf32, #tpu.memory_space<vmem_shared>>
      %dma_wait3A_96 = arith.constant 0 : i32
      %dma_wait3A_97 = tpu.memref_slice %arg8[%arg1, %dma_wait3A_96] : memref<16x10240xf32, #tpu.memory_space<vmem_shared>> -> memref<1x10240xf32, #tpu.memory_space<vmem_shared>>
      %dma_wait3A_98 = tpu.memref_squeeze %dma_wait3A_97 : memref<1x10240xf32, #tpu.memory_space<vmem_shared>> -> memref<10240xf32, #tpu.memory_space<vmem_shared>>
      tpu.wait_dma2 semaphore(%run_scoped3A_88 : memref<!tpu.dma_semaphore, #tpu.memory_space<semaphore_mem>>) src(%arg5 : memref<10240xf32, #tpu.memory_space<vmem>>) dst(%dma_wait3A_98 : memref<10240xf32, #tpu.memory_space<vmem_shared>>)
      tpu.yield
    }) : () -> ()
    %barrier3A = arith.constant 0 : index
    tpu.barrier barrier_id(%barrier3A)
    %mul3A_14 = arith.constant 640 : i32
    %mul3A_15 = arith.muli %arg1, %mul3A_14 : i32
    %run_scoped3A = arith.constant 0 : i32
    %run_scoped3A_16 = arith.constant 0 : i32
    "tpu.region"() ({
      %run_scoped3A_88 = tpu.sem_alloc : memref<!tpu.dma_semaphore, #tpu.memory_space<semaphore_mem>>
      %dma_start3A = arith.constant 0 : i32
      %dma_start3A_89 = tpu.memref_slice %arg6[%run_scoped3A_16, %dma_start3A] : memref<16x640xf32, #tpu.memory_space<vmem>> -> memref<1x640xf32, #tpu.memory_space<vmem>>
      %dma_start3A_90 = tpu.memref_squeeze %dma_start3A_89 : memref<1x640xf32, #tpu.memory_space<vmem>> -> memref<640xf32, #tpu.memory_space<vmem>>
      %dma_start3A_91 = tpu.memref_slice %arg8[%run_scoped3A, %mul3A_15] : memref<16x10240xf32, #tpu.memory_space<vmem_shared>> -> memref<1x640xf32, #tpu.memory_space<vmem_shared>>
      %dma_start3A_92 = tpu.memref_squeeze %dma_start3A_91 : memref<1x640xf32, #tpu.memory_space<vmem_shared>> -> memref<640xf32, #tpu.memory_space<vmem_shared>>
      %dma_start3A_93 = arith.constant 0 : i32
      %dma_start3A_94 = tpu.memref_slice %arg6[%run_scoped3A_16, %dma_start3A_93] : memref<16x640xf32, #tpu.memory_space<vmem>> -> memref<1x640xf32, #tpu.memory_space<vmem>>
      %dma_start3A_95 = tpu.memref_squeeze %dma_start3A_94 : memref<1x640xf32, #tpu.memory_space<vmem>> -> memref<640xf32, #tpu.memory_space<vmem>>
      %dma_start3A_96 = tpu.memref_slice %arg8[%run_scoped3A, %mul3A_15] : memref<16x10240xf32, #tpu.memory_space<vmem_shared>> -> memref<1x640xf32, #tpu.memory_space<vmem_shared>>
      %dma_start3A_97 = tpu.memref_squeeze %dma_start3A_96 : memref<1x640xf32, #tpu.memory_space<vmem_shared>> -> memref<640xf32, #tpu.memory_space<vmem_shared>>
      tpu.enqueue_dma source(%dma_start3A_97 : memref<640xf32, #tpu.memory_space<vmem_shared>>) target(%dma_start3A_95 : memref<640xf32, #tpu.memory_space<vmem>>) target_semaphore(%run_scoped3A_88 : memref<!tpu.dma_semaphore, #tpu.memory_space<semaphore_mem>>)
      %dma_wait3A = arith.constant 0 : i32
      %dma_wait3A_98 = tpu.memref_slice %arg6[%run_scoped3A_16, %dma_wait3A] : memref<16x640xf32, #tpu.memory_space<vmem>> -> memref<1x640xf32, #tpu.memory_space<vmem>>
      %dma_wait3A_99 = tpu.memref_squeeze %dma_wait3A_98 : memref<1x640xf32, #tpu.memory_space<vmem>> -> memref<640xf32, #tpu.memory_space<vmem>>
      %dma_wait3A_100 = tpu.memref_slice %arg8[%run_scoped3A, %mul3A_15] : memref<16x10240xf32, #tpu.memory_space<vmem_shared>> -> memref<1x640xf32, #tpu.memory_space<vmem_shared>>
      %dma_wait3A_101 = tpu.memref_squeeze %dma_wait3A_100 : memref<1x640xf32, #tpu.memory_space<vmem_shared>> -> memref<640xf32, #tpu.memory_space<vmem_shared>>
      %dma_wait3A_102 = arith.constant 0 : i32
      %dma_wait3A_103 = tpu.memref_slice %arg6[%run_scoped3A_16, %dma_wait3A_102] : memref<16x640xf32, #tpu.memory_space<vmem>> -> memref<1x640xf32, #tpu.memory_space<vmem>>
      %dma_wait3A_104 = tpu.memref_squeeze %dma_wait3A_103 : memref<1x640xf32, #tpu.memory_space<vmem>> -> memref<640xf32, #tpu.memory_space<vmem>>
      %dma_wait3A_105 = tpu.memref_slice %arg8[%run_scoped3A, %mul3A_15] : memref<16x10240xf32, #tpu.memory_space<vmem_shared>> -> memref<1x640xf32, #tpu.memory_space<vmem_shared>>
      %dma_wait3A_106 = tpu.memref_squeeze %dma_wait3A_105 : memref<1x640xf32, #tpu.memory_space<vmem_shared>> -> memref<640xf32, #tpu.memory_space<vmem_shared>>
      tpu.wait_dma2 semaphore(%run_scoped3A_88 : memref<!tpu.dma_semaphore, #tpu.memory_space<semaphore_mem>>) src(%dma_wait3A_106 : memref<640xf32, #tpu.memory_space<vmem_shared>>) dst(%dma_wait3A_104 : memref<640xf32, #tpu.memory_space<vmem>>)
      tpu.yield
    }) : () -> ()
    %mul3A_17 = arith.constant 640 : i32
    %mul3A_18 = arith.muli %arg1, %mul3A_17 : i32
    %run_scoped3A_19 = arith.constant 1 : i32
    %run_scoped3A_20 = arith.constant 1 : i32
    "tpu.region"() ({
      %run_scoped3A_88 = tpu.sem_alloc : memref<!tpu.dma_semaphore, #tpu.memory_space<semaphore_mem>>
      %dma_start3A = arith.constant 0 : i32
      %dma_start3A_89 = tpu.memref_slice %arg6[%run_scoped3A_20, %dma_start3A] : memref<16x640xf32, #tpu.memory_space<vmem>> -> memref<1x640xf32, #tpu.memory_space<vmem>>
      %dma_start3A_90 = tpu.memref_squeeze %dma_start3A_89 : memref<1x640xf32, #tpu.memory_space<vmem>> -> memref<640xf32, #tpu.memory_space<vmem>>
      %dma_start3A_91 = tpu.memref_slice %arg8[%run_scoped3A_19, %mul3A_18] : memref<16x10240xf32, #tpu.memory_space<vmem_shared>> -> memref<1x640xf32, #tpu.memory_space<vmem_shared>>
      %dma_start3A_92 = tpu.memref_squeeze %dma_start3A_91 : memref<1x640xf32, #tpu.memory_space<vmem_shared>> -> memref<640xf32, #tpu.memory_space<vmem_shared>>
      %dma_start3A_93 = arith.constant 0 : i32
      %dma_start3A_94 = tpu.memref_slice %arg6[%run_scoped3A_20, %dma_start3A_93] : memref<16x640xf32, #tpu.memory_space<vmem>> -> memref<1x640xf32, #tpu.memory_space<vmem>>
      %dma_start3A_95 = tpu.memref_squeeze %dma_start3A_94 : memref<1x640xf32, #tpu.memory_space<vmem>> -> memref<640xf32, #tpu.memory_space<vmem>>
      %dma_start3A_96 = tpu.memref_slice %arg8[%run_scoped3A_19, %mul3A_18] : memref<16x10240xf32, #tpu.memory_space<vmem_shared>> -> memref<1x640xf32, #tpu.memory_space<vmem_shared>>
      %dma_start3A_97 = tpu.memref_squeeze %dma_start3A_96 : memref<1x640xf32, #tpu.memory_space<vmem_shared>> -> memref<640xf32, #tpu.memory_space<vmem_shared>>
      tpu.enqueue_dma source(%dma_start3A_97 : memref<640xf32, #tpu.memory_space<vmem_shared>>) target(%dma_start3A_95 : memref<640xf32, #tpu.memory_space<vmem>>) target_semaphore(%run_scoped3A_88 : memref<!tpu.dma_semaphore, #tpu.memory_space<semaphore_mem>>)
      %dma_wait3A = arith.constant 0 : i32
      %dma_wait3A_98 = tpu.memref_slice %arg6[%run_scoped3A_20, %dma_wait3A] : memref<16x640xf32, #tpu.memory_space<vmem>> -> memref<1x640xf32, #tpu.memory_space<vmem>>
      %dma_wait3A_99 = tpu.memref_squeeze %dma_wait3A_98 : memref<1x640xf32, #tpu.memory_space<vmem>> -> memref<640xf32, #tpu.memory_space<vmem>>
      %dma_wait3A_100 = tpu.memref_slice %arg8[%run_scoped3A_19, %mul3A_18] : memref<16x10240xf32, #tpu.memory_space<vmem_shared>> -> memref<1x640xf32, #tpu.memory_space<vmem_shared>>
      %dma_wait3A_101 = tpu.memref_squeeze %dma_wait3A_100 : memref<1x640xf32, #tpu.memory_space<vmem_shared>> -> memref<640xf32, #tpu.memory_space<vmem_shared>>
      %dma_wait3A_102 = arith.constant 0 : i32
      %dma_wait3A_103 = tpu.memref_slice %arg6[%run_scoped3A_20, %dma_wait3A_102] : memref<16x640xf32, #tpu.memory_space<vmem>> -> memref<1x640xf32, #tpu.memory_space<vmem>>
      %dma_wait3A_104 = tpu.memref_squeeze %dma_wait3A_103 : memref<1x640xf32, #tpu.memory_space<vmem>> -> memref<640xf32, #tpu.memory_space<vmem>>
      %dma_wait3A_105 = tpu.memref_slice %arg8[%run_scoped3A_19, %mul3A_18] : memref<16x10240xf32, #tpu.memory_space<vmem_shared>> -> memref<1x640xf32, #tpu.memory_space<vmem_shared>>
      %dma_wait3A_106 = tpu.memref_squeeze %dma_wait3A_105 : memref<1x640xf32, #tpu.memory_space<vmem_shared>> -> memref<640xf32, #tpu.memory_space<vmem_shared>>
      tpu.wait_dma2 semaphore(%run_scoped3A_88 : memref<!tpu.dma_semaphore, #tpu.memory_space<semaphore_mem>>) src(%dma_wait3A_106 : memref<640xf32, #tpu.memory_space<vmem_shared>>) dst(%dma_wait3A_104 : memref<640xf32, #tpu.memory_space<vmem>>)
      tpu.yield
    }) : () -> ()
    %mul3A_21 = arith.constant 640 : i32
    %mul3A_22 = arith.muli %arg1, %mul3A_21 : i32
    %run_scoped3A_23 = arith.constant 2 : i32
    %run_scoped3A_24 = arith.constant 2 : i32
    "tpu.region"() ({
      %run_scoped3A_88 = tpu.sem_alloc : memref<!tpu.dma_semaphore, #tpu.memory_space<semaphore_mem>>
      %dma_start3A = arith.constant 0 : i32
      %dma_start3A_89 = tpu.memref_slice %arg6[%run_scoped3A_24, %dma_start3A] : memref<16x640xf32, #tpu.memory_space<vmem>> -> memref<1x640xf32, #tpu.memory_space<vmem>>
      %dma_start3A_90 = tpu.memref_squeeze %dma_start3A_89 : memref<1x640xf32, #tpu.memory_space<vmem>> -> memref<640xf32, #tpu.memory_space<vmem>>
      %dma_start3A_91 = tpu.memref_slice %arg8[%run_scoped3A_23, %mul3A_22] : memref<16x10240xf32, #tpu.memory_space<vmem_shared>> -> memref<1x640xf32, #tpu.memory_space<vmem_shared>>
      %dma_start3A_92 = tpu.memref_squeeze %dma_start3A_91 : memref<1x640xf32, #tpu.memory_space<vmem_shared>> -> memref<640xf32, #tpu.memory_space<vmem_shared>>
      %dma_start3A_93 = arith.constant 0 : i32
      %dma_start3A_94 = tpu.memref_slice %arg6[%run_scoped3A_24, %dma_start3A_93] : memref<16x640xf32, #tpu.memory_space<vmem>> -> memref<1x640xf32, #tpu.memory_space<vmem>>
      %dma_start3A_95 = tpu.memref_squeeze %dma_start3A_94 : memref<1x640xf32, #tpu.memory_space<vmem>> -> memref<640xf32, #tpu.memory_space<vmem>>
      %dma_start3A_96 = tpu.memref_slice %arg8[%run_scoped3A_23, %mul3A_22] : memref<16x10240xf32, #tpu.memory_space<vmem_shared>> -> memref<1x640xf32, #tpu.memory_space<vmem_shared>>
      %dma_start3A_97 = tpu.memref_squeeze %dma_start3A_96 : memref<1x640xf32, #tpu.memory_space<vmem_shared>> -> memref<640xf32, #tpu.memory_space<vmem_shared>>
      tpu.enqueue_dma source(%dma_start3A_97 : memref<640xf32, #tpu.memory_space<vmem_shared>>) target(%dma_start3A_95 : memref<640xf32, #tpu.memory_space<vmem>>) target_semaphore(%run_scoped3A_88 : memref<!tpu.dma_semaphore, #tpu.memory_space<semaphore_mem>>)
      %dma_wait3A = arith.constant 0 : i32
      %dma_wait3A_98 = tpu.memref_slice %arg6[%run_scoped3A_24, %dma_wait3A] : memref<16x640xf32, #tpu.memory_space<vmem>> -> memref<1x640xf32, #tpu.memory_space<vmem>>
      %dma_wait3A_99 = tpu.memref_squeeze %dma_wait3A_98 : memref<1x640xf32, #tpu.memory_space<vmem>> -> memref<640xf32, #tpu.memory_space<vmem>>
      %dma_wait3A_100 = tpu.memref_slice %arg8[%run_scoped3A_23, %mul3A_22] : memref<16x10240xf32, #tpu.memory_space<vmem_shared>> -> memref<1x640xf32, #tpu.memory_space<vmem_shared>>
      %dma_wait3A_101 = tpu.memref_squeeze %dma_wait3A_100 : memref<1x640xf32, #tpu.memory_space<vmem_shared>> -> memref<640xf32, #tpu.memory_space<vmem_shared>>
      %dma_wait3A_102 = arith.constant 0 : i32
      %dma_wait3A_103 = tpu.memref_slice %arg6[%run_scoped3A_24, %dma_wait3A_102] : memref<16x640xf32, #tpu.memory_space<vmem>> -> memref<1x640xf32, #tpu.memory_space<vmem>>
      %dma_wait3A_104 = tpu.memref_squeeze %dma_wait3A_103 : memref<1x640xf32, #tpu.memory_space<vmem>> -> memref<640xf32, #tpu.memory_space<vmem>>
      %dma_wait3A_105 = tpu.memref_slice %arg8[%run_scoped3A_23, %mul3A_22] : memref<16x10240xf32, #tpu.memory_space<vmem_shared>> -> memref<1x640xf32, #tpu.memory_space<vmem_shared>>
      %dma_wait3A_106 = tpu.memref_squeeze %dma_wait3A_105 : memref<1x640xf32, #tpu.memory_space<vmem_shared>> -> memref<640xf32, #tpu.memory_space<vmem_shared>>
      tpu.wait_dma2 semaphore(%run_scoped3A_88 : memref<!tpu.dma_semaphore, #tpu.memory_space<semaphore_mem>>) src(%dma_wait3A_106 : memref<640xf32, #tpu.memory_space<vmem_shared>>) dst(%dma_wait3A_104 : memref<640xf32, #tpu.memory_space<vmem>>)
      tpu.yield
    }) : () -> ()
    %mul3A_25 = arith.constant 640 : i32
    %mul3A_26 = arith.muli %arg1, %mul3A_25 : i32
    %run_scoped3A_27 = arith.constant 3 : i32
    %run_scoped3A_28 = arith.constant 3 : i32
    "tpu.region"() ({
      %run_scoped3A_88 = tpu.sem_alloc : memref<!tpu.dma_semaphore, #tpu.memory_space<semaphore_mem>>
      %dma_start3A = arith.constant 0 : i32
      %dma_start3A_89 = tpu.memref_slice %arg6[%run_scoped3A_28, %dma_start3A] : memref<16x640xf32, #tpu.memory_space<vmem>> -> memref<1x640xf32, #tpu.memory_space<vmem>>
      %dma_start3A_90 = tpu.memref_squeeze %dma_start3A_89 : memref<1x640xf32, #tpu.memory_space<vmem>> -> memref<640xf32, #tpu.memory_space<vmem>>
      %dma_start3A_91 = tpu.memref_slice %arg8[%run_scoped3A_27, %mul3A_26] : memref<16x10240xf32, #tpu.memory_space<vmem_shared>> -> memref<1x640xf32, #tpu.memory_space<vmem_shared>>
      %dma_start3A_92 = tpu.memref_squeeze %dma_start3A_91 : memref<1x640xf32, #tpu.memory_space<vmem_shared>> -> memref<640xf32, #tpu.memory_space<vmem_shared>>
      %dma_start3A_93 = arith.constant 0 : i32
      %dma_start3A_94 = tpu.memref_slice %arg6[%run_scoped3A_28, %dma_start3A_93] : memref<16x640xf32, #tpu.memory_space<vmem>> -> memref<1x640xf32, #tpu.memory_space<vmem>>
      %dma_start3A_95 = tpu.memref_squeeze %dma_start3A_94 : memref<1x640xf32, #tpu.memory_space<vmem>> -> memref<640xf32, #tpu.memory_space<vmem>>
      %dma_start3A_96 = tpu.memref_slice %arg8[%run_scoped3A_27, %mul3A_26] : memref<16x10240xf32, #tpu.memory_space<vmem_shared>> -> memref<1x640xf32, #tpu.memory_space<vmem_shared>>
      %dma_start3A_97 = tpu.memref_squeeze %dma_start3A_96 : memref<1x640xf32, #tpu.memory_space<vmem_shared>> -> memref<640xf32, #tpu.memory_space<vmem_shared>>
      tpu.enqueue_dma source(%dma_start3A_97 : memref<640xf32, #tpu.memory_space<vmem_shared>>) target(%dma_start3A_95 : memref<640xf32, #tpu.memory_space<vmem>>) target_semaphore(%run_scoped3A_88 : memref<!tpu.dma_semaphore, #tpu.memory_space<semaphore_mem>>)
      %dma_wait3A = arith.constant 0 : i32
      %dma_wait3A_98 = tpu.memref_slice %arg6[%run_scoped3A_28, %dma_wait3A] : memref<16x640xf32, #tpu.memory_space<vmem>> -> memref<1x640xf32, #tpu.memory_space<vmem>>
      %dma_wait3A_99 = tpu.memref_squeeze %dma_wait3A_98 : memref<1x640xf32, #tpu.memory_space<vmem>> -> memref<640xf32, #tpu.memory_space<vmem>>
      %dma_wait3A_100 = tpu.memref_slice %arg8[%run_scoped3A_27, %mul3A_26] : memref<16x10240xf32, #tpu.memory_space<vmem_shared>> -> memref<1x640xf32, #tpu.memory_space<vmem_shared>>
      %dma_wait3A_101 = tpu.memref_squeeze %dma_wait3A_100 : memref<1x640xf32, #tpu.memory_space<vmem_shared>> -> memref<640xf32, #tpu.memory_space<vmem_shared>>
      %dma_wait3A_102 = arith.constant 0 : i32
      %dma_wait3A_103 = tpu.memref_slice %arg6[%run_scoped3A_28, %dma_wait3A_102] : memref<16x640xf32, #tpu.memory_space<vmem>> -> memref<1x640xf32, #tpu.memory_space<vmem>>
      %dma_wait3A_104 = tpu.memref_squeeze %dma_wait3A_103 : memref<1x640xf32, #tpu.memory_space<vmem>> -> memref<640xf32, #tpu.memory_space<vmem>>
      %dma_wait3A_105 = tpu.memref_slice %arg8[%run_scoped3A_27, %mul3A_26] : memref<16x10240xf32, #tpu.memory_space<vmem_shared>> -> memref<1x640xf32, #tpu.memory_space<vmem_shared>>
      %dma_wait3A_106 = tpu.memref_squeeze %dma_wait3A_105 : memref<1x640xf32, #tpu.memory_space<vmem_shared>> -> memref<640xf32, #tpu.memory_space<vmem_shared>>
      tpu.wait_dma2 semaphore(%run_scoped3A_88 : memref<!tpu.dma_semaphore, #tpu.memory_space<semaphore_mem>>) src(%dma_wait3A_106 : memref<640xf32, #tpu.memory_space<vmem_shared>>) dst(%dma_wait3A_104 : memref<640xf32, #tpu.memory_space<vmem>>)
      tpu.yield
    }) : () -> ()
    %mul3A_29 = arith.constant 640 : i32
    %mul3A_30 = arith.muli %arg1, %mul3A_29 : i32
    %run_scoped3A_31 = arith.constant 4 : i32
    %run_scoped3A_32 = arith.constant 4 : i32
    "tpu.region"() ({
      %run_scoped3A_88 = tpu.sem_alloc : memref<!tpu.dma_semaphore, #tpu.memory_space<semaphore_mem>>
      %dma_start3A = arith.constant 0 : i32
      %dma_start3A_89 = tpu.memref_slice %arg6[%run_scoped3A_32, %dma_start3A] : memref<16x640xf32, #tpu.memory_space<vmem>> -> memref<1x640xf32, #tpu.memory_space<vmem>>
      %dma_start3A_90 = tpu.memref_squeeze %dma_start3A_89 : memref<1x640xf32, #tpu.memory_space<vmem>> -> memref<640xf32, #tpu.memory_space<vmem>>
      %dma_start3A_91 = tpu.memref_slice %arg8[%run_scoped3A_31, %mul3A_30] : memref<16x10240xf32, #tpu.memory_space<vmem_shared>> -> memref<1x640xf32, #tpu.memory_space<vmem_shared>>
      %dma_start3A_92 = tpu.memref_squeeze %dma_start3A_91 : memref<1x640xf32, #tpu.memory_space<vmem_shared>> -> memref<640xf32, #tpu.memory_space<vmem_shared>>
      %dma_start3A_93 = arith.constant 0 : i32
      %dma_start3A_94 = tpu.memref_slice %arg6[%run_scoped3A_32, %dma_start3A_93] : memref<16x640xf32, #tpu.memory_space<vmem>> -> memref<1x640xf32, #tpu.memory_space<vmem>>
      %dma_start3A_95 = tpu.memref_squeeze %dma_start3A_94 : memref<1x640xf32, #tpu.memory_space<vmem>> -> memref<640xf32, #tpu.memory_space<vmem>>
      %dma_start3A_96 = tpu.memref_slice %arg8[%run_scoped3A_31, %mul3A_30] : memref<16x10240xf32, #tpu.memory_space<vmem_shared>> -> memref<1x640xf32, #tpu.memory_space<vmem_shared>>
      %dma_start3A_97 = tpu.memref_squeeze %dma_start3A_96 : memref<1x640xf32, #tpu.memory_space<vmem_shared>> -> memref<640xf32, #tpu.memory_space<vmem_shared>>
      tpu.enqueue_dma source(%dma_start3A_97 : memref<640xf32, #tpu.memory_space<vmem_shared>>) target(%dma_start3A_95 : memref<640xf32, #tpu.memory_space<vmem>>) target_semaphore(%run_scoped3A_88 : memref<!tpu.dma_semaphore, #tpu.memory_space<semaphore_mem>>)
      %dma_wait3A = arith.constant 0 : i32
      %dma_wait3A_98 = tpu.memref_slice %arg6[%run_scoped3A_32, %dma_wait3A] : memref<16x640xf32, #tpu.memory_space<vmem>> -> memref<1x640xf32, #tpu.memory_space<vmem>>
      %dma_wait3A_99 = tpu.memref_squeeze %dma_wait3A_98 : memref<1x640xf32, #tpu.memory_space<vmem>> -> memref<640xf32, #tpu.memory_space<vmem>>
      %dma_wait3A_100 = tpu.memref_slice %arg8[%run_scoped3A_31, %mul3A_30] : memref<16x10240xf32, #tpu.memory_space<vmem_shared>> -> memref<1x640xf32, #tpu.memory_space<vmem_shared>>
      %dma_wait3A_101 = tpu.memref_squeeze %dma_wait3A_100 : memref<1x640xf32, #tpu.memory_space<vmem_shared>> -> memref<640xf32, #tpu.memory_space<vmem_shared>>
      %dma_wait3A_102 = arith.constant 0 : i32
      %dma_wait3A_103 = tpu.memref_slice %arg6[%run_scoped3A_32, %dma_wait3A_102] : memref<16x640xf32, #tpu.memory_space<vmem>> -> memref<1x640xf32, #tpu.memory_space<vmem>>
      %dma_wait3A_104 = tpu.memref_squeeze %dma_wait3A_103 : memref<1x640xf32, #tpu.memory_space<vmem>> -> memref<640xf32, #tpu.memory_space<vmem>>
      %dma_wait3A_105 = tpu.memref_slice %arg8[%run_scoped3A_31, %mul3A_30] : memref<16x10240xf32, #tpu.memory_space<vmem_shared>> -> memref<1x640xf32, #tpu.memory_space<vmem_shared>>
      %dma_wait3A_106 = tpu.memref_squeeze %dma_wait3A_105 : memref<1x640xf32, #tpu.memory_space<vmem_shared>> -> memref<640xf32, #tpu.memory_space<vmem_shared>>
      tpu.wait_dma2 semaphore(%run_scoped3A_88 : memref<!tpu.dma_semaphore, #tpu.memory_space<semaphore_mem>>) src(%dma_wait3A_106 : memref<640xf32, #tpu.memory_space<vmem_shared>>) dst(%dma_wait3A_104 : memref<640xf32, #tpu.memory_space<vmem>>)
      tpu.yield
    }) : () -> ()
    %mul3A_33 = arith.constant 640 : i32
    %mul3A_34 = arith.muli %arg1, %mul3A_33 : i32
    %run_scoped3A_35 = arith.constant 5 : i32
    %run_scoped3A_36 = arith.constant 5 : i32
    "tpu.region"() ({
      %run_scoped3A_88 = tpu.sem_alloc : memref<!tpu.dma_semaphore, #tpu.memory_space<semaphore_mem>>
      %dma_start3A = arith.constant 0 : i32
      %dma_start3A_89 = tpu.memref_slice %arg6[%run_scoped3A_36, %dma_start3A] : memref<16x640xf32, #tpu.memory_space<vmem>> -> memref<1x640xf32, #tpu.memory_space<vmem>>
      %dma_start3A_90 = tpu.memref_squeeze %dma_start3A_89 : memref<1x640xf32, #tpu.memory_space<vmem>> -> memref<640xf32, #tpu.memory_space<vmem>>
      %dma_start3A_91 = tpu.memref_slice %arg8[%run_scoped3A_35, %mul3A_34] : memref<16x10240xf32, #tpu.memory_space<vmem_shared>> -> memref<1x640xf32, #tpu.memory_space<vmem_shared>>
      %dma_start3A_92 = tpu.memref_squeeze %dma_start3A_91 : memref<1x640xf32, #tpu.memory_space<vmem_shared>> -> memref<640xf32, #tpu.memory_space<vmem_shared>>
      %dma_start3A_93 = arith.constant 0 : i32
      %dma_start3A_94 = tpu.memref_slice %arg6[%run_scoped3A_36, %dma_start3A_93] : memref<16x640xf32, #tpu.memory_space<vmem>> -> memref<1x640xf32, #tpu.memory_space<vmem>>
      %dma_start3A_95 = tpu.memref_squeeze %dma_start3A_94 : memref<1x640xf32, #tpu.memory_space<vmem>> -> memref<640xf32, #tpu.memory_space<vmem>>
      %dma_start3A_96 = tpu.memref_slice %arg8[%run_scoped3A_35, %mul3A_34] : memref<16x10240xf32, #tpu.memory_space<vmem_shared>> -> memref<1x640xf32, #tpu.memory_space<vmem_shared>>
      %dma_start3A_97 = tpu.memref_squeeze %dma_start3A_96 : memref<1x640xf32, #tpu.memory_space<vmem_shared>> -> memref<640xf32, #tpu.memory_space<vmem_shared>>
      tpu.enqueue_dma source(%dma_start3A_97 : memref<640xf32, #tpu.memory_space<vmem_shared>>) target(%dma_start3A_95 : memref<640xf32, #tpu.memory_space<vmem>>) target_semaphore(%run_scoped3A_88 : memref<!tpu.dma_semaphore, #tpu.memory_space<semaphore_mem>>)
      %dma_wait3A = arith.constant 0 : i32
      %dma_wait3A_98 = tpu.memref_slice %arg6[%run_scoped3A_36, %dma_wait3A] : memref<16x640xf32, #tpu.memory_space<vmem>> -> memref<1x640xf32, #tpu.memory_space<vmem>>
      %dma_wait3A_99 = tpu.memref_squeeze %dma_wait3A_98 : memref<1x640xf32, #tpu.memory_space<vmem>> -> memref<640xf32, #tpu.memory_space<vmem>>
      %dma_wait3A_100 = tpu.memref_slice %arg8[%run_scoped3A_35, %mul3A_34] : memref<16x10240xf32, #tpu.memory_space<vmem_shared>> -> memref<1x640xf32, #tpu.memory_space<vmem_shared>>
      %dma_wait3A_101 = tpu.memref_squeeze %dma_wait3A_100 : memref<1x640xf32, #tpu.memory_space<vmem_shared>> -> memref<640xf32, #tpu.memory_space<vmem_shared>>
      %dma_wait3A_102 = arith.constant 0 : i32
      %dma_wait3A_103 = tpu.memref_slice %arg6[%run_scoped3A_36, %dma_wait3A_102] : memref<16x640xf32, #tpu.memory_space<vmem>> -> memref<1x640xf32, #tpu.memory_space<vmem>>
      %dma_wait3A_104 = tpu.memref_squeeze %dma_wait3A_103 : memref<1x640xf32, #tpu.memory_space<vmem>> -> memref<640xf32, #tpu.memory_space<vmem>>
      %dma_wait3A_105 = tpu.memref_slice %arg8[%run_scoped3A_35, %mul3A_34] : memref<16x10240xf32, #tpu.memory_space<vmem_shared>> -> memref<1x640xf32, #tpu.memory_space<vmem_shared>>
      %dma_wait3A_106 = tpu.memref_squeeze %dma_wait3A_105 : memref<1x640xf32, #tpu.memory_space<vmem_shared>> -> memref<640xf32, #tpu.memory_space<vmem_shared>>
      tpu.wait_dma2 semaphore(%run_scoped3A_88 : memref<!tpu.dma_semaphore, #tpu.memory_space<semaphore_mem>>) src(%dma_wait3A_106 : memref<640xf32, #tpu.memory_space<vmem_shared>>) dst(%dma_wait3A_104 : memref<640xf32, #tpu.memory_space<vmem>>)
      tpu.yield
    }) : () -> ()
    %mul3A_37 = arith.constant 640 : i32
    %mul3A_38 = arith.muli %arg1, %mul3A_37 : i32
    %run_scoped3A_39 = arith.constant 6 : i32
    %run_scoped3A_40 = arith.constant 6 : i32
    "tpu.region"() ({
      %run_scoped3A_88 = tpu.sem_alloc : memref<!tpu.dma_semaphore, #tpu.memory_space<semaphore_mem>>
      %dma_start3A = arith.constant 0 : i32
      %dma_start3A_89 = tpu.memref_slice %arg6[%run_scoped3A_40, %dma_start3A] : memref<16x640xf32, #tpu.memory_space<vmem>> -> memref<1x640xf32, #tpu.memory_space<vmem>>
      %dma_start3A_90 = tpu.memref_squeeze %dma_start3A_89 : memref<1x640xf32, #tpu.memory_space<vmem>> -> memref<640xf32, #tpu.memory_space<vmem>>
      %dma_start3A_91 = tpu.memref_slice %arg8[%run_scoped3A_39, %mul3A_38] : memref<16x10240xf32, #tpu.memory_space<vmem_shared>> -> memref<1x640xf32, #tpu.memory_space<vmem_shared>>
      %dma_start3A_92 = tpu.memref_squeeze %dma_start3A_91 : memref<1x640xf32, #tpu.memory_space<vmem_shared>> -> memref<640xf32, #tpu.memory_space<vmem_shared>>
      %dma_start3A_93 = arith.constant 0 : i32
      %dma_start3A_94 = tpu.memref_slice %arg6[%run_scoped3A_40, %dma_start3A_93] : memref<16x640xf32, #tpu.memory_space<vmem>> -> memref<1x640xf32, #tpu.memory_space<vmem>>
      %dma_start3A_95 = tpu.memref_squeeze %dma_start3A_94 : memref<1x640xf32, #tpu.memory_space<vmem>> -> memref<640xf32, #tpu.memory_space<vmem>>
      %dma_start3A_96 = tpu.memref_slice %arg8[%run_scoped3A_39, %mul3A_38] : memref<16x10240xf32, #tpu.memory_space<vmem_shared>> -> memref<1x640xf32, #tpu.memory_space<vmem_shared>>
      %dma_start3A_97 = tpu.memref_squeeze %dma_start3A_96 : memref<1x640xf32, #tpu.memory_space<vmem_shared>> -> memref<640xf32, #tpu.memory_space<vmem_shared>>
      tpu.enqueue_dma source(%dma_start3A_97 : memref<640xf32, #tpu.memory_space<vmem_shared>>) target(%dma_start3A_95 : memref<640xf32, #tpu.memory_space<vmem>>) target_semaphore(%run_scoped3A_88 : memref<!tpu.dma_semaphore, #tpu.memory_space<semaphore_mem>>)
      %dma_wait3A = arith.constant 0 : i32
      %dma_wait3A_98 = tpu.memref_slice %arg6[%run_scoped3A_40, %dma_wait3A] : memref<16x640xf32, #tpu.memory_space<vmem>> -> memref<1x640xf32, #tpu.memory_space<vmem>>
      %dma_wait3A_99 = tpu.memref_squeeze %dma_wait3A_98 : memref<1x640xf32, #tpu.memory_space<vmem>> -> memref<640xf32, #tpu.memory_space<vmem>>
      %dma_wait3A_100 = tpu.memref_slice %arg8[%run_scoped3A_39, %mul3A_38] : memref<16x10240xf32, #tpu.memory_space<vmem_shared>> -> memref<1x640xf32, #tpu.memory_space<vmem_shared>>
      %dma_wait3A_101 = tpu.memref_squeeze %dma_wait3A_100 : memref<1x640xf32, #tpu.memory_space<vmem_shared>> -> memref<640xf32, #tpu.memory_space<vmem_shared>>
      %dma_wait3A_102 = arith.constant 0 : i32
      %dma_wait3A_103 = tpu.memref_slice %arg6[%run_scoped3A_40, %dma_wait3A_102] : memref<16x640xf32, #tpu.memory_space<vmem>> -> memref<1x640xf32, #tpu.memory_space<vmem>>
      %dma_wait3A_104 = tpu.memref_squeeze %dma_wait3A_103 : memref<1x640xf32, #tpu.memory_space<vmem>> -> memref<640xf32, #tpu.memory_space<vmem>>
      %dma_wait3A_105 = tpu.memref_slice %arg8[%run_scoped3A_39, %mul3A_38] : memref<16x10240xf32, #tpu.memory_space<vmem_shared>> -> memref<1x640xf32, #tpu.memory_space<vmem_shared>>
      %dma_wait3A_106 = tpu.memref_squeeze %dma_wait3A_105 : memref<1x640xf32, #tpu.memory_space<vmem_shared>> -> memref<640xf32, #tpu.memory_space<vmem_shared>>
      tpu.wait_dma2 semaphore(%run_scoped3A_88 : memref<!tpu.dma_semaphore, #tpu.memory_space<semaphore_mem>>) src(%dma_wait3A_106 : memref<640xf32, #tpu.memory_space<vmem_shared>>) dst(%dma_wait3A_104 : memref<640xf32, #tpu.memory_space<vmem>>)
      tpu.yield
    }) : () -> ()
    %mul3A_41 = arith.constant 640 : i32
    %mul3A_42 = arith.muli %arg1, %mul3A_41 : i32
    %run_scoped3A_43 = arith.constant 7 : i32
    %run_scoped3A_44 = arith.constant 7 : i32
    "tpu.region"() ({
      %run_scoped3A_88 = tpu.sem_alloc : memref<!tpu.dma_semaphore, #tpu.memory_space<semaphore_mem>>
      %dma_start3A = arith.constant 0 : i32
      %dma_start3A_89 = tpu.memref_slice %arg6[%run_scoped3A_44, %dma_start3A] : memref<16x640xf32, #tpu.memory_space<vmem>> -> memref<1x640xf32, #tpu.memory_space<vmem>>
      %dma_start3A_90 = tpu.memref_squeeze %dma_start3A_89 : memref<1x640xf32, #tpu.memory_space<vmem>> -> memref<640xf32, #tpu.memory_space<vmem>>
      %dma_start3A_91 = tpu.memref_slice %arg8[%run_scoped3A_43, %mul3A_42] : memref<16x10240xf32, #tpu.memory_space<vmem_shared>> -> memref<1x640xf32, #tpu.memory_space<vmem_shared>>
      %dma_start3A_92 = tpu.memref_squeeze %dma_start3A_91 : memref<1x640xf32, #tpu.memory_space<vmem_shared>> -> memref<640xf32, #tpu.memory_space<vmem_shared>>
      %dma_start3A_93 = arith.constant 0 : i32
      %dma_start3A_94 = tpu.memref_slice %arg6[%run_scoped3A_44, %dma_start3A_93] : memref<16x640xf32, #tpu.memory_space<vmem>> -> memref<1x640xf32, #tpu.memory_space<vmem>>
      %dma_start3A_95 = tpu.memref_squeeze %dma_start3A_94 : memref<1x640xf32, #tpu.memory_space<vmem>> -> memref<640xf32, #tpu.memory_space<vmem>>
      %dma_start3A_96 = tpu.memref_slice %arg8[%run_scoped3A_43, %mul3A_42] : memref<16x10240xf32, #tpu.memory_space<vmem_shared>> -> memref<1x640xf32, #tpu.memory_space<vmem_shared>>
      %dma_start3A_97 = tpu.memref_squeeze %dma_start3A_96 : memref<1x640xf32, #tpu.memory_space<vmem_shared>> -> memref<640xf32, #tpu.memory_space<vmem_shared>>
      tpu.enqueue_dma source(%dma_start3A_97 : memref<640xf32, #tpu.memory_space<vmem_shared>>) target(%dma_start3A_95 : memref<640xf32, #tpu.memory_space<vmem>>) target_semaphore(%run_scoped3A_88 : memref<!tpu.dma_semaphore, #tpu.memory_space<semaphore_mem>>)
      %dma_wait3A = arith.constant 0 : i32
      %dma_wait3A_98 = tpu.memref_slice %arg6[%run_scoped3A_44, %dma_wait3A] : memref<16x640xf32, #tpu.memory_space<vmem>> -> memref<1x640xf32, #tpu.memory_space<vmem>>
      %dma_wait3A_99 = tpu.memref_squeeze %dma_wait3A_98 : memref<1x640xf32, #tpu.memory_space<vmem>> -> memref<640xf32, #tpu.memory_space<vmem>>
      %dma_wait3A_100 = tpu.memref_slice %arg8[%run_scoped3A_43, %mul3A_42] : memref<16x10240xf32, #tpu.memory_space<vmem_shared>> -> memref<1x640xf32, #tpu.memory_space<vmem_shared>>
      %dma_wait3A_101 = tpu.memref_squeeze %dma_wait3A_100 : memref<1x640xf32, #tpu.memory_space<vmem_shared>> -> memref<640xf32, #tpu.memory_space<vmem_shared>>
      %dma_wait3A_102 = arith.constant 0 : i32
      %dma_wait3A_103 = tpu.memref_slice %arg6[%run_scoped3A_44, %dma_wait3A_102] : memref<16x640xf32, #tpu.memory_space<vmem>> -> memref<1x640xf32, #tpu.memory_space<vmem>>
      %dma_wait3A_104 = tpu.memref_squeeze %dma_wait3A_103 : memref<1x640xf32, #tpu.memory_space<vmem>> -> memref<640xf32, #tpu.memory_space<vmem>>
      %dma_wait3A_105 = tpu.memref_slice %arg8[%run_scoped3A_43, %mul3A_42] : memref<16x10240xf32, #tpu.memory_space<vmem_shared>> -> memref<1x640xf32, #tpu.memory_space<vmem_shared>>
      %dma_wait3A_106 = tpu.memref_squeeze %dma_wait3A_105 : memref<1x640xf32, #tpu.memory_space<vmem_shared>> -> memref<640xf32, #tpu.memory_space<vmem_shared>>
      tpu.wait_dma2 semaphore(%run_scoped3A_88 : memref<!tpu.dma_semaphore, #tpu.memory_space<semaphore_mem>>) src(%dma_wait3A_106 : memref<640xf32, #tpu.memory_space<vmem_shared>>) dst(%dma_wait3A_104 : memref<640xf32, #tpu.memory_space<vmem>>)
      tpu.yield
    }) : () -> ()
    %mul3A_45 = arith.constant 640 : i32
    %mul3A_46 = arith.muli %arg1, %mul3A_45 : i32
    %run_scoped3A_47 = arith.constant 8 : i32
    %run_scoped3A_48 = arith.constant 8 : i32
    "tpu.region"() ({
      %run_scoped3A_88 = tpu.sem_alloc : memref<!tpu.dma_semaphore, #tpu.memory_space<semaphore_mem>>
      %dma_start3A = arith.constant 0 : i32
      %dma_start3A_89 = tpu.memref_slice %arg6[%run_scoped3A_48, %dma_start3A] : memref<16x640xf32, #tpu.memory_space<vmem>> -> memref<1x640xf32, #tpu.memory_space<vmem>>
      %dma_start3A_90 = tpu.memref_squeeze %dma_start3A_89 : memref<1x640xf32, #tpu.memory_space<vmem>> -> memref<640xf32, #tpu.memory_space<vmem>>
      %dma_start3A_91 = tpu.memref_slice %arg8[%run_scoped3A_47, %mul3A_46] : memref<16x10240xf32, #tpu.memory_space<vmem_shared>> -> memref<1x640xf32, #tpu.memory_space<vmem_shared>>
      %dma_start3A_92 = tpu.memref_squeeze %dma_start3A_91 : memref<1x640xf32, #tpu.memory_space<vmem_shared>> -> memref<640xf32, #tpu.memory_space<vmem_shared>>
      %dma_start3A_93 = arith.constant 0 : i32
      %dma_start3A_94 = tpu.memref_slice %arg6[%run_scoped3A_48, %dma_start3A_93] : memref<16x640xf32, #tpu.memory_space<vmem>> -> memref<1x640xf32, #tpu.memory_space<vmem>>
      %dma_start3A_95 = tpu.memref_squeeze %dma_start3A_94 : memref<1x640xf32, #tpu.memory_space<vmem>> -> memref<640xf32, #tpu.memory_space<vmem>>
      %dma_start3A_96 = tpu.memref_slice %arg8[%run_scoped3A_47, %mul3A_46] : memref<16x10240xf32, #tpu.memory_space<vmem_shared>> -> memref<1x640xf32, #tpu.memory_space<vmem_shared>>
      %dma_start3A_97 = tpu.memref_squeeze %dma_start3A_96 : memref<1x640xf32, #tpu.memory_space<vmem_shared>> -> memref<640xf32, #tpu.memory_space<vmem_shared>>
      tpu.enqueue_dma source(%dma_start3A_97 : memref<640xf32, #tpu.memory_space<vmem_shared>>) target(%dma_start3A_95 : memref<640xf32, #tpu.memory_space<vmem>>) target_semaphore(%run_scoped3A_88 : memref<!tpu.dma_semaphore, #tpu.memory_space<semaphore_mem>>)
      %dma_wait3A = arith.constant 0 : i32
      %dma_wait3A_98 = tpu.memref_slice %arg6[%run_scoped3A_48, %dma_wait3A] : memref<16x640xf32, #tpu.memory_space<vmem>> -> memref<1x640xf32, #tpu.memory_space<vmem>>
      %dma_wait3A_99 = tpu.memref_squeeze %dma_wait3A_98 : memref<1x640xf32, #tpu.memory_space<vmem>> -> memref<640xf32, #tpu.memory_space<vmem>>
      %dma_wait3A_100 = tpu.memref_slice %arg8[%run_scoped3A_47, %mul3A_46] : memref<16x10240xf32, #tpu.memory_space<vmem_shared>> -> memref<1x640xf32, #tpu.memory_space<vmem_shared>>
      %dma_wait3A_101 = tpu.memref_squeeze %dma_wait3A_100 : memref<1x640xf32, #tpu.memory_space<vmem_shared>> -> memref<640xf32, #tpu.memory_space<vmem_shared>>
      %dma_wait3A_102 = arith.constant 0 : i32
      %dma_wait3A_103 = tpu.memref_slice %arg6[%run_scoped3A_48, %dma_wait3A_102] : memref<16x640xf32, #tpu.memory_space<vmem>> -> memref<1x640xf32, #tpu.memory_space<vmem>>
      %dma_wait3A_104 = tpu.memref_squeeze %dma_wait3A_103 : memref<1x640xf32, #tpu.memory_space<vmem>> -> memref<640xf32, #tpu.memory_space<vmem>>
      %dma_wait3A_105 = tpu.memref_slice %arg8[%run_scoped3A_47, %mul3A_46] : memref<16x10240xf32, #tpu.memory_space<vmem_shared>> -> memref<1x640xf32, #tpu.memory_space<vmem_shared>>
      %dma_wait3A_106 = tpu.memref_squeeze %dma_wait3A_105 : memref<1x640xf32, #tpu.memory_space<vmem_shared>> -> memref<640xf32, #tpu.memory_space<vmem_shared>>
      tpu.wait_dma2 semaphore(%run_scoped3A_88 : memref<!tpu.dma_semaphore, #tpu.memory_space<semaphore_mem>>) src(%dma_wait3A_106 : memref<640xf32, #tpu.memory_space<vmem_shared>>) dst(%dma_wait3A_104 : memref<640xf32, #tpu.memory_space<vmem>>)
      tpu.yield
    }) : () -> ()
    %mul3A_49 = arith.constant 640 : i32
    %mul3A_50 = arith.muli %arg1, %mul3A_49 : i32
    %run_scoped3A_51 = arith.constant 9 : i32
    %run_scoped3A_52 = arith.constant 9 : i32
    "tpu.region"() ({
      %run_scoped3A_88 = tpu.sem_alloc : memref<!tpu.dma_semaphore, #tpu.memory_space<semaphore_mem>>
      %dma_start3A = arith.constant 0 : i32
      %dma_start3A_89 = tpu.memref_slice %arg6[%run_scoped3A_52, %dma_start3A] : memref<16x640xf32, #tpu.memory_space<vmem>> -> memref<1x640xf32, #tpu.memory_space<vmem>>
      %dma_start3A_90 = tpu.memref_squeeze %dma_start3A_89 : memref<1x640xf32, #tpu.memory_space<vmem>> -> memref<640xf32, #tpu.memory_space<vmem>>
      %dma_start3A_91 = tpu.memref_slice %arg8[%run_scoped3A_51, %mul3A_50] : memref<16x10240xf32, #tpu.memory_space<vmem_shared>> -> memref<1x640xf32, #tpu.memory_space<vmem_shared>>
      %dma_start3A_92 = tpu.memref_squeeze %dma_start3A_91 : memref<1x640xf32, #tpu.memory_space<vmem_shared>> -> memref<640xf32, #tpu.memory_space<vmem_shared>>
      %dma_start3A_93 = arith.constant 0 : i32
      %dma_start3A_94 = tpu.memref_slice %arg6[%run_scoped3A_52, %dma_start3A_93] : memref<16x640xf32, #tpu.memory_space<vmem>> -> memref<1x640xf32, #tpu.memory_space<vmem>>
      %dma_start3A_95 = tpu.memref_squeeze %dma_start3A_94 : memref<1x640xf32, #tpu.memory_space<vmem>> -> memref<640xf32, #tpu.memory_space<vmem>>
      %dma_start3A_96 = tpu.memref_slice %arg8[%run_scoped3A_51, %mul3A_50] : memref<16x10240xf32, #tpu.memory_space<vmem_shared>> -> memref<1x640xf32, #tpu.memory_space<vmem_shared>>
      %dma_start3A_97 = tpu.memref_squeeze %dma_start3A_96 : memref<1x640xf32, #tpu.memory_space<vmem_shared>> -> memref<640xf32, #tpu.memory_space<vmem_shared>>
      tpu.enqueue_dma source(%dma_start3A_97 : memref<640xf32, #tpu.memory_space<vmem_shared>>) target(%dma_start3A_95 : memref<640xf32, #tpu.memory_space<vmem>>) target_semaphore(%run_scoped3A_88 : memref<!tpu.dma_semaphore, #tpu.memory_space<semaphore_mem>>)
      %dma_wait3A = arith.constant 0 : i32
      %dma_wait3A_98 = tpu.memref_slice %arg6[%run_scoped3A_52, %dma_wait3A] : memref<16x640xf32, #tpu.memory_space<vmem>> -> memref<1x640xf32, #tpu.memory_space<vmem>>
      %dma_wait3A_99 = tpu.memref_squeeze %dma_wait3A_98 : memref<1x640xf32, #tpu.memory_space<vmem>> -> memref<640xf32, #tpu.memory_space<vmem>>
      %dma_wait3A_100 = tpu.memref_slice %arg8[%run_scoped3A_51, %mul3A_50] : memref<16x10240xf32, #tpu.memory_space<vmem_shared>> -> memref<1x640xf32, #tpu.memory_space<vmem_shared>>
      %dma_wait3A_101 = tpu.memref_squeeze %dma_wait3A_100 : memref<1x640xf32, #tpu.memory_space<vmem_shared>> -> memref<640xf32, #tpu.memory_space<vmem_shared>>
      %dma_wait3A_102 = arith.constant 0 : i32
      %dma_wait3A_103 = tpu.memref_slice %arg6[%run_scoped3A_52, %dma_wait3A_102] : memref<16x640xf32, #tpu.memory_space<vmem>> -> memref<1x640xf32, #tpu.memory_space<vmem>>
      %dma_wait3A_104 = tpu.memref_squeeze %dma_wait3A_103 : memref<1x640xf32, #tpu.memory_space<vmem>> -> memref<640xf32, #tpu.memory_space<vmem>>
      %dma_wait3A_105 = tpu.memref_slice %arg8[%run_scoped3A_51, %mul3A_50] : memref<16x10240xf32, #tpu.memory_space<vmem_shared>> -> memref<1x640xf32, #tpu.memory_space<vmem_shared>>
      %dma_wait3A_106 = tpu.memref_squeeze %dma_wait3A_105 : memref<1x640xf32, #tpu.memory_space<vmem_shared>> -> memref<640xf32, #tpu.memory_space<vmem_shared>>
      tpu.wait_dma2 semaphore(%run_scoped3A_88 : memref<!tpu.dma_semaphore, #tpu.memory_space<semaphore_mem>>) src(%dma_wait3A_106 : memref<640xf32, #tpu.memory_space<vmem_shared>>) dst(%dma_wait3A_104 : memref<640xf32, #tpu.memory_space<vmem>>)
      tpu.yield
    }) : () -> ()
    %mul3A_53 = arith.constant 640 : i32
    %mul3A_54 = arith.muli %arg1, %mul3A_53 : i32
    %run_scoped3A_55 = arith.constant 10 : i32
    %run_scoped3A_56 = arith.constant 10 : i32
    "tpu.region"() ({
      %run_scoped3A_88 = tpu.sem_alloc : memref<!tpu.dma_semaphore, #tpu.memory_space<semaphore_mem>>
      %dma_start3A = arith.constant 0 : i32
      %dma_start3A_89 = tpu.memref_slice %arg6[%run_scoped3A_56, %dma_start3A] : memref<16x640xf32, #tpu.memory_space<vmem>> -> memref<1x640xf32, #tpu.memory_space<vmem>>
      %dma_start3A_90 = tpu.memref_squeeze %dma_start3A_89 : memref<1x640xf32, #tpu.memory_space<vmem>> -> memref<640xf32, #tpu.memory_space<vmem>>
      %dma_start3A_91 = tpu.memref_slice %arg8[%run_scoped3A_55, %mul3A_54] : memref<16x10240xf32, #tpu.memory_space<vmem_shared>> -> memref<1x640xf32, #tpu.memory_space<vmem_shared>>
      %dma_start3A_92 = tpu.memref_squeeze %dma_start3A_91 : memref<1x640xf32, #tpu.memory_space<vmem_shared>> -> memref<640xf32, #tpu.memory_space<vmem_shared>>
      %dma_start3A_93 = arith.constant 0 : i32
      %dma_start3A_94 = tpu.memref_slice %arg6[%run_scoped3A_56, %dma_start3A_93] : memref<16x640xf32, #tpu.memory_space<vmem>> -> memref<1x640xf32, #tpu.memory_space<vmem>>
      %dma_start3A_95 = tpu.memref_squeeze %dma_start3A_94 : memref<1x640xf32, #tpu.memory_space<vmem>> -> memref<640xf32, #tpu.memory_space<vmem>>
      %dma_start3A_96 = tpu.memref_slice %arg8[%run_scoped3A_55, %mul3A_54] : memref<16x10240xf32, #tpu.memory_space<vmem_shared>> -> memref<1x640xf32, #tpu.memory_space<vmem_shared>>
      %dma_start3A_97 = tpu.memref_squeeze %dma_start3A_96 : memref<1x640xf32, #tpu.memory_space<vmem_shared>> -> memref<640xf32, #tpu.memory_space<vmem_shared>>
      tpu.enqueue_dma source(%dma_start3A_97 : memref<640xf32, #tpu.memory_space<vmem_shared>>) target(%dma_start3A_95 : memref<640xf32, #tpu.memory_space<vmem>>) target_semaphore(%run_scoped3A_88 : memref<!tpu.dma_semaphore, #tpu.memory_space<semaphore_mem>>)
      %dma_wait3A = arith.constant 0 : i32
      %dma_wait3A_98 = tpu.memref_slice %arg6[%run_scoped3A_56, %dma_wait3A] : memref<16x640xf32, #tpu.memory_space<vmem>> -> memref<1x640xf32, #tpu.memory_space<vmem>>
      %dma_wait3A_99 = tpu.memref_squeeze %dma_wait3A_98 : memref<1x640xf32, #tpu.memory_space<vmem>> -> memref<640xf32, #tpu.memory_space<vmem>>
      %dma_wait3A_100 = tpu.memref_slice %arg8[%run_scoped3A_55, %mul3A_54] : memref<16x10240xf32, #tpu.memory_space<vmem_shared>> -> memref<1x640xf32, #tpu.memory_space<vmem_shared>>
      %dma_wait3A_101 = tpu.memref_squeeze %dma_wait3A_100 : memref<1x640xf32, #tpu.memory_space<vmem_shared>> -> memref<640xf32, #tpu.memory_space<vmem_shared>>
      %dma_wait3A_102 = arith.constant 0 : i32
      %dma_wait3A_103 = tpu.memref_slice %arg6[%run_scoped3A_56, %dma_wait3A_102] : memref<16x640xf32, #tpu.memory_space<vmem>> -> memref<1x640xf32, #tpu.memory_space<vmem>>
      %dma_wait3A_104 = tpu.memref_squeeze %dma_wait3A_103 : memref<1x640xf32, #tpu.memory_space<vmem>> -> memref<640xf32, #tpu.memory_space<vmem>>
      %dma_wait3A_105 = tpu.memref_slice %arg8[%run_scoped3A_55, %mul3A_54] : memref<16x10240xf32, #tpu.memory_space<vmem_shared>> -> memref<1x640xf32, #tpu.memory_space<vmem_shared>>
      %dma_wait3A_106 = tpu.memref_squeeze %dma_wait3A_105 : memref<1x640xf32, #tpu.memory_space<vmem_shared>> -> memref<640xf32, #tpu.memory_space<vmem_shared>>
      tpu.wait_dma2 semaphore(%run_scoped3A_88 : memref<!tpu.dma_semaphore, #tpu.memory_space<semaphore_mem>>) src(%dma_wait3A_106 : memref<640xf32, #tpu.memory_space<vmem_shared>>) dst(%dma_wait3A_104 : memref<640xf32, #tpu.memory_space<vmem>>)
      tpu.yield
    }) : () -> ()
    %mul3A_57 = arith.constant 640 : i32
    %mul3A_58 = arith.muli %arg1, %mul3A_57 : i32
    %run_scoped3A_59 = arith.constant 11 : i32
    %run_scoped3A_60 = arith.constant 11 : i32
    "tpu.region"() ({
      %run_scoped3A_88 = tpu.sem_alloc : memref<!tpu.dma_semaphore, #tpu.memory_space<semaphore_mem>>
      %dma_start3A = arith.constant 0 : i32
      %dma_start3A_89 = tpu.memref_slice %arg6[%run_scoped3A_60, %dma_start3A] : memref<16x640xf32, #tpu.memory_space<vmem>> -> memref<1x640xf32, #tpu.memory_space<vmem>>
      %dma_start3A_90 = tpu.memref_squeeze %dma_start3A_89 : memref<1x640xf32, #tpu.memory_space<vmem>> -> memref<640xf32, #tpu.memory_space<vmem>>
      %dma_start3A_91 = tpu.memref_slice %arg8[%run_scoped3A_59, %mul3A_58] : memref<16x10240xf32, #tpu.memory_space<vmem_shared>> -> memref<1x640xf32, #tpu.memory_space<vmem_shared>>
      %dma_start3A_92 = tpu.memref_squeeze %dma_start3A_91 : memref<1x640xf32, #tpu.memory_space<vmem_shared>> -> memref<640xf32, #tpu.memory_space<vmem_shared>>
      %dma_start3A_93 = arith.constant 0 : i32
      %dma_start3A_94 = tpu.memref_slice %arg6[%run_scoped3A_60, %dma_start3A_93] : memref<16x640xf32, #tpu.memory_space<vmem>> -> memref<1x640xf32, #tpu.memory_space<vmem>>
      %dma_start3A_95 = tpu.memref_squeeze %dma_start3A_94 : memref<1x640xf32, #tpu.memory_space<vmem>> -> memref<640xf32, #tpu.memory_space<vmem>>
      %dma_start3A_96 = tpu.memref_slice %arg8[%run_scoped3A_59, %mul3A_58] : memref<16x10240xf32, #tpu.memory_space<vmem_shared>> -> memref<1x640xf32, #tpu.memory_space<vmem_shared>>
      %dma_start3A_97 = tpu.memref_squeeze %dma_start3A_96 : memref<1x640xf32, #tpu.memory_space<vmem_shared>> -> memref<640xf32, #tpu.memory_space<vmem_shared>>
      tpu.enqueue_dma source(%dma_start3A_97 : memref<640xf32, #tpu.memory_space<vmem_shared>>) target(%dma_start3A_95 : memref<640xf32, #tpu.memory_space<vmem>>) target_semaphore(%run_scoped3A_88 : memref<!tpu.dma_semaphore, #tpu.memory_space<semaphore_mem>>)
      %dma_wait3A = arith.constant 0 : i32
      %dma_wait3A_98 = tpu.memref_slice %arg6[%run_scoped3A_60, %dma_wait3A] : memref<16x640xf32, #tpu.memory_space<vmem>> -> memref<1x640xf32, #tpu.memory_space<vmem>>
      %dma_wait3A_99 = tpu.memref_squeeze %dma_wait3A_98 : memref<1x640xf32, #tpu.memory_space<vmem>> -> memref<640xf32, #tpu.memory_space<vmem>>
      %dma_wait3A_100 = tpu.memref_slice %arg8[%run_scoped3A_59, %mul3A_58] : memref<16x10240xf32, #tpu.memory_space<vmem_shared>> -> memref<1x640xf32, #tpu.memory_space<vmem_shared>>
      %dma_wait3A_101 = tpu.memref_squeeze %dma_wait3A_100 : memref<1x640xf32, #tpu.memory_space<vmem_shared>> -> memref<640xf32, #tpu.memory_space<vmem_shared>>
      %dma_wait3A_102 = arith.constant 0 : i32
      %dma_wait3A_103 = tpu.memref_slice %arg6[%run_scoped3A_60, %dma_wait3A_102] : memref<16x640xf32, #tpu.memory_space<vmem>> -> memref<1x640xf32, #tpu.memory_space<vmem>>
      %dma_wait3A_104 = tpu.memref_squeeze %dma_wait3A_103 : memref<1x640xf32, #tpu.memory_space<vmem>> -> memref<640xf32, #tpu.memory_space<vmem>>
      %dma_wait3A_105 = tpu.memref_slice %arg8[%run_scoped3A_59, %mul3A_58] : memref<16x10240xf32, #tpu.memory_space<vmem_shared>> -> memref<1x640xf32, #tpu.memory_space<vmem_shared>>
      %dma_wait3A_106 = tpu.memref_squeeze %dma_wait3A_105 : memref<1x640xf32, #tpu.memory_space<vmem_shared>> -> memref<640xf32, #tpu.memory_space<vmem_shared>>
      tpu.wait_dma2 semaphore(%run_scoped3A_88 : memref<!tpu.dma_semaphore, #tpu.memory_space<semaphore_mem>>) src(%dma_wait3A_106 : memref<640xf32, #tpu.memory_space<vmem_shared>>) dst(%dma_wait3A_104 : memref<640xf32, #tpu.memory_space<vmem>>)
      tpu.yield
    }) : () -> ()
    %mul3A_61 = arith.constant 640 : i32
    %mul3A_62 = arith.muli %arg1, %mul3A_61 : i32
    %run_scoped3A_63 = arith.constant 12 : i32
    %run_scoped3A_64 = arith.constant 12 : i32
    "tpu.region"() ({
      %run_scoped3A_88 = tpu.sem_alloc : memref<!tpu.dma_semaphore, #tpu.memory_space<semaphore_mem>>
      %dma_start3A = arith.constant 0 : i32
      %dma_start3A_89 = tpu.memref_slice %arg6[%run_scoped3A_64, %dma_start3A] : memref<16x640xf32, #tpu.memory_space<vmem>> -> memref<1x640xf32, #tpu.memory_space<vmem>>
      %dma_start3A_90 = tpu.memref_squeeze %dma_start3A_89 : memref<1x640xf32, #tpu.memory_space<vmem>> -> memref<640xf32, #tpu.memory_space<vmem>>
      %dma_start3A_91 = tpu.memref_slice %arg8[%run_scoped3A_63, %mul3A_62] : memref<16x10240xf32, #tpu.memory_space<vmem_shared>> -> memref<1x640xf32, #tpu.memory_space<vmem_shared>>
      %dma_start3A_92 = tpu.memref_squeeze %dma_start3A_91 : memref<1x640xf32, #tpu.memory_space<vmem_shared>> -> memref<640xf32, #tpu.memory_space<vmem_shared>>
      %dma_start3A_93 = arith.constant 0 : i32
      %dma_start3A_94 = tpu.memref_slice %arg6[%run_scoped3A_64, %dma_start3A_93] : memref<16x640xf32, #tpu.memory_space<vmem>> -> memref<1x640xf32, #tpu.memory_space<vmem>>
      %dma_start3A_95 = tpu.memref_squeeze %dma_start3A_94 : memref<1x640xf32, #tpu.memory_space<vmem>> -> memref<640xf32, #tpu.memory_space<vmem>>
      %dma_start3A_96 = tpu.memref_slice %arg8[%run_scoped3A_63, %mul3A_62] : memref<16x10240xf32, #tpu.memory_space<vmem_shared>> -> memref<1x640xf32, #tpu.memory_space<vmem_shared>>
      %dma_start3A_97 = tpu.memref_squeeze %dma_start3A_96 : memref<1x640xf32, #tpu.memory_space<vmem_shared>> -> memref<640xf32, #tpu.memory_space<vmem_shared>>
      tpu.enqueue_dma source(%dma_start3A_97 : memref<640xf32, #tpu.memory_space<vmem_shared>>) target(%dma_start3A_95 : memref<640xf32, #tpu.memory_space<vmem>>) target_semaphore(%run_scoped3A_88 : memref<!tpu.dma_semaphore, #tpu.memory_space<semaphore_mem>>)
      %dma_wait3A = arith.constant 0 : i32
      %dma_wait3A_98 = tpu.memref_slice %arg6[%run_scoped3A_64, %dma_wait3A] : memref<16x640xf32, #tpu.memory_space<vmem>> -> memref<1x640xf32, #tpu.memory_space<vmem>>
      %dma_wait3A_99 = tpu.memref_squeeze %dma_wait3A_98 : memref<1x640xf32, #tpu.memory_space<vmem>> -> memref<640xf32, #tpu.memory_space<vmem>>
      %dma_wait3A_100 = tpu.memref_slice %arg8[%run_scoped3A_63, %mul3A_62] : memref<16x10240xf32, #tpu.memory_space<vmem_shared>> -> memref<1x640xf32, #tpu.memory_space<vmem_shared>>
      %dma_wait3A_101 = tpu.memref_squeeze %dma_wait3A_100 : memref<1x640xf32, #tpu.memory_space<vmem_shared>> -> memref<640xf32, #tpu.memory_space<vmem_shared>>
      %dma_wait3A_102 = arith.constant 0 : i32
      %dma_wait3A_103 = tpu.memref_slice %arg6[%run_scoped3A_64, %dma_wait3A_102] : memref<16x640xf32, #tpu.memory_space<vmem>> -> memref<1x640xf32, #tpu.memory_space<vmem>>
      %dma_wait3A_104 = tpu.memref_squeeze %dma_wait3A_103 : memref<1x640xf32, #tpu.memory_space<vmem>> -> memref<640xf32, #tpu.memory_space<vmem>>
      %dma_wait3A_105 = tpu.memref_slice %arg8[%run_scoped3A_63, %mul3A_62] : memref<16x10240xf32, #tpu.memory_space<vmem_shared>> -> memref<1x640xf32, #tpu.memory_space<vmem_shared>>
      %dma_wait3A_106 = tpu.memref_squeeze %dma_wait3A_105 : memref<1x640xf32, #tpu.memory_space<vmem_shared>> -> memref<640xf32, #tpu.memory_space<vmem_shared>>
      tpu.wait_dma2 semaphore(%run_scoped3A_88 : memref<!tpu.dma_semaphore, #tpu.memory_space<semaphore_mem>>) src(%dma_wait3A_106 : memref<640xf32, #tpu.memory_space<vmem_shared>>) dst(%dma_wait3A_104 : memref<640xf32, #tpu.memory_space<vmem>>)
      tpu.yield
    }) : () -> ()
    %mul3A_65 = arith.constant 640 : i32
    %mul3A_66 = arith.muli %arg1, %mul3A_65 : i32
    %run_scoped3A_67 = arith.constant 13 : i32
    %run_scoped3A_68 = arith.constant 13 : i32
    "tpu.region"() ({
      %run_scoped3A_88 = tpu.sem_alloc : memref<!tpu.dma_semaphore, #tpu.memory_space<semaphore_mem>>
      %dma_start3A = arith.constant 0 : i32
      %dma_start3A_89 = tpu.memref_slice %arg6[%run_scoped3A_68, %dma_start3A] : memref<16x640xf32, #tpu.memory_space<vmem>> -> memref<1x640xf32, #tpu.memory_space<vmem>>
      %dma_start3A_90 = tpu.memref_squeeze %dma_start3A_89 : memref<1x640xf32, #tpu.memory_space<vmem>> -> memref<640xf32, #tpu.memory_space<vmem>>
      %dma_start3A_91 = tpu.memref_slice %arg8[%run_scoped3A_67, %mul3A_66] : memref<16x10240xf32, #tpu.memory_space<vmem_shared>> -> memref<1x640xf32, #tpu.memory_space<vmem_shared>>
      %dma_start3A_92 = tpu.memref_squeeze %dma_start3A_91 : memref<1x640xf32, #tpu.memory_space<vmem_shared>> -> memref<640xf32, #tpu.memory_space<vmem_shared>>
      %dma_start3A_93 = arith.constant 0 : i32
      %dma_start3A_94 = tpu.memref_slice %arg6[%run_scoped3A_68, %dma_start3A_93] : memref<16x640xf32, #tpu.memory_space<vmem>> -> memref<1x640xf32, #tpu.memory_space<vmem>>
      %dma_start3A_95 = tpu.memref_squeeze %dma_start3A_94 : memref<1x640xf32, #tpu.memory_space<vmem>> -> memref<640xf32, #tpu.memory_space<vmem>>
      %dma_start3A_96 = tpu.memref_slice %arg8[%run_scoped3A_67, %mul3A_66] : memref<16x10240xf32, #tpu.memory_space<vmem_shared>> -> memref<1x640xf32, #tpu.memory_space<vmem_shared>>
      %dma_start3A_97 = tpu.memref_squeeze %dma_start3A_96 : memref<1x640xf32, #tpu.memory_space<vmem_shared>> -> memref<640xf32, #tpu.memory_space<vmem_shared>>
      tpu.enqueue_dma source(%dma_start3A_97 : memref<640xf32, #tpu.memory_space<vmem_shared>>) target(%dma_start3A_95 : memref<640xf32, #tpu.memory_space<vmem>>) target_semaphore(%run_scoped3A_88 : memref<!tpu.dma_semaphore, #tpu.memory_space<semaphore_mem>>)
      %dma_wait3A = arith.constant 0 : i32
      %dma_wait3A_98 = tpu.memref_slice %arg6[%run_scoped3A_68, %dma_wait3A] : memref<16x640xf32, #tpu.memory_space<vmem>> -> memref<1x640xf32, #tpu.memory_space<vmem>>
      %dma_wait3A_99 = tpu.memref_squeeze %dma_wait3A_98 : memref<1x640xf32, #tpu.memory_space<vmem>> -> memref<640xf32, #tpu.memory_space<vmem>>
      %dma_wait3A_100 = tpu.memref_slice %arg8[%run_scoped3A_67, %mul3A_66] : memref<16x10240xf32, #tpu.memory_space<vmem_shared>> -> memref<1x640xf32, #tpu.memory_space<vmem_shared>>
      %dma_wait3A_101 = tpu.memref_squeeze %dma_wait3A_100 : memref<1x640xf32, #tpu.memory_space<vmem_shared>> -> memref<640xf32, #tpu.memory_space<vmem_shared>>
      %dma_wait3A_102 = arith.constant 0 : i32
      %dma_wait3A_103 = tpu.memref_slice %arg6[%run_scoped3A_68, %dma_wait3A_102] : memref<16x640xf32, #tpu.memory_space<vmem>> -> memref<1x640xf32, #tpu.memory_space<vmem>>
      %dma_wait3A_104 = tpu.memref_squeeze %dma_wait3A_103 : memref<1x640xf32, #tpu.memory_space<vmem>> -> memref<640xf32, #tpu.memory_space<vmem>>
      %dma_wait3A_105 = tpu.memref_slice %arg8[%run_scoped3A_67, %mul3A_66] : memref<16x10240xf32, #tpu.memory_space<vmem_shared>> -> memref<1x640xf32, #tpu.memory_space<vmem_shared>>
      %dma_wait3A_106 = tpu.memref_squeeze %dma_wait3A_105 : memref<1x640xf32, #tpu.memory_space<vmem_shared>> -> memref<640xf32, #tpu.memory_space<vmem_shared>>
      tpu.wait_dma2 semaphore(%run_scoped3A_88 : memref<!tpu.dma_semaphore, #tpu.memory_space<semaphore_mem>>) src(%dma_wait3A_106 : memref<640xf32, #tpu.memory_space<vmem_shared>>) dst(%dma_wait3A_104 : memref<640xf32, #tpu.memory_space<vmem>>)
      tpu.yield
    }) : () -> ()
    %mul3A_69 = arith.constant 640 : i32
    %mul3A_70 = arith.muli %arg1, %mul3A_69 : i32
    %run_scoped3A_71 = arith.constant 14 : i32
    %run_scoped3A_72 = arith.constant 14 : i32
    "tpu.region"() ({
      %run_scoped3A_88 = tpu.sem_alloc : memref<!tpu.dma_semaphore, #tpu.memory_space<semaphore_mem>>
      %dma_start3A = arith.constant 0 : i32
      %dma_start3A_89 = tpu.memref_slice %arg6[%run_scoped3A_72, %dma_start3A] : memref<16x640xf32, #tpu.memory_space<vmem>> -> memref<1x640xf32, #tpu.memory_space<vmem>>
      %dma_start3A_90 = tpu.memref_squeeze %dma_start3A_89 : memref<1x640xf32, #tpu.memory_space<vmem>> -> memref<640xf32, #tpu.memory_space<vmem>>
      %dma_start3A_91 = tpu.memref_slice %arg8[%run_scoped3A_71, %mul3A_70] : memref<16x10240xf32, #tpu.memory_space<vmem_shared>> -> memref<1x640xf32, #tpu.memory_space<vmem_shared>>
      %dma_start3A_92 = tpu.memref_squeeze %dma_start3A_91 : memref<1x640xf32, #tpu.memory_space<vmem_shared>> -> memref<640xf32, #tpu.memory_space<vmem_shared>>
      %dma_start3A_93 = arith.constant 0 : i32
      %dma_start3A_94 = tpu.memref_slice %arg6[%run_scoped3A_72, %dma_start3A_93] : memref<16x640xf32, #tpu.memory_space<vmem>> -> memref<1x640xf32, #tpu.memory_space<vmem>>
      %dma_start3A_95 = tpu.memref_squeeze %dma_start3A_94 : memref<1x640xf32, #tpu.memory_space<vmem>> -> memref<640xf32, #tpu.memory_space<vmem>>
      %dma_start3A_96 = tpu.memref_slice %arg8[%run_scoped3A_71, %mul3A_70] : memref<16x10240xf32, #tpu.memory_space<vmem_shared>> -> memref<1x640xf32, #tpu.memory_space<vmem_shared>>
      %dma_start3A_97 = tpu.memref_squeeze %dma_start3A_96 : memref<1x640xf32, #tpu.memory_space<vmem_shared>> -> memref<640xf32, #tpu.memory_space<vmem_shared>>
      tpu.enqueue_dma source(%dma_start3A_97 : memref<640xf32, #tpu.memory_space<vmem_shared>>) target(%dma_start3A_95 : memref<640xf32, #tpu.memory_space<vmem>>) target_semaphore(%run_scoped3A_88 : memref<!tpu.dma_semaphore, #tpu.memory_space<semaphore_mem>>)
      %dma_wait3A = arith.constant 0 : i32
      %dma_wait3A_98 = tpu.memref_slice %arg6[%run_scoped3A_72, %dma_wait3A] : memref<16x640xf32, #tpu.memory_space<vmem>> -> memref<1x640xf32, #tpu.memory_space<vmem>>
      %dma_wait3A_99 = tpu.memref_squeeze %dma_wait3A_98 : memref<1x640xf32, #tpu.memory_space<vmem>> -> memref<640xf32, #tpu.memory_space<vmem>>
      %dma_wait3A_100 = tpu.memref_slice %arg8[%run_scoped3A_71, %mul3A_70] : memref<16x10240xf32, #tpu.memory_space<vmem_shared>> -> memref<1x640xf32, #tpu.memory_space<vmem_shared>>
      %dma_wait3A_101 = tpu.memref_squeeze %dma_wait3A_100 : memref<1x640xf32, #tpu.memory_space<vmem_shared>> -> memref<640xf32, #tpu.memory_space<vmem_shared>>
      %dma_wait3A_102 = arith.constant 0 : i32
      %dma_wait3A_103 = tpu.memref_slice %arg6[%run_scoped3A_72, %dma_wait3A_102] : memref<16x640xf32, #tpu.memory_space<vmem>> -> memref<1x640xf32, #tpu.memory_space<vmem>>
      %dma_wait3A_104 = tpu.memref_squeeze %dma_wait3A_103 : memref<1x640xf32, #tpu.memory_space<vmem>> -> memref<640xf32, #tpu.memory_space<vmem>>
      %dma_wait3A_105 = tpu.memref_slice %arg8[%run_scoped3A_71, %mul3A_70] : memref<16x10240xf32, #tpu.memory_space<vmem_shared>> -> memref<1x640xf32, #tpu.memory_space<vmem_shared>>
      %dma_wait3A_106 = tpu.memref_squeeze %dma_wait3A_105 : memref<1x640xf32, #tpu.memory_space<vmem_shared>> -> memref<640xf32, #tpu.memory_space<vmem_shared>>
      tpu.wait_dma2 semaphore(%run_scoped3A_88 : memref<!tpu.dma_semaphore, #tpu.memory_space<semaphore_mem>>) src(%dma_wait3A_106 : memref<640xf32, #tpu.memory_space<vmem_shared>>) dst(%dma_wait3A_104 : memref<640xf32, #tpu.memory_space<vmem>>)
      tpu.yield
    }) : () -> ()
    %mul3A_73 = arith.constant 640 : i32
    %mul3A_74 = arith.muli %arg1, %mul3A_73 : i32
    %run_scoped3A_75 = arith.constant 15 : i32
    %run_scoped3A_76 = arith.constant 15 : i32
    "tpu.region"() ({
      %run_scoped3A_88 = tpu.sem_alloc : memref<!tpu.dma_semaphore, #tpu.memory_space<semaphore_mem>>
      %dma_start3A = arith.constant 0 : i32
      %dma_start3A_89 = tpu.memref_slice %arg6[%run_scoped3A_76, %dma_start3A] : memref<16x640xf32, #tpu.memory_space<vmem>> -> memref<1x640xf32, #tpu.memory_space<vmem>>
      %dma_start3A_90 = tpu.memref_squeeze %dma_start3A_89 : memref<1x640xf32, #tpu.memory_space<vmem>> -> memref<640xf32, #tpu.memory_space<vmem>>
      %dma_start3A_91 = tpu.memref_slice %arg8[%run_scoped3A_75, %mul3A_74] : memref<16x10240xf32, #tpu.memory_space<vmem_shared>> -> memref<1x640xf32, #tpu.memory_space<vmem_shared>>
      %dma_start3A_92 = tpu.memref_squeeze %dma_start3A_91 : memref<1x640xf32, #tpu.memory_space<vmem_shared>> -> memref<640xf32, #tpu.memory_space<vmem_shared>>
      %dma_start3A_93 = arith.constant 0 : i32
      %dma_start3A_94 = tpu.memref_slice %arg6[%run_scoped3A_76, %dma_start3A_93] : memref<16x640xf32, #tpu.memory_space<vmem>> -> memref<1x640xf32, #tpu.memory_space<vmem>>
      %dma_start3A_95 = tpu.memref_squeeze %dma_start3A_94 : memref<1x640xf32, #tpu.memory_space<vmem>> -> memref<640xf32, #tpu.memory_space<vmem>>
      %dma_start3A_96 = tpu.memref_slice %arg8[%run_scoped3A_75, %mul3A_74] : memref<16x10240xf32, #tpu.memory_space<vmem_shared>> -> memref<1x640xf32, #tpu.memory_space<vmem_shared>>
      %dma_start3A_97 = tpu.memref_squeeze %dma_start3A_96 : memref<1x640xf32, #tpu.memory_space<vmem_shared>> -> memref<640xf32, #tpu.memory_space<vmem_shared>>
      tpu.enqueue_dma source(%dma_start3A_97 : memref<640xf32, #tpu.memory_space<vmem_shared>>) target(%dma_start3A_95 : memref<640xf32, #tpu.memory_space<vmem>>) target_semaphore(%run_scoped3A_88 : memref<!tpu.dma_semaphore, #tpu.memory_space<semaphore_mem>>)
      %dma_wait3A = arith.constant 0 : i32
      %dma_wait3A_98 = tpu.memref_slice %arg6[%run_scoped3A_76, %dma_wait3A] : memref<16x640xf32, #tpu.memory_space<vmem>> -> memref<1x640xf32, #tpu.memory_space<vmem>>
      %dma_wait3A_99 = tpu.memref_squeeze %dma_wait3A_98 : memref<1x640xf32, #tpu.memory_space<vmem>> -> memref<640xf32, #tpu.memory_space<vmem>>
      %dma_wait3A_100 = tpu.memref_slice %arg8[%run_scoped3A_75, %mul3A_74] : memref<16x10240xf32, #tpu.memory_space<vmem_shared>> -> memref<1x640xf32, #tpu.memory_space<vmem_shared>>
      %dma_wait3A_101 = tpu.memref_squeeze %dma_wait3A_100 : memref<1x640xf32, #tpu.memory_space<vmem_shared>> -> memref<640xf32, #tpu.memory_space<vmem_shared>>
      %dma_wait3A_102 = arith.constant 0 : i32
      %dma_wait3A_103 = tpu.memref_slice %arg6[%run_scoped3A_76, %dma_wait3A_102] : memref<16x640xf32, #tpu.memory_space<vmem>> -> memref<1x640xf32, #tpu.memory_space<vmem>>
      %dma_wait3A_104 = tpu.memref_squeeze %dma_wait3A_103 : memref<1x640xf32, #tpu.memory_space<vmem>> -> memref<640xf32, #tpu.memory_space<vmem>>
      %dma_wait3A_105 = tpu.memref_slice %arg8[%run_scoped3A_75, %mul3A_74] : memref<16x10240xf32, #tpu.memory_space<vmem_shared>> -> memref<1x640xf32, #tpu.memory_space<vmem_shared>>
      %dma_wait3A_106 = tpu.memref_squeeze %dma_wait3A_105 : memref<1x640xf32, #tpu.memory_space<vmem_shared>> -> memref<640xf32, #tpu.memory_space<vmem_shared>>
      tpu.wait_dma2 semaphore(%run_scoped3A_88 : memref<!tpu.dma_semaphore, #tpu.memory_space<semaphore_mem>>) src(%dma_wait3A_106 : memref<640xf32, #tpu.memory_space<vmem_shared>>) dst(%dma_wait3A_104 : memref<640xf32, #tpu.memory_space<vmem>>)
      tpu.yield
    }) : () -> ()
    %iota3A = tpu.iota {dimensions = array<i32: 0>} : vector<16xi32>
    %scan3A_77 = arith.constant 0 : i32
    %scan3A_78 = arith.constant 0 : i32
    %scan3A_79 = arith.constant 40 : i32
    %scan3A_80 = arith.addi %scan3A_78, %scan3A_79 : i32
    %scan3A_81 = arith.constant 1 : i32
    %scan3A_82 = scf.for %scan3A_88 = %scan3A_78 to %scan3A_80 step %scan3A_81 iter_args(%scan3A_89 = %scan3A_77) -> (i32)  : i32 {
      %broadcast_in_dim3A = arith.constant 0.000000e+00 : f32
      %broadcast_in_dim3A_90 = vector.broadcast %broadcast_in_dim3A : f32 to vector<16xf32>
      %mul3A_91 = arith.constant 16 : i32
      %mul3A_92 = arith.muli %scan3A_88, %mul3A_91 : i32
      %get3A = arith.constant 0 : i32
      %get3A_93 = arith.index_cast %get3A : i32 to index
      %get3A_94 = arith.index_cast %mul3A_92 : i32 to index
      %get3A_95 = tpu.vector_load %arg6[%get3A_93, %get3A_94] {strides = array<i32>} : memref<16x640xf32, #tpu.memory_space<vmem>>, vector<16xf32>,
      %add3A_96 = arith.addf %broadcast_in_dim3A_90, %get3A_95 : vector<16xf32>
      %mul3A_97 = arith.constant 16 : i32
      %mul3A_98 = arith.muli %scan3A_88, %mul3A_97 : i32
      %get3A_99 = arith.constant 1 : i32
      %get3A_100 = arith.index_cast %get3A_99 : i32 to index
      %get3A_101 = arith.index_cast %mul3A_98 : i32 to index
      %get3A_102 = tpu.vector_load %arg6[%get3A_100, %get3A_101] {strides = array<i32>} : memref<16x640xf32, #tpu.memory_space<vmem>>, vector<16xf32>,
      %add3A_103 = arith.addf %add3A_96, %get3A_102 : vector<16xf32>
      %mul3A_104 = arith.constant 16 : i32
      %mul3A_105 = arith.muli %scan3A_88, %mul3A_104 : i32
      %get3A_106 = arith.constant 2 : i32
      %get3A_107 = arith.index_cast %get3A_106 : i32 to index
      %get3A_108 = arith.index_cast %mul3A_105 : i32 to index
      %get3A_109 = tpu.vector_load %arg6[%get3A_107, %get3A_108] {strides = array<i32>} : memref<16x640xf32, #tpu.memory_space<vmem>>, vector<16xf32>,
      %add3A_110 = arith.addf %add3A_103, %get3A_109 : vector<16xf32>
      %mul3A_111 = arith.constant 16 : i32
      %mul3A_112 = arith.muli %scan3A_88, %mul3A_111 : i32
      %get3A_113 = arith.constant 3 : i32
      %get3A_114 = arith.index_cast %get3A_113 : i32 to index
      %get3A_115 = arith.index_cast %mul3A_112 : i32 to index
      %get3A_116 = tpu.vector_load %arg6[%get3A_114, %get3A_115] {strides = array<i32>} : memref<16x640xf32, #tpu.memory_space<vmem>>, vector<16xf32>,
      %add3A_117 = arith.addf %add3A_110, %get3A_116 : vector<16xf32>
      %mul3A_118 = arith.constant 16 : i32
      %mul3A_119 = arith.muli %scan3A_88, %mul3A_118 : i32
      %get3A_120 = arith.constant 4 : i32
      %get3A_121 = arith.index_cast %get3A_120 : i32 to index
      %get3A_122 = arith.index_cast %mul3A_119 : i32 to index
      %get3A_123 = tpu.vector_load %arg6[%get3A_121, %get3A_122] {strides = array<i32>} : memref<16x640xf32, #tpu.memory_space<vmem>>, vector<16xf32>,
      %add3A_124 = arith.addf %add3A_117, %get3A_123 : vector<16xf32>
      %mul3A_125 = arith.constant 16 : i32
      %mul3A_126 = arith.muli %scan3A_88, %mul3A_125 : i32
      %get3A_127 = arith.constant 5 : i32
      %get3A_128 = arith.index_cast %get3A_127 : i32 to index
      %get3A_129 = arith.index_cast %mul3A_126 : i32 to index
      %get3A_130 = tpu.vector_load %arg6[%get3A_128, %get3A_129] {strides = array<i32>} : memref<16x640xf32, #tpu.memory_space<vmem>>, vector<16xf32>,
      %add3A_131 = arith.addf %add3A_124, %get3A_130 : vector<16xf32>
      %mul3A_132 = arith.constant 16 : i32
      %mul3A_133 = arith.muli %scan3A_88, %mul3A_132 : i32
      %get3A_134 = arith.constant 6 : i32
      %get3A_135 = arith.index_cast %get3A_134 : i32 to index
      %get3A_136 = arith.index_cast %mul3A_133 : i32 to index
      %get3A_137 = tpu.vector_load %arg6[%get3A_135, %get3A_136] {strides = array<i32>} : memref<16x640xf32, #tpu.memory_space<vmem>>, vector<16xf32>,
      %add3A_138 = arith.addf %add3A_131, %get3A_137 : vector<16xf32>
      %mul3A_139 = arith.constant 16 : i32
      %mul3A_140 = arith.muli %scan3A_88, %mul3A_139 : i32
      %get3A_141 = arith.constant 7 : i32
      %get3A_142 = arith.index_cast %get3A_141 : i32 to index
      %get3A_143 = arith.index_cast %mul3A_140 : i32 to index
      %get3A_144 = tpu.vector_load %arg6[%get3A_142, %get3A_143] {strides = array<i32>} : memref<16x640xf32, #tpu.memory_space<vmem>>, vector<16xf32>,
      %add3A_145 = arith.addf %add3A_138, %get3A_144 : vector<16xf32>
      %mul3A_146 = arith.constant 16 : i32
      %mul3A_147 = arith.muli %scan3A_88, %mul3A_146 : i32
      %get3A_148 = arith.constant 8 : i32
      %get3A_149 = arith.index_cast %get3A_148 : i32 to index
      %get3A_150 = arith.index_cast %mul3A_147 : i32 to index
      %get3A_151 = tpu.vector_load %arg6[%get3A_149, %get3A_150] {strides = array<i32>} : memref<16x640xf32, #tpu.memory_space<vmem>>, vector<16xf32>,
      %add3A_152 = arith.addf %add3A_145, %get3A_151 : vector<16xf32>
      %mul3A_153 = arith.constant 16 : i32
      %mul3A_154 = arith.muli %scan3A_88, %mul3A_153 : i32
      %get3A_155 = arith.constant 9 : i32
      %get3A_156 = arith.index_cast %get3A_155 : i32 to index
      %get3A_157 = arith.index_cast %mul3A_154 : i32 to index
      %get3A_158 = tpu.vector_load %arg6[%get3A_156, %get3A_157] {strides = array<i32>} : memref<16x640xf32, #tpu.memory_space<vmem>>, vector<16xf32>,
      %add3A_159 = arith.addf %add3A_152, %get3A_158 : vector<16xf32>
      %mul3A_160 = arith.constant 16 : i32
      %mul3A_161 = arith.muli %scan3A_88, %mul3A_160 : i32
      %get3A_162 = arith.constant 10 : i32
      %get3A_163 = arith.index_cast %get3A_162 : i32 to index
      %get3A_164 = arith.index_cast %mul3A_161 : i32 to index
      %get3A_165 = tpu.vector_load %arg6[%get3A_163, %get3A_164] {strides = array<i32>} : memref<16x640xf32, #tpu.memory_space<vmem>>, vector<16xf32>,
      %add3A_166 = arith.addf %add3A_159, %get3A_165 : vector<16xf32>
      %mul3A_167 = arith.constant 16 : i32
      %mul3A_168 = arith.muli %scan3A_88, %mul3A_167 : i32
      %get3A_169 = arith.constant 11 : i32
      %get3A_170 = arith.index_cast %get3A_169 : i32 to index
      %get3A_171 = arith.index_cast %mul3A_168 : i32 to index
      %get3A_172 = tpu.vector_load %arg6[%get3A_170, %get3A_171] {strides = array<i32>} : memref<16x640xf32, #tpu.memory_space<vmem>>, vector<16xf32>,
      %add3A_173 = arith.addf %add3A_166, %get3A_172 : vector<16xf32>
      %mul3A_174 = arith.constant 16 : i32
      %mul3A_175 = arith.muli %scan3A_88, %mul3A_174 : i32
      %get3A_176 = arith.constant 12 : i32
      %get3A_177 = arith.index_cast %get3A_176 : i32 to index
      %get3A_178 = arith.index_cast %mul3A_175 : i32 to index
      %get3A_179 = tpu.vector_load %arg6[%get3A_177, %get3A_178] {strides = array<i32>} : memref<16x640xf32, #tpu.memory_space<vmem>>, vector<16xf32>,
      %add3A_180 = arith.addf %add3A_173, %get3A_179 : vector<16xf32>
      %mul3A_181 = arith.constant 16 : i32
      %mul3A_182 = arith.muli %scan3A_88, %mul3A_181 : i32
      %get3A_183 = arith.constant 13 : i32
      %get3A_184 = arith.index_cast %get3A_183 : i32 to index
      %get3A_185 = arith.index_cast %mul3A_182 : i32 to index
      %get3A_186 = tpu.vector_load %arg6[%get3A_184, %get3A_185] {strides = array<i32>} : memref<16x640xf32, #tpu.memory_space<vmem>>, vector<16xf32>,
      %add3A_187 = arith.addf %add3A_180, %get3A_186 : vector<16xf32>
      %mul3A_188 = arith.constant 16 : i32
      %mul3A_189 = arith.muli %scan3A_88, %mul3A_188 : i32
      %get3A_190 = arith.constant 14 : i32
      %get3A_191 = arith.index_cast %get3A_190 : i32 to index
      %get3A_192 = arith.index_cast %mul3A_189 : i32 to index
      %get3A_193 = tpu.vector_load %arg6[%get3A_191, %get3A_192] {strides = array<i32>} : memref<16x640xf32, #tpu.memory_space<vmem>>, vector<16xf32>,
      %add3A_194 = arith.addf %add3A_187, %get3A_193 : vector<16xf32>
      %mul3A_195 = arith.constant 16 : i32
      %mul3A_196 = arith.muli %scan3A_88, %mul3A_195 : i32
      %get3A_197 = arith.constant 15 : i32
      %get3A_198 = arith.index_cast %get3A_197 : i32 to index
      %get3A_199 = arith.index_cast %mul3A_196 : i32 to index
      %get3A_200 = tpu.vector_load %arg6[%get3A_198, %get3A_199] {strides = array<i32>} : memref<16x640xf32, #tpu.memory_space<vmem>>, vector<16xf32>,
      %add3A_201 = arith.addf %add3A_194, %get3A_200 : vector<16xf32>
      %mul3A_202 = arith.constant 16 : i32
      %mul3A_203 = arith.muli %scan3A_88, %mul3A_202 : i32
      %add3A_204 = vector.broadcast %mul3A_203 : i32 to vector<16xi32>
      %add3A_205 = arith.addi %iota3A, %add3A_204 : vector<16xi32>
      %mul3A_206 = arith.constant 16 : i32
      %mul3A_207 = vector.broadcast %mul3A_206 : i32 to vector<16xi32>
      %mul3A_208 = arith.muli %add3A_205, %mul3A_207 : vector<16xi32>
      tpu.vector_store_idx %arg7[%mul3A_208], %add3A_201 : memref<10240xf32, #tpu.memory_space<vmem>>[vector<16xi32>], vector<16xf32>,
      %scan3A_209 = arith.constant 0 : i32
      scf.yield %scan3A_209 : i32
    }
    %scan3A_83 = arith.constant 40 : i32
    %mul3A_84 = arith.constant 640 : i32
    %mul3A_85 = arith.muli %arg1, %mul3A_84 : i32
    %mul3A_86 = arith.constant 16 : i32
    %mul3A_87 = arith.muli %mul3A_85, %mul3A_86 : i32
    "tpu.region"() ({
      %run_scoped3A_88 = tpu.sem_alloc : memref<!tpu.dma_semaphore, #tpu.memory_space<semaphore_mem>>
      %dma_start3A = tpu.memref_slice %arg3[%arg0, %mul3A_87] : memref<2x163840xf32, #tpu.memory_space<hbm>> -> memref<1x10240xf32, #tpu.memory_space<hbm>>
      %dma_start3A_89 = tpu.memref_squeeze %dma_start3A : memref<1x10240xf32, #tpu.memory_space<hbm>> -> memref<10240xf32, #tpu.memory_space<hbm>>
      %dma_start3A_90 = tpu.memref_slice %arg3[%arg0, %mul3A_87] : memref<2x163840xf32, #tpu.memory_space<hbm>> -> memref<1x10240xf32, #tpu.memory_space<hbm>>
      %dma_start3A_91 = tpu.memref_squeeze %dma_start3A_90 : memref<1x10240xf32, #tpu.memory_space<hbm>> -> memref<10240xf32, #tpu.memory_space<hbm>>
      tpu.enqueue_dma source(%arg7 : memref<10240xf32, #tpu.memory_space<vmem>>) target(%dma_start3A_91 : memref<10240xf32, #tpu.memory_space<hbm>>) target_semaphore(%run_scoped3A_88 : memref<!tpu.dma_semaphore, #tpu.memory_space<semaphore_mem>>)
      %dma_wait3A = tpu.memref_slice %arg3[%arg0, %mul3A_87] : memref<2x163840xf32, #tpu.memory_space<hbm>> -> memref<1x10240xf32, #tpu.memory_space<hbm>>
      %dma_wait3A_92 = tpu.memref_squeeze %dma_wait3A : memref<1x10240xf32, #tpu.memory_space<hbm>> -> memref<10240xf32, #tpu.memory_space<hbm>>
      %dma_wait3A_93 = tpu.memref_slice %arg3[%arg0, %mul3A_87] : memref<2x163840xf32, #tpu.memory_space<hbm>> -> memref<1x10240xf32, #tpu.memory_space<hbm>>
      %dma_wait3A_94 = tpu.memref_squeeze %dma_wait3A_93 : memref<1x10240xf32, #tpu.memory_space<hbm>> -> memref<10240xf32, #tpu.memory_space<hbm>>
      tpu.wait_dma2 semaphore(%run_scoped3A_88 : memref<!tpu.dma_semaphore, #tpu.memory_space<semaphore_mem>>) src(%arg7 : memref<10240xf32, #tpu.memory_space<vmem>>) dst(%dma_wait3A_94 : memref<10240xf32, #tpu.memory_space<hbm>>)
      tpu.yield
    }) : () -> ()
    return
  }
}

module attributes {stable_mosaic.version = 14 : i64} {
  func.func @_final_body(%arg0: i32, %arg1: memref<2x1280x128xf32, #tpu.memory_space<vmem>>, %arg2: memref<1280x128xf32, #tpu.memory_space<vmem>>, %arg3: memref<2x1280x16xf32, #tpu.memory_space<vmem>>, %arg4: memref<1280x128xf32, #tpu.memory_space<vmem>>) attributes {dimension_semantics = [#tpu.dimension_semantics<arbitrary>], iteration_bounds = array<i64: 8>, scalar_prefetch = 0 : i64, scratch_operands = 0 : i64, tpu.core_type = #tpu.core_type<tc>, window_params = [{transform_indices = @transform_0, window_bounds = array<i64: 2, 1280, 128>}, {transform_indices = @transform_1, window_bounds = array<i64: 1280, 128>}, {transform_indices = @transform_2, window_bounds = array<i64: 2, 1280, 16>}, {transform_indices = @transform_3, window_bounds = array<i64: 1280, 128>}]} {
    %get3A = arith.constant 0 : index
    %get3A_0 = arith.constant 0 : index
    %get3A_1 = arith.constant 0 : index
    %get3A_2 = vector.load %arg3[%get3A, %get3A_0, %get3A_1] : memref<2x1280x16xf32, #tpu.memory_space<vmem>>, vector<1x1280x1xf32>
    %get3A_3 = vector.shape_cast %get3A_2 : vector<1x1280x1xf32> to vector<1280x1xf32>
    %get3A_4 = arith.constant 1 : index
    %get3A_5 = arith.constant 0 : index
    %get3A_6 = arith.constant 0 : index
    %get3A_7 = vector.load %arg3[%get3A_4, %get3A_5, %get3A_6] : memref<2x1280x16xf32, #tpu.memory_space<vmem>>, vector<1x1280x1xf32>
    %get3A_8 = vector.shape_cast %get3A_7 : vector<1x1280x1xf32> to vector<1280x1xf32>
    %add3A = arith.addf %get3A_3, %get3A_8 : vector<1280x1xf32>
    %add3A_9 = arith.constant 1.000000e+00 : f32
    %add3A_10 = vector.broadcast %add3A_9 : f32 to vector<1280x1xf32>
    %add3A_11 = arith.addf %add3A, %add3A_10 : vector<1280x1xf32>
    %rsqrt3A = math.rsqrt %add3A_11 : vector<1280x1xf32>
    %get3A_12 = arith.constant 0 : index
    %get3A_13 = arith.constant 0 : index
    %get3A_14 = arith.constant 0 : index
    %get3A_15 = vector.load %arg1[%get3A_12, %get3A_13, %get3A_14] : memref<2x1280x128xf32, #tpu.memory_space<vmem>>, vector<1x1280x128xf32>
    %get3A_16 = vector.shape_cast %get3A_15 : vector<1x1280x128xf32> to vector<1280x128xf32>
    %get3A_17 = arith.constant 1 : index
    %get3A_18 = arith.constant 0 : index
    %get3A_19 = arith.constant 0 : index
    %get3A_20 = vector.load %arg1[%get3A_17, %get3A_18, %get3A_19] : memref<2x1280x128xf32, #tpu.memory_space<vmem>>, vector<1x1280x128xf32>
    %get3A_21 = vector.shape_cast %get3A_20 : vector<1x1280x128xf32> to vector<1280x128xf32>
    %add3A_22 = arith.addf %get3A_16, %get3A_21 : vector<1280x128xf32>
    %get3A_23 = arith.constant 0 : index
    %get3A_24 = arith.constant 0 : index
    %get3A_25 = vector.load %arg2[%get3A_23, %get3A_24] : memref<1280x128xf32, #tpu.memory_space<vmem>>, vector<1280x128xf32>
    %sub3A = arith.subf %add3A_22, %get3A_25 : vector<1280x128xf32>
    %mul3A = vector.broadcast %rsqrt3A : vector<1280x1xf32> to vector<1280x128xf32>
    %mul3A_26 = arith.mulf %sub3A, %mul3A : vector<1280x128xf32>
    %swap3A = arith.constant 0 : index
    %swap3A_27 = arith.constant 0 : index
    %swap3A_28 = vector.load %arg4[%swap3A, %swap3A_27] : memref<1280x128xf32, #tpu.memory_space<vmem>>, vector<1280x128xf32>
    tpu.vector_store %arg4[%swap3A, %swap3A_27], %mul3A_26 {strides = array<i32>} : memref<1280x128xf32, #tpu.memory_space<vmem>>, vector<1280x128xf32>,
    return
  }
  func.func @transform_0(%arg0: i32) -> (i32, i32, i32) {
    %c0_i32 = arith.constant 0 : i32
    %c0_i32_0 = arith.constant 0 : i32
    %c0_i32_1 = arith.constant 0 : i32
    return %c0_i32, %arg0, %c0_i32_0 : i32, i32, i32
  }
  func.func @transform_1(%arg0: i32) -> (i32, i32) {
    %c0_i32 = arith.constant 0 : i32
    %c0_i32_0 = arith.constant 0 : i32
    return %arg0, %c0_i32 : i32, i32
  }
  func.func @transform_2(%arg0: i32) -> (i32, i32, i32) {
    %c0_i32 = arith.constant 0 : i32
    %c0_i32_0 = arith.constant 0 : i32
    %c0_i32_1 = arith.constant 0 : i32
    return %c0_i32, %arg0, %c0_i32_0 : i32, i32, i32
  }
  func.func @transform_3(%arg0: i32) -> (i32, i32) {
    %c0_i32 = arith.constant 0 : i32
    %c0_i32_0 = arith.constant 0 : i32
    return %arg0, %c0_i32 : i32, i32
  }
}

module attributes {stable_mosaic.version = 14 : i64} {
  func.func @_linear_body(%arg0: i32, %arg1: memref<1280x128xf32, #tpu.memory_space<vmem>>, %arg2: memref<128x128xf32, #tpu.memory_space<vmem>>, %arg3: memref<1x128xf32, #tpu.memory_space<vmem>>, %arg4: memref<2x1280x16xf32, #tpu.memory_space<vmem>>, %arg5: memref<1280x128xf32, #tpu.memory_space<vmem>>) attributes {dimension_semantics = [#tpu.dimension_semantics<arbitrary>], iteration_bounds = array<i64: 8>, scalar_prefetch = 0 : i64, scratch_operands = 0 : i64, tpu.core_type = #tpu.core_type<tc>, window_params = [{transform_indices = @transform_0, window_bounds = array<i64: 1280, 128>}, {pipeline_mode = #tpu.pipeline_mode<synchronous>, transform_indices = @transform_1, window_bounds = array<i64: 128, 128>}, {pipeline_mode = #tpu.pipeline_mode<synchronous>, transform_indices = @transform_2, window_bounds = array<i64: 1, 128>}, {transform_indices = @transform_3, window_bounds = array<i64: 2, 1280, 16>}, {transform_indices = @transform_4, window_bounds = array<i64: 1280, 128>}]} {
    %get3A = arith.constant 0 : index
    %get3A_0 = arith.constant 0 : index
    %get3A_1 = arith.constant 0 : index
    %get3A_2 = vector.load %arg4[%get3A, %get3A_0, %get3A_1] : memref<2x1280x16xf32, #tpu.memory_space<vmem>>, vector<1x1280x1xf32>
    %get3A_3 = vector.shape_cast %get3A_2 : vector<1x1280x1xf32> to vector<1280x1xf32>
    %get3A_4 = arith.constant 1 : index
    %get3A_5 = arith.constant 0 : index
    %get3A_6 = arith.constant 0 : index
    %get3A_7 = vector.load %arg4[%get3A_4, %get3A_5, %get3A_6] : memref<2x1280x16xf32, #tpu.memory_space<vmem>>, vector<1x1280x1xf32>
    %get3A_8 = vector.shape_cast %get3A_7 : vector<1x1280x1xf32> to vector<1280x1xf32>
    %add3A = arith.addf %get3A_3, %get3A_8 : vector<1280x1xf32>
    %add3A_9 = arith.constant 1.000000e+00 : f32
    %add3A_10 = vector.broadcast %add3A_9 : f32 to vector<1280x1xf32>
    %add3A_11 = arith.addf %add3A, %add3A_10 : vector<1280x1xf32>
    %rsqrt3A = math.rsqrt %add3A_11 : vector<1280x1xf32>
    %get3A_12 = arith.constant 0 : index
    %get3A_13 = arith.constant 0 : index
    %get3A_14 = vector.load %arg1[%get3A_12, %get3A_13] : memref<1280x128xf32, #tpu.memory_space<vmem>>, vector<1280x128xf32>
    %get3A_15 = arith.constant 0 : index
    %get3A_16 = arith.constant 0 : index
    %get3A_17 = vector.load %arg2[%get3A_15, %get3A_16] : memref<128x128xf32, #tpu.memory_space<vmem>>, vector<128x128xf32>
    %dot_general3A = arith.constant dense<0.000000e+00> : vector<1280x128xf32>
    %dot_general3A_18 = tpu.matmul %get3A_14, %get3A_17, %dot_general3A {dimension_numbers = #tpu.dot_dimension_numbers<[1], [1], [0], [0], [0, 0, 1, 0], [], []>, transpose_lhs_hint = false} : vector<1280x128xf32>, vector<128x128xf32>, vector<1280x128xf32> -> vector<1280x128xf32>
    %get3A_19 = arith.constant 0 : index
    %get3A_20 = arith.constant 0 : index
    %get3A_21 = vector.load %arg3[%get3A_19, %get3A_20] : memref<1x128xf32, #tpu.memory_space<vmem>>, vector<1x128xf32>
    %add3A_22 = vector.broadcast %get3A_21 : vector<1x128xf32> to vector<1280x128xf32>
    %add3A_23 = arith.addf %dot_general3A_18, %add3A_22 : vector<1280x128xf32>
    %mul3A = vector.broadcast %rsqrt3A : vector<1280x1xf32> to vector<1280x128xf32>
    %mul3A_24 = arith.mulf %add3A_23, %mul3A : vector<1280x128xf32>
    %swap3A = arith.constant 0 : index
    %swap3A_25 = arith.constant 0 : index
    %swap3A_26 = vector.load %arg5[%swap3A, %swap3A_25] : memref<1280x128xf32, #tpu.memory_space<vmem>>, vector<1280x128xf32>
    tpu.vector_store %arg5[%swap3A, %swap3A_25], %mul3A_24 {strides = array<i32>} : memref<1280x128xf32, #tpu.memory_space<vmem>>, vector<1280x128xf32>,
    return
  }
  func.func @transform_0(%arg0: i32) -> (i32, i32) {
    %c0_i32 = arith.constant 0 : i32
    %c0_i32_0 = arith.constant 0 : i32
    return %arg0, %c0_i32 : i32, i32
  }
  func.func @transform_1(%arg0: i32) -> (i32, i32) {
    %c0_i32 = arith.constant 0 : i32
    %c0_i32_0 = arith.constant 0 : i32
    %c0_i32_1 = arith.constant 0 : i32
    return %c0_i32, %c0_i32_0 : i32, i32
  }
  func.func @transform_2(%arg0: i32) -> (i32, i32) {
    %c0_i32 = arith.constant 0 : i32
    %c0_i32_0 = arith.constant 0 : i32
    %c0_i32_1 = arith.constant 0 : i32
    return %c0_i32, %c0_i32_0 : i32, i32
  }
  func.func @transform_3(%arg0: i32) -> (i32, i32, i32) {
    %c0_i32 = arith.constant 0 : i32
    %c0_i32_0 = arith.constant 0 : i32
    %c0_i32_1 = arith.constant 0 : i32
    return %c0_i32, %arg0, %c0_i32_0 : i32, i32, i32
  }
  func.func @transform_4(%arg0: i32) -> (i32, i32) {
    %c0_i32 = arith.constant 0 : i32
    %c0_i32_0 = arith.constant 0 : i32
    return %arg0, %c0_i32 : i32, i32
  }
}

</mosaic_0001>

<sc_bundles>
// kernel: kernel.6.cloned.1.call-start
scs
__scs_entry_jumppad:
0x0: {  	(pc) =	sbr.rel $0x88, $3  }
0x1: {  	(tag) =	ssettag $0x0;
	lr =	simm.s32 $0x1  }
0x2: {  	[smem:$0x3F9D] =	sst lr;
	_ =	strace $0xD0000000  }
0x3: {  	_ = 	snop  }
0x4: {  	_ = 	snop  }
0x5: {  	_ = 	snop  }
0x6: {  	_ = 	snop  }
0x7: {  	_ = 	snop  }
__scs_overlays_trampoline_lowered:
0x8: {  	[smem:$0x3FAC] =	sst s0  }
0x9: {  	[smem:$0x3FAD] =	sst s1  }
0xa: {  	[smem:$0x3FAE] =	sst s2  }
0xb: {  	[smem:$0x3FAF] =	sst s3  }
0xc: {  	[smem:$0x3FB0] =	sst s4  }
0xd: {  	[smem:$0x3FB1] =	sst s5  }
0xe: {  	[smem:$0x3FB2] =	sst s6  }
0xf: {  	[smem:$0x3FB3] =	sst s7  }
0x10: {  	[smem:$0x3FB4] =	sst s8  }
0x11: {  	[smem:$0x3FB5] =	sst s9;
	s0 =	simm.s32 @!p0 $0x0  }
0x12: {  	s1 =	sld [smem:$0x3F9B];
	s0 =	simm.s32 @p0 $0x1  }
0x13: {  	[smem:$0x3FB6] =	sst s0;
	s0 =	simm.s32 @!p1 $0x0  }
0x14: {  	s2 =	sld [smem:$0x3F9A];
	s0 =	simm.s32 @p1 $0x1  }
0x15: {  	[smem:$0x3FB7] =	sst s0;
	s0 =	simm.s32 @!p2 $0x0  }
0x16: {  	s3 =	sld [smem:$0x3FDB];
	s0 =	simm.s32 @p2 $0x1  }
0x17: {  	s4 =	simm.s32 $0x1BF5;
	[smem:$0x3FB9] =	sst s0  }
0x18: {  	s0 =	sld [smem:$0x3F9C];
	_ =	swait.ge [sflag:s4], $0x0  }
0x19: {  	s7 =	sld [smem:$0x3F9D]  }
0x1a: {  	s8 =	sadd.s32 $0xFFFFE003, lr  }
0x1b: {  	s9 =	sadd.s32 $0xFFFFFEF7, lr;
	s5 =	simm.s32 $0xFFFFFFFF;
	p2 =	slt.u32 s8, $0xFFFFF086  }
0x1c: {  	p1 =	slt.u32 s9, $0xF7A;
	s5 =	simm.s32 @!p2 $0x0  }
0x1d: {  	s5 =	simm.s32 @p1 $0x1;
	p0 =	seq.s32 s7, s2  }
0x1e: {  	s7 =	smul.u32 @!p0 $0xF7A, s2;
	p2 =	seq.s32 @!p0 s5, $0x0  }
0x1f: {  	s9 =	smul.u32 $0xF7A, s1;
	s8 =	simm.s32 @!p0 $0x1BF5;
	p2 =	por !p2, p0  }
0x20: {  	[sflag:s8] =	ssyncset.s32 @!p0 $0xFFFFF086;
	s6 =	sadd.s32 @!p0 s3, s7;
	s7 =	simm.s32 @!p0 $0x108  }
0x21: {  	s3 =	sadd.s32 s3, s9;
	s6 =	sadd.s32 @!p0 $0x88, s6;
	s7 =	simm.s32 @p2 $0x1082  }
0x22: {  	[simem:s7], [sflag:s8] =	dma.local @!p0 [hbm:s6], $0xF7A  }
0x23: {  	s9 =	sor.u32 $0xD0000000, s2;
	s6 =	simm.s32 $0x108;
	_ =	swait.ge @!p0 [sflag:s8], $0x0  }
0x24: {  	s3 =	sadd.s32 $0x88, s3;
	s6 =	simm.s32 @!p1 $0x1082;
	[sflag:s4] =	ssyncset.s32 $0xFFFFF086  }
0x25: {  	[simem:s6], [sflag:s4] =	dma.local [hbm:s3], $0xF7A  }
0x26: {  	[smem:$0x3F9D] =	sst s1;
	(tag) =	ssettag s2;
	_ =	strace s9  }
0x27: {  	s1 =	sld [smem:$0x3FAD]  }
0x28: {  	s2 =	sld [smem:$0x3FAE]  }
0x29: {  	s4 =	sld [smem:$0x3FB0]  }
0x2a: {  	p0 =	seq.s32 s5, $0x0;
	s5 =	sld [smem:$0x3FB1]  }
0x2b: {  	s6 =	sld [smem:$0x3FB2]  }
0x2c: {  	s7 =	sld [smem:$0x3FB3]  }
0x2d: {  	s3 =	simm.s32 $0x108;
	s8 =	sld [smem:$0x3FB4]  }
0x2e: {  	s3 =	simm.s32 @!p0 $0x1082;
	s9 =	sld [smem:$0x3FB5]  }
0x2f: {  	lr =	sadd.s32 s0, s3;
	s0 =	sld [smem:$0x3FAC]  }
0x30: {  	s3 =	sld [smem:$0x3FAF]  }
0x31: {  	[smem:$0x3FB8] =	sst s10  }
0x32: {  	s10 =	sld [smem:$0x3FB6];
	_ =	sdelay $0x3  }
0x33: {  	p0 =	seq.s32 s10, $0x1;
	s10 =	sld [smem:$0x3FB8];
	_ =	sdelay $0x3  }
0x34: {  	[smem:$0x3FB8] =	sst s10  }
0x35: {  	s10 =	sld [smem:$0x3FB7];
	_ =	sdelay $0x3  }
0x36: {  	p1 =	seq.s32 s10, $0x1;
	s10 =	sld [smem:$0x3FB8];
	_ =	sdelay $0x3  }
0x37: {  	[smem:$0x3FB8] =	sst s10  }
0x38: {  	s10 =	sld [smem:$0x3FB9]  }
0x39: {  	_ = 	snop;
	(pc) =	sbr.ind lr, $3  }
0x3a: {  	_ = 	snop  }
0x3b: {  	_ = 	snop  }
0x3c: {  	p2 =	seq.s32 s10, $0x1;
	s10 =	sld [smem:$0x3FB8]  }
0x3d: {  	_ =	shalt  }
0x3e: {  	_ =	shalt  }
0x3f: {  	_ =	shalt  }
0x40: {  	_ =	shalt  }
0x41: {  	_ =	shalt  }
0x42: {  	_ =	shalt  }
0x43: {  	_ =	shalt  }
0x44: {  	_ =	shalt  }
0x45: {  	_ =	shalt  }
0x46: {  	_ =	shalt  }
0x47: {  	_ =	shalt  }
0x48: {  	_ =	shalt  }
0x49: {  	_ =	shalt  }
0x4a: {  	_ =	shalt  }
0x4b: {  	_ =	shalt  }
0x4c: {  	_ =	shalt  }
0x4d: {  	_ =	shalt  }
0x4e: {  	_ =	shalt  }
0x4f: {  	_ =	shalt  }
0x50: {  	_ =	shalt  }
0x51: {  	_ =	shalt  }
0x52: {  	_ =	shalt  }
0x53: {  	_ =	shalt  }
0x54: {  	_ =	shalt  }
0x55: {  	_ =	shalt  }
0x56: {  	_ =	shalt  }
0x57: {  	_ =	shalt  }
0x58: {  	_ =	shalt  }
0x59: {  	_ =	shalt  }
0x5a: {  	_ =	shalt  }
0x5b: {  	_ =	shalt  }
0x5c: {  	_ =	shalt  }
0x5d: {  	_ =	shalt  }
0x5e: {  	_ =	shalt  }
0x5f: {  	_ =	shalt  }
0x60: {  	_ =	shalt  }
0x61: {  	_ =	shalt  }
0x62: {  	_ =	shalt  }
0x63: {  	_ =	shalt  }
0x64: {  	_ =	shalt  }
0x65: {  	_ =	shalt  }
0x66: {  	_ =	shalt  }
0x67: {  	_ =	shalt  }
0x68: {  	_ =	shalt  }
0x69: {  	_ =	shalt  }
0x6a: {  	_ =	shalt  }
0x6b: {  	_ =	shalt  }
0x6c: {  	_ =	shalt  }
0x6d: {  	_ =	shalt  }
0x6e: {  	_ =	shalt  }
0x6f: {  	_ =	shalt  }
0x70: {  	_ =	shalt  }
0x71: {  	_ =	shalt  }
0x72: {  	_ =	shalt  }
0x73: {  	_ =	shalt  }
0x74: {  	_ =	shalt  }
0x75: {  	_ =	shalt  }
0x76: {  	_ =	shalt  }
0x77: {  	_ =	shalt  }
0x78: {  	_ =	shalt  }
0x79: {  	_ =	shalt  }
0x7a: {  	_ =	shalt  }
0x7b: {  	_ =	shalt  }
0x7c: {  	_ =	shalt  }
0x7d: {  	_ =	shalt  }
0x7e: {  	_ =	shalt  }
0x7f: {  	_ =	shalt  }
0x80: {  	_ =	shalt  }
0x81: {  	_ =	shalt  }
0x82: {  	_ =	shalt  }
0x83: {  	_ =	shalt  }
0x84: {  	_ =	shalt  }
0x85: {  	_ =	shalt  }
0x86: {  	_ =	shalt  }
0x87: {  	_ =	shalt  }
.Lfunc_end0:
.L_simem_size_0:
called_computation_lowered:
.L_overlay_start_0:
0x88: {  	s2 =	sld [smem:$0x3FD9]  }
0x89: {  	s3 =	sld [smem:$0x3FFE];
	_ =	sdelay $0x1  }
0x8a: {  	s1 =	srdreg.scid  }
0x8b: {  	s0 =	sand.u32 $0x1, s1  }
0x8c: {  	s16 =	sshll.u32 s0, $0xA;
	s2 =	sadd.s32 s3, s2  }
0x8d: {  	s2 =	sadd.s32 s2, s16  }
0x8e: {  	[smem:$0x3FC4] =	sst s2  }
0x8f: {  	_ = 	snop  }
0x90: {  	(tm) =	ssettm $0x1  }
0x91: {  	s17 =	sld [smem:$0x3FFB];
	_ =	sdelay $0x3  }
0x92: {  	_ =	strace s17  }
0x93: {  	s2 =	sld [smem:$0x3FFC];
	_ =	sdelay $0x3  }
0x94: {  	_ =	strace s2  }
0x95: {  	s2 =	sld [smem:$0x3FFD];
	_ =	sdelay $0x3  }
0x96: {  	_ =	strace s2  }
0x97: {  	_ =	strace $0x8FFFFFFF  }
0x98: {  	s18 =	sld [smem:$0x3FDB];
	_ =	sdelay $0x1  }
0x99: {  	s19 =	simm.s32 $_scs_section_size  }
0x9a: {  	s4 =	simm.s32 $_size__tile_overlayer_lowered;
	s5 =	simm.s32 $_tile_overlayer_lowered  }
0x9b: {  	s22 =	simm.s32 $0x1BFF;
	s21 =	sshll.u32 s5, $0x1;
	s2 =	sadd.s32 s19, s18  }
0x9c: {  	s6 =	simm.s32 $0x0;
	s20 =	sshll.u32 s4, $0x1;
	s4 =	sadd.s32 s21, s2  }
0x9d: {  	[timem:s6], [sflag:s22] =	dma.local [hbm:s4], s20  }
0x9e: {  	_ =	swait.ge [sflag:s22], s20  }
0x9f: {  	s3 =	ssub.s32 $0x0, s20;
	[sflag:s22] =	ssyncset.done $0x0  }
0xa0: {  	[sflag:s22] =	ssyncadd.s32 s3;
	_ =	sdelay $0x1  }
0xa1: {  	s23 =	simm.s32 $0x1B8B  }
0xa2: {  	_ =	swait.ge [sflag:s23], $0x1  }
0xa3: {  	[sflag:s23] =	ssyncset.done $0x0  }
0xa4: {  	s25 =	simm.s32 $0x1B8E;
	s24 =	sld [smem:$0x3FFE];
	[sflag:s23] =	ssyncadd.s32 $0xFFFFFFFF  }
0xa5: {  	s26 =	simm.s32 $execute0_lowered;
	[smem:$0x3FD2] =	sst s25  }
0xa6: {  	s4 =	sshll.u32 s26, $0x1;
	_ =	strace $0x80000046;
	[dreg:$0x1] =	wrdreg $0xFFFFFFFF  }
0xa7: {  	s28 =	simm.s32 $_size_execute0_lowered;
	s2 =	sadd.s32 s2, s4;
	[dreg:$0x0] =	wrdreg $0x0  }
0xa8: {  	s4 =	sshll.u32 s28, $0x1;
	[dreg:$0x2] =	wrdreg s2  }
0xa9: {  	[dreg:$0x3] =	wrdreg s4  }
0xaa: {  	[dreg:$0x4] =	wrdreg $0xC0  }
0xab: {  	_ =	task [dreg:s6], $0x5FFFF  }
0xac: {  	[dreg:$0x1] =	wrdreg $0xFFFFFFFF  }
0xad: {  	[dreg:$0x0] =	wrdreg $0x60  }
0xae: {  	[dreg:$0x2] =	wrdreg s24  }
0xaf: {  	[dreg:$0x3] =	wrdreg $0xA0000  }
0xb0: {  	[dreg:$0x4] =	wrdreg $0x9  }
0xb1: {  	_ =	task.clear_ibuf [dreg:s6], $0x5FFFF;
	_ =	strace $0x90000046  }
0xb2: {  	s29 =	simm.s32 $0x9;
	_ =	strace $0x80000048  }
0xb3: {  	_ =	swait.ge [sflag:s29], $0x1  }
0xb4: {  	[sflag:s29] =	ssyncadd.s32 $0xFFFFFFFF  }
0xb5: {  	_ =	strace $0x90000048  }
0xb6: {  	_ =	sfence  }
0xb7: {  	s30 =	sld [smem:$0x0];
	_ =	sdelay $0x2  }
0xb8: {  	s31 =	sshll.u32 s1, $0xD;
	s1 =	sshrl.u32 s1, $0x2  }
0xb9: {  	s3 =	sand.u32 $0x4000, s31;
	s1 =	sadd.s32 s1, s30  }
0xba: {  	s0 =	sor.u32 s3, s0;
	s1 =	sshll.u32 s1, $0x11  }
0xbb: {  	s0 =	sor.u32 s1, s0  }
0xbc: {  	s0 =	sadd.s32 $0x8F2B, s0  }
0xbd: {  	[sflag:s0] =	ssyncadd.remote.s32 $0x1  }
0xbe: {  	_ =	sfence.sel $0xFFFF  }
0xbf: {  	[dreg:$0x0] =	wrdreg $0xFFFFFFFF;
	(pc) =	sbr.abs _section_cstart, $3  }
0xc0: {  	[dreg:$0x1] =	wrdreg $0xFFFFFFFF  }
0xc1: {  	_ =	task.clear_ibuf [dreg:s6], $0x2FFFF;
	_ =	strace $0x9FFFFFFF  }
0xc2: {  	(tm) =	ssettm $0x7FFFFFFF  }
0xc3: {  	_ =	shalt  }
tec
execute0_lowered:
.L_overlay_start_1:
0x0: {  	(tag) =	ssettag $0x1  }
0x1: {  	s0 =	rddreg [dreg:$0x0]  }
0x2: {  	s1 =	rddreg [dreg:$0x1];
	s7 =	stileid.u32  }
0x3: {  	s5 =	simm.s32 $0x0;
	s3 =	srdreg.scid;
	s2 =	sshrl.u32 s7, $0x2  }
0x4: {  	s4 =	sshll.u32 s7, $0x8;
	[smem:$0x7FF] =	sst s5;
	s11 =	smul.u32 $0x5000, s7  }
0x5: {  	s3 =	sand.u32 $0x1, s3;
	s6 =	sshrl.u32 s7, $0x3;
	s2 =	smul.u32 $0x14000, s2  }
0x6: {  	s13 =	sshll.u32 s7, $0x7;
	s4 =	sand.u32 $0x300, s4;
	s10 =	sshll.u32 s3, $0x7  }
0x7: {  	_ =	strace $0x80000047;
	s6 =	smul.u32 $0x50000, s6;
	s2 =	sor.u32 s2, s4  }
0x8: {  	s3 =	ssub.s32 $0x2, s3;
	s5 =	sor.u32 s10, s11;
	s2 =	sor.u32 s10, s2  }
0x9: {  	s12 =	sshrl.u32 s3, $0x1;
	s6 =	sshrl.u32 s6, $0x2;
	s2 =	sshrl.u32 s2, $0x3  }
0xa: {  	s5 =	sshrl.u32 s5, $0x3;
	s6 =	sadd.s32 s6, s1;
	s2 =	sadd.s32 s2, s0  }
0xb: {  	s0 =	sadd.s32 s5, s0;
	s5 =	sand.u32 $0x380, s13;
	s2 =	sadd.s32 $0x1600, s2  }
0xc: {  	s3 =	ssub.s32 s3, s12;
	s14 =	sadd.s32 s5, s6;
	[dreg:$0x3] =	wrdreg s2  }
0xd: {  	s4 =	sshrl.u32 s11, $0x2;
	s0 =	sadd.s32 $0xB600, s0;
	[dreg:$0x4] =	wrdreg s14  }
0xe: {  	s5 =	sadd.s32 s4, s1;
	s6 =	smax.u32 s3, $0x1;
	[dreg:$0x14] =	wrdreg s0  }
0xf: {  	s1 =	sadd.s32 $0x80, s5;
	[dreg:$0x15] =	wrdreg s6  }
0x10: {  	s15 =	sadd.s32 $0x100, s5;
	[dreg:$0x5] =	wrdreg s1  }
0x11: {  	s16 =	sadd.s32 $0x180, s5;
	[dreg:$0x6] =	wrdreg s15  }
0x12: {  	s17 =	sadd.s32 $0x200, s5;
	[dreg:$0x7] =	wrdreg s16  }
0x13: {  	s18 =	sadd.s32 $0x280, s5;
	[dreg:$0x8] =	wrdreg s17  }
0x14: {  	s19 =	sadd.s32 $0x300, s5;
	[dreg:$0x9] =	wrdreg s18  }
0x15: {  	s20 =	sadd.s32 $0x380, s5;
	[dreg:$0xa] =	wrdreg s19  }
0x16: {  	s21 =	sadd.s32 $0x14000, s5;
	[dreg:$0xb] =	wrdreg s20  }
0x17: {  	s22 =	sadd.s32 $0x14080, s5;
	[dreg:$0xc] =	wrdreg s21  }
0x18: {  	s23 =	sadd.s32 $0x14100, s5;
	[dreg:$0xd] =	wrdreg s22  }
0x19: {  	s24 =	sadd.s32 $0x14180, s5;
	[dreg:$0xe] =	wrdreg s23  }
0x1a: {  	s25 =	sadd.s32 $0x14200, s5;
	[dreg:$0xf] =	wrdreg s24  }
0x1b: {  	s26 =	sadd.s32 $0x14280, s5;
	[dreg:$0x10] =	wrdreg s25  }
0x1c: {  	s2 =	sadd.s32 $0x14300, s5;
	[dreg:$0x11] =	wrdreg s26  }
0x1d: {  	s4 =	sadd.s32 $0x14380, s5;
	[dreg:$0x12] =	wrdreg s2  }
0x1e: {  	s7 =	sadd.s32 $0x400, s5;
	[dreg:$0x13] =	wrdreg s4  }
0x1f: {  	s8 =	sadd.s32 $0x800, s5;
	[dreg:$0x16] =	wrdreg s7  }
0x20: {  	s9 =	sadd.s32 $0xC00, s5;
	[dreg:$0x17] =	wrdreg s8  }
0x21: {  	s10 =	sadd.s32 $0x1000, s5;
	[dreg:$0x18] =	wrdreg s9  }
0x22: {  	s11 =	sadd.s32 $0x480, s5;
	[dreg:$0x19] =	wrdreg s10  }
0x23: {  	s12 =	sadd.s32 $0x880, s5;
	[dreg:$0x1a] =	wrdreg s11  }
0x24: {  	s13 =	sadd.s32 $0xC80, s5;
	[dreg:$0x1b] =	wrdreg s12  }
0x25: {  	s14 =	sadd.s32 $0x1080, s5;
	[dreg:$0x1c] =	wrdreg s13  }
0x26: {  	s3 =	sadd.s32 $0xE80, s5;
	[dreg:$0x1d] =	wrdreg s14  }
0x27: {  	s6 =	sadd.s32 $0x700, s5;
	[smem:$0x7E7] =	sst s3  }
0x28: {  	s15 =	sadd.s32 $0x500, s5;
	[smem:$0x7E9] =	sst s6  }
0x29: {  	s16 =	sadd.s32 $0x900, s5;
	[dreg:$0x1e] =	wrdreg s15  }
0x2a: {  	s17 =	sadd.s32 $0xD00, s5;
	[dreg:$0x1f] =	wrdreg s16  }
0x2b: {  	s18 =	sadd.s32 $0x1100, s5;
	[smem:$0x7DB] =	sst s17  }
0x2c: {  	s19 =	sadd.s32 $0x580, s5;
	[smem:$0x7DC] =	sst s18  }
0x2d: {  	s20 =	sadd.s32 $0x980, s5;
	[smem:$0x7DD] =	sst s19  }
0x2e: {  	s21 =	sadd.s32 $0xD80, s5;
	[smem:$0x7DE] =	sst s20  }
0x2f: {  	s22 =	sadd.s32 $0x1180, s5;
	[smem:$0x7DF] =	sst s21  }
0x30: {  	s23 =	sadd.s32 $0x600, s5;
	[smem:$0x7E0] =	sst s22  }
0x31: {  	s24 =	sadd.s32 $0xA00, s5;
	[smem:$0x7E1] =	sst s23  }
0x32: {  	s25 =	sadd.s32 $0xE00, s5;
	[smem:$0x7E2] =	sst s24  }
0x33: {  	s26 =	sadd.s32 $0x1200, s5;
	[smem:$0x7E3] =	sst s25  }
0x34: {  	s1 =	sadd.s32 $0x680, s5;
	[smem:$0x7E4] =	sst s26  }
0x35: {  	s2 =	sadd.s32 $0xA80, s5;
	[smem:$0x7E5] =	sst s1  }
0x36: {  	s4 =	sadd.s32 $0x1280, s5;
	[smem:$0x7E6] =	sst s2  }
0x37: {  	s7 =	sadd.s32 $0xB00, s5;
	[smem:$0x7E8] =	sst s4  }
0x38: {  	s8 =	sadd.s32 $0xF00, s5;
	[smem:$0x7EA] =	sst s7  }
0x39: {  	s9 =	sadd.s32 $0x1300, s5;
	[smem:$0x7EB] =	sst s8  }
0x3a: {  	s10 =	sadd.s32 $0x780, s5;
	[smem:$0x7EC] =	sst s9  }
0x3b: {  	s11 =	sadd.s32 $0xB80, s5;
	[smem:$0x7ED] =	sst s10  }
0x3c: {  	s12 =	sadd.s32 $0xF80, s5;
	[smem:$0x7EE] =	sst s11  }
0x3d: {  	s13 =	sadd.s32 $0x1380, s5;
	[smem:$0x7EF] =	sst s12  }
0x3e: {  	s14 =	sadd.s32 $0x14400, s5;
	[smem:$0x7F0] =	sst s13  }
0x3f: {  	[smem:$0x7F1] =	sst s14;
	s15 =	sadd.s32 $0x14800, s5  }
0x40: {  	s28 =	simm.s32 $0x80;
	s16 =	sadd.s32 $0x14C00, s5;
	[smem:$0x7F2] =	sst s15  }
0x41: {  	s29 =	simm.s32 $0x400;
	s17 =	sadd.s32 $0x15000, s5;
	[smem:$0x7F3] =	sst s16  }
0x42: {  	s30 =	simm.s32 $0x1;
	s18 =	sadd.s32 $0x14480, s5;
	[smem:$0x7F4] =	sst s17  }
0x43: {  	s31 =	simm.s32 $0x2800;
	s19 =	sadd.s32 $0x14880, s5;
	[smem:$0x7F5] =	sst s18  }
0x44: {  	s0 =	simm.s32 $0x7800;
	s20 =	sadd.s32 $0x14C80, s5;
	[smem:$0x7F6] =	sst s19  }
0x45: {  	s21 =	sadd.s32 $0x15080, s5;
	s22 =	sadd.s32 $0x14500, s5;
	[smem:$0x7F7] =	sst s20  }
0x46: {  	s23 =	sadd.s32 $0x14900, s5;
	s24 =	sadd.s32 $0x14D00, s5;
	[smem:$0x7F8] =	sst s21  }
0x47: {  	s25 =	sadd.s32 $0x15100, s5;
	s26 =	sadd.s32 $0x14580, s5;
	[smem:$0x7F9] =	sst s22  }
0x48: {  	s8 =	sadd.s32 $0x14980, s5;
	s9 =	sadd.s32 $0x14D80, s5;
	[smem:$0x7FA] =	sst s23  }
0x49: {  	s10 =	sadd.s32 $0x15180, s5;
	s11 =	sadd.s32 $0x14600, s5;
	[smem:$0x7FB] =	sst s24  }
0x4a: {  	s12 =	sadd.s32 $0x14A00, s5;
	s13 =	sadd.s32 $0x14E00, s5;
	[smem:$0x7FC] =	sst s25  }
0x4b: {  	s14 =	sadd.s32 $0x15200, s5;
	s1 =	simm.s32 $0x0;
	[smem:$0x7FD] =	sst s26  }
0x4c: {  	s15 =	sadd.s32 $0x14680, s5;
	s16 =	sadd.s32 $0x14A80, s5;
	s17 =	sadd.s32 $0x14E80, s5  }
0x4d: {  	s18 =	sadd.s32 $0x15280, s5;
	s19 =	sadd.s32 $0x14700, s5;
	s20 =	sadd.s32 $0x14B00, s5  }
0x4e: {  	v1 =	vlaneseq.u32;
	s21 =	sadd.s32 $0x14F00, s5;
	s22 =	sadd.s32 $0x15300, s5;
	s23 =	sadd.s32 $0x14780, s5  }
0x4f: {  	v0 =	vimm.f32 $0.0e+00;
	v1 =	vmul.u32 $0x10, v1;
	s24 =	sadd.s32 $0x14B80, s5;
	s25 =	sadd.s32 $0x14F80, s5;
	s26 =	sadd.s32 $0x15380, s5  }
.LBB2_1:
0x50: {  	s2 =	simm.s32 $0x0;
	s3 =	rddreg [dreg:$0x3]  }
0x51: {  	[tilespmem:s2], [sflag:$0x1] =	stream.strided.gather [hbm4b:s3+s28], $0x2800, s29, s28, $0x38;
	[tilespmem:$0xC800] =	vst v63  }
0x52: {  	_ =	swait.ge [sflag:s30], $0x2800  }
0x53: {  	[sflag:s30] =	ssyncset.done $0x0  }
0x54: {  	s2 =	simm.s32 $0x0;
	[sflag:s30] =	ssyncadd.s32 $0xFFFFD800  }
.LBB2_2:
0x55: {  	p0 =	sne.s32 s2, $0x9FC0  }
.Ltmp0:
0x56: {  	_ = 	snop;
	(pc) =	sbr.rel @p0 .LBB2_2-.Ltmp0, $3  }
0x57: {  	_ =	sdelay $0x1  }
0x58: {  	s3 =	sshra.s32 s2, $0x2  }
0x59: {  	s2 =	sadd.s32 $0x40, s2;
	[tilespmem:s3+$0x2800] =	vst v0  }
0x5a: {  	s3 =	simm.s32 $0x0;
	s2 =	simm.s32 $0x40  }
.LBB2_4:
0x5b: {  	p0 =	sne.s32 s2, $0x9FC0;
	v2 =	vld [tilespmem:s3+$0x0];
	_ =	sdelay $0x4  }
0x5c: {  	(xrf1) =	vunique.msk.u32 $0xffff, v2;
	_ =	sdelay $0xd  }
0x5d: {  	_, v3, vm0 =	vpop (xrf1);
	_ =	sdelay $0x1  }
.Ltmp1:
0x5e: {  	(pc) =	sbr.rel @p0 .LBB2_4-.Ltmp1, $3  }
0x5f: {  	_ = 	snop  }
0x60: {  	v3 =	vcvt.s32.f32 v3;
	_ =	sdelay $0x1  }
0x61: {  	s3 =	sshra.s32 s2, $0x2;
	s2 =	sadd.s32 $0x40, s2;
	[tilespmem:v2+s31+$0x0] =	vst.idx.add.f32.msk vm0, v3  }
0x62: {  	v2 =	vld [tilespmem:s3+$0x0];
	_ =	sdelay $0x4  }
0x63: {  	(xrf1) =	vunique.msk.u32 $0xffff, v2;
	_ =	sdelay $0xd  }
0x64: {  	_, v3, vm0 =	vpop (xrf1);
	_ =	sdelay $0x3  }
0x65: {  	v3 =	vcvt.s32.f32 v3;
	_ =	sdelay $0x1  }
0x66: {  	s2 =	rddreg [dreg:$0x4];
	[tilespmem:v2+s31+$0x0] =	vst.idx.add.f32.msk vm0, v3  }
0x67: {  	[spmem:s2] =	stream.strided.scatter [tilespmem:s31], [sflag:$0x1], $0x2800, s29, s28, $0x38;
	[tilespmem:$0xC800] =	vst v63  }
0x68: {  	_ =	swait.ge [sflag:s30], $0x2800  }
0x69: {  	[sflag:s30] =	ssyncset.done $0x0  }
0x6a: {  	[sflag:s30] =	ssyncadd.s32 $0xFFFFD800  }
0x6b: {  	s4 =	simm.s32 $0x5000;
	[bflag:$0x0] =	sbarrier.arrive $0xFFFF  }
0x6c: {  	[tilespmem:s4], [sflag:$0x1] =	stream.linear.gather [spmem:s5], $0x80, $0x38;
	[tilespmem:$0xC800] =	vst v63  }
0x6d: {  	s7 =	simm.s32 $0x5400;
	s6 =	rddreg [dreg:$0x16]  }
0x6e: {  	[tilespmem:s7], [sflag:$0x1] =	stream.linear.gather [spmem:s6], $0x80, $0x38;
	[tilespmem:$0xC800] =	vst v63  }
0x6f: {  	s3 =	rddreg [dreg:$0x17];
	s4 =	simm.s32 $0x5800  }
0x70: {  	[tilespmem:s4], [sflag:$0x1] =	stream.linear.gather [spmem:s3], $0x80, $0x38;
	[tilespmem:$0xC800] =	vst v63  }
0x71: {  	s6 =	rddreg [dreg:$0x18];
	s7 =	simm.s32 $0x5C00  }
0x72: {  	[tilespmem:s7], [sflag:$0x1] =	stream.linear.gather [spmem:s6], $0x80, $0x38;
	[tilespmem:$0xC800] =	vst v63  }
0x73: {  	s3 =	rddreg [dreg:$0x19];
	s4 =	simm.s32 $0x6000  }
0x74: {  	[tilespmem:s4], [sflag:$0x1] =	stream.linear.gather [spmem:s3], $0x80, $0x38;
	[tilespmem:$0xC800] =	vst v63  }
0x75: {  	_ =	swait.ge [sflag:s30], $0x280  }
0x76: {  	[sflag:s30] =	ssyncset.done $0x0  }
0x77: {  	s7 =	simm.s32 $0x5080;
	s6 =	rddreg [dreg:$0x5];
	[sflag:s30] =	ssyncadd.s32 $0xFFFFFD80  }
0x78: {  	[tilespmem:s7], [sflag:$0x1] =	stream.linear.gather [spmem:s6], $0x80, $0x38;
	[tilespmem:$0xC800] =	vst v63  }
0x79: {  	s4 =	simm.s32 $0x5480;
	s3 =	rddreg [dreg:$0x1a]  }
0x7a: {  	[tilespmem:s4], [sflag:$0x1] =	stream.linear.gather [spmem:s3], $0x80, $0x38;
	[tilespmem:$0xC800] =	vst v63  }
0x7b: {  	s6 =	rddreg [dreg:$0x1b];
	s7 =	simm.s32 $0x5880  }
0x7c: {  	[tilespmem:s7], [sflag:$0x1] =	stream.linear.gather [spmem:s6], $0x80, $0x38;
	[tilespmem:$0xC800] =	vst v63  }
0x7d: {  	s3 =	rddreg [dreg:$0x1c];
	s4 =	simm.s32 $0x5C80  }
0x7e: {  	[tilespmem:s4], [sflag:$0x1] =	stream.linear.gather [spmem:s3], $0x80, $0x38;
	[tilespmem:$0xC800] =	vst v63  }
0x7f: {  	s6 =	rddreg [dreg:$0x1d];
	s7 =	simm.s32 $0x6080  }
0x80: {  	[tilespmem:s7], [sflag:$0x1] =	stream.linear.gather [spmem:s6], $0x80, $0x38;
	[tilespmem:$0xC800] =	vst v63  }
0x81: {  	_ =	swait.ge [sflag:s30], $0x280  }
0x82: {  	[sflag:s30] =	ssyncset.done $0x0;
	s3 =	rddreg [dreg:$0x6]  }
0x83: {  	s4 =	simm.s32 $0x5100;
	s6 =	rddreg [dreg:$0x1e];
	[sflag:s30] =	ssyncadd.s32 $0xFFFFFD80  }
0x84: {  	[tilespmem:s4], [sflag:$0x1] =	stream.linear.gather [spmem:s3], $0x80, $0x38;
	[tilespmem:$0xC800] =	vst v63  }
0x85: {  	s7 =	simm.s32 $0x5500;
	s3 =	rddreg [dreg:$0x1f]  }
0x86: {  	[tilespmem:s7], [sflag:$0x1] =	stream.linear.gather [spmem:s6], $0x80, $0x38;
	[tilespmem:$0xC800] =	vst v63  }
0x87: {  	s4 =	simm.s32 $0x5900;
	s6 =	sld [smem:$0x7DB]  }
0x88: {  	[tilespmem:s4], [sflag:$0x1] =	stream.linear.gather [spmem:s3], $0x80, $0x38;
	[tilespmem:$0xC800] =	vst v63  }
0x89: {  	s7 =	simm.s32 $0x5D00;
	s3 =	sld [smem:$0x7DC]  }
0x8a: {  	[tilespmem:s7], [sflag:$0x1] =	stream.linear.gather [spmem:s6], $0x80, $0x38;
	[tilespmem:$0xC800] =	vst v63  }
0x8b: {  	s4 =	simm.s32 $0x6100  }
0x8c: {  	[tilespmem:s4], [sflag:$0x1] =	stream.linear.gather [spmem:s3], $0x80, $0x38;
	[tilespmem:$0xC800] =	vst v63  }
0x8d: {  	_ =	swait.ge [sflag:s30], $0x280  }
0x8e: {  	[sflag:s30] =	ssyncset.done $0x0;
	s6 =	rddreg [dreg:$0x7]  }
0x8f: {  	s7 =	simm.s32 $0x5180;
	s3 =	sld [smem:$0x7DD];
	[sflag:s30] =	ssyncadd.s32 $0xFFFFFD80  }
0x90: {  	[tilespmem:s7], [sflag:$0x1] =	stream.linear.gather [spmem:s6], $0x80, $0x38;
	[tilespmem:$0xC800] =	vst v63  }
0x91: {  	s4 =	simm.s32 $0x5580;
	s6 =	sld [smem:$0x7DE]  }
0x92: {  	[tilespmem:s4], [sflag:$0x1] =	stream.linear.gather [spmem:s3], $0x80, $0x38;
	[tilespmem:$0xC800] =	vst v63  }
0x93: {  	s7 =	simm.s32 $0x5980;
	s3 =	sld [smem:$0x7DF]  }
0x94: {  	[tilespmem:s7], [sflag:$0x1] =	stream.linear.gather [spmem:s6], $0x80, $0x38;
	[tilespmem:$0xC800] =	vst v63  }
0x95: {  	s4 =	simm.s32 $0x5D80;
	s6 =	sld [smem:$0x7E0]  }
0x96: {  	[tilespmem:s4], [sflag:$0x1] =	stream.linear.gather [spmem:s3], $0x80, $0x38;
	[tilespmem:$0xC800] =	vst v63  }
0x97: {  	s7 =	simm.s32 $0x6180  }
0x98: {  	[tilespmem:s7], [sflag:$0x1] =	stream.linear.gather [spmem:s6], $0x80, $0x38;
	[tilespmem:$0xC800] =	vst v63  }
0x99: {  	_ =	swait.ge [sflag:s30], $0x280  }
0x9a: {  	[sflag:s30] =	ssyncset.done $0x0;
	s3 =	rddreg [dreg:$0x8]  }
0x9b: {  	s4 =	simm.s32 $0x5200;
	s6 =	sld [smem:$0x7E1];
	[sflag:s30] =	ssyncadd.s32 $0xFFFFFD80  }
0x9c: {  	[tilespmem:s4], [sflag:$0x1] =	stream.linear.gather [spmem:s3], $0x80, $0x38;
	[tilespmem:$0xC800] =	vst v63  }
0x9d: {  	s7 =	simm.s32 $0x5600;
	s3 =	sld [smem:$0x7E2]  }
0x9e: {  	[tilespmem:s7], [sflag:$0x1] =	stream.linear.gather [spmem:s6], $0x80, $0x38;
	[tilespmem:$0xC800] =	vst v63  }
0x9f: {  	s4 =	simm.s32 $0x5A00;
	s6 =	sld [smem:$0x7E3]  }
0xa0: {  	[tilespmem:s4], [sflag:$0x1] =	stream.linear.gather [spmem:s3], $0x80, $0x38;
	[tilespmem:$0xC800] =	vst v63  }
0xa1: {  	s7 =	simm.s32 $0x5E00;
	s3 =	sld [smem:$0x7E4]  }
0xa2: {  	[tilespmem:s7], [sflag:$0x1] =	stream.linear.gather [spmem:s6], $0x80, $0x38;
	[tilespmem:$0xC800] =	vst v63  }
0xa3: {  	s4 =	simm.s32 $0x6200  }
0xa4: {  	[tilespmem:s4], [sflag:$0x1] =	stream.linear.gather [spmem:s3], $0x80, $0x38;
	[tilespmem:$0xC800] =	vst v63  }
0xa5: {  	_ =	swait.ge [sflag:s30], $0x280  }
0xa6: {  	[sflag:s30] =	ssyncset.done $0x0;
	s6 =	rddreg [dreg:$0x9]  }
0xa7: {  	s7 =	simm.s32 $0x5280;
	s3 =	sld [smem:$0x7E5];
	[sflag:s30] =	ssyncadd.s32 $0xFFFFFD80  }
0xa8: {  	[tilespmem:s7], [sflag:$0x1] =	stream.linear.gather [spmem:s6], $0x80, $0x38;
	[tilespmem:$0xC800] =	vst v63  }
0xa9: {  	s4 =	simm.s32 $0x5680;
	s6 =	sld [smem:$0x7E6]  }
0xaa: {  	[tilespmem:s4], [sflag:$0x1] =	stream.linear.gather [spmem:s3], $0x80, $0x38;
	[tilespmem:$0xC800] =	vst v63  }
0xab: {  	s7 =	simm.s32 $0x5A80;
	s3 =	sld [smem:$0x7E7]  }
0xac: {  	[tilespmem:s7], [sflag:$0x1] =	stream.linear.gather [spmem:s6], $0x80, $0x38;
	[tilespmem:$0xC800] =	vst v63  }
0xad: {  	s4 =	simm.s32 $0x5E80;
	s6 =	sld [smem:$0x7E8]  }
0xae: {  	[tilespmem:s4], [sflag:$0x1] =	stream.linear.gather [spmem:s3], $0x80, $0x38;
	[tilespmem:$0xC800] =	vst v63  }
0xaf: {  	s7 =	simm.s32 $0x6280  }
0xb0: {  	[tilespmem:s7], [sflag:$0x1] =	stream.linear.gather [spmem:s6], $0x80, $0x38;
	[tilespmem:$0xC800] =	vst v63  }
0xb1: {  	_ =	swait.ge [sflag:s30], $0x280  }
0xb2: {  	[sflag:s30] =	ssyncset.done $0x0;
	s3 =	rddreg [dreg:$0xa]  }
0xb3: {  	s4 =	simm.s32 $0x5300;
	s6 =	sld [smem:$0x7E9];
	[sflag:s30] =	ssyncadd.s32 $0xFFFFFD80  }
0xb4: {  	[tilespmem:s4], [sflag:$0x1] =	stream.linear.gather [spmem:s3], $0x80, $0x38;
	[tilespmem:$0xC800] =	vst v63  }
0xb5: {  	s7 =	simm.s32 $0x5700;
	s3 =	sld [smem:$0x7EA]  }
0xb6: {  	[tilespmem:s7], [sflag:$0x1] =	stream.linear.gather [spmem:s6], $0x80, $0x38;
	[tilespmem:$0xC800] =	vst v63  }
0xb7: {  	s4 =	simm.s32 $0x5B00;
	s6 =	sld [smem:$0x7EB]  }
0xb8: {  	[tilespmem:s4], [sflag:$0x1] =	stream.linear.gather [spmem:s3], $0x80, $0x38;
	[tilespmem:$0xC800] =	vst v63  }
0xb9: {  	s7 =	simm.s32 $0x5F00;
	s3 =	sld [smem:$0x7EC]  }
0xba: {  	[tilespmem:s7], [sflag:$0x1] =	stream.linear.gather [spmem:s6], $0x80, $0x38;
	[tilespmem:$0xC800] =	vst v63  }
0xbb: {  	s4 =	simm.s32 $0x6300  }
0xbc: {  	[tilespmem:s4], [sflag:$0x1] =	stream.linear.gather [spmem:s3], $0x80, $0x38;
	[tilespmem:$0xC800] =	vst v63  }
0xbd: {  	_ =	swait.ge [sflag:s30], $0x280  }
0xbe: {  	[sflag:s30] =	ssyncset.done $0x0;
	s6 =	rddreg [dreg:$0xb]  }
0xbf: {  	s7 =	simm.s32 $0x5380;
	s3 =	sld [smem:$0x7ED];
	[sflag:s30] =	ssyncadd.s32 $0xFFFFFD80  }
0xc0: {  	[tilespmem:s7], [sflag:$0x1] =	stream.linear.gather [spmem:s6], $0x80, $0x38;
	[tilespmem:$0xC800] =	vst v63  }
0xc1: {  	s4 =	simm.s32 $0x5780;
	s6 =	sld [smem:$0x7EE]  }
0xc2: {  	[tilespmem:s4], [sflag:$0x1] =	stream.linear.gather [spmem:s3], $0x80, $0x38;
	[tilespmem:$0xC800] =	vst v63  }
0xc3: {  	s7 =	simm.s32 $0x5B80;
	s3 =	sld [smem:$0x7EF]  }
0xc4: {  	[tilespmem:s7], [sflag:$0x1] =	stream.linear.gather [spmem:s6], $0x80, $0x38;
	[tilespmem:$0xC800] =	vst v63  }
0xc5: {  	s4 =	simm.s32 $0x5F80;
	s6 =	sld [smem:$0x7F0]  }
0xc6: {  	[tilespmem:s4], [sflag:$0x1] =	stream.linear.gather [spmem:s3], $0x80, $0x38;
	[tilespmem:$0xC800] =	vst v63  }
0xc7: {  	s7 =	simm.s32 $0x6380  }
0xc8: {  	[tilespmem:s7], [sflag:$0x1] =	stream.linear.gather [spmem:s6], $0x80, $0x38;
	[tilespmem:$0xC800] =	vst v63  }
0xc9: {  	_ =	swait.ge [sflag:s30], $0x280  }
0xca: {  	[sflag:s30] =	ssyncset.done $0x0;
	s3 =	rddreg [dreg:$0xc]  }
0xcb: {  	s4 =	simm.s32 $0x6400;
	s6 =	sld [smem:$0x7F1];
	[sflag:s30] =	ssyncadd.s32 $0xFFFFFD80  }
0xcc: {  	[tilespmem:s4], [sflag:$0x1] =	stream.linear.gather [spmem:s3], $0x80, $0x38;
	[tilespmem:$0xC800] =	vst v63  }
0xcd: {  	s7 =	simm.s32 $0x6800;
	s3 =	sld [smem:$0x7F2]  }
0xce: {  	[tilespmem:s7], [sflag:$0x1] =	stream.linear.gather [spmem:s6], $0x80, $0x38;
	[tilespmem:$0xC800] =	vst v63  }
0xcf: {  	s4 =	simm.s32 $0x6C00;
	s6 =	sld [smem:$0x7F3]  }
0xd0: {  	[tilespmem:s4], [sflag:$0x1] =	stream.linear.gather [spmem:s3], $0x80, $0x38;
	[tilespmem:$0xC800] =	vst v63  }
0xd1: {  	s7 =	simm.s32 $0x7000;
	s3 =	sld [smem:$0x7F4]  }
0xd2: {  	[tilespmem:s7], [sflag:$0x1] =	stream.linear.gather [spmem:s6], $0x80, $0x38;
	[tilespmem:$0xC800] =	vst v63  }
0xd3: {  	s4 =	simm.s32 $0x7400  }
0xd4: {  	[tilespmem:s4], [sflag:$0x1] =	stream.linear.gather [spmem:s3], $0x80, $0x38;
	[tilespmem:$0xC800] =	vst v63  }
0xd5: {  	_ =	swait.ge [sflag:s30], $0x280  }
0xd6: {  	[sflag:s30] =	ssyncset.done $0x0;
	s6 =	rddreg [dreg:$0xd]  }
0xd7: {  	s7 =	simm.s32 $0x6480;
	s3 =	sld [smem:$0x7F5];
	[sflag:s30] =	ssyncadd.s32 $0xFFFFFD80  }
0xd8: {  	[tilespmem:s7], [sflag:$0x1] =	stream.linear.gather [spmem:s6], $0x80, $0x38;
	[tilespmem:$0xC800] =	vst v63  }
0xd9: {  	s4 =	simm.s32 $0x6880;
	s6 =	sld [smem:$0x7F6]  }
0xda: {  	[tilespmem:s4], [sflag:$0x1] =	stream.linear.gather [spmem:s3], $0x80, $0x38;
	[tilespmem:$0xC800] =	vst v63  }
0xdb: {  	s7 =	simm.s32 $0x6C80;
	s3 =	sld [smem:$0x7F7]  }
0xdc: {  	[tilespmem:s7], [sflag:$0x1] =	stream.linear.gather [spmem:s6], $0x80, $0x38;
	[tilespmem:$0xC800] =	vst v63  }
0xdd: {  	s4 =	simm.s32 $0x7080;
	s6 =	sld [smem:$0x7F8]  }
0xde: {  	[tilespmem:s4], [sflag:$0x1] =	stream.linear.gather [spmem:s3], $0x80, $0x38;
	[tilespmem:$0xC800] =	vst v63  }
0xdf: {  	s7 =	simm.s32 $0x7480  }
0xe0: {  	[tilespmem:s7], [sflag:$0x1] =	stream.linear.gather [spmem:s6], $0x80, $0x38;
	[tilespmem:$0xC800] =	vst v63  }
0xe1: {  	_ =	swait.ge [sflag:s30], $0x280  }
0xe2: {  	[sflag:s30] =	ssyncset.done $0x0;
	s3 =	rddreg [dreg:$0xe]  }
0xe3: {  	s4 =	simm.s32 $0x6500;
	s6 =	sld [smem:$0x7F9];
	[sflag:s30] =	ssyncadd.s32 $0xFFFFFD80  }
0xe4: {  	[tilespmem:s4], [sflag:$0x1] =	stream.linear.gather [spmem:s3], $0x80, $0x38;
	[tilespmem:$0xC800] =	vst v63  }
0xe5: {  	s7 =	simm.s32 $0x6900;
	s3 =	sld [smem:$0x7FA]  }
0xe6: {  	[tilespmem:s7], [sflag:$0x1] =	stream.linear.gather [spmem:s6], $0x80, $0x38;
	[tilespmem:$0xC800] =	vst v63  }
0xe7: {  	s4 =	simm.s32 $0x6D00;
	s6 =	sld [smem:$0x7FB]  }
0xe8: {  	[tilespmem:s4], [sflag:$0x1] =	stream.linear.gather [spmem:s3], $0x80, $0x38;
	[tilespmem:$0xC800] =	vst v63  }
0xe9: {  	s7 =	simm.s32 $0x7100;
	s3 =	sld [smem:$0x7FC]  }
0xea: {  	[tilespmem:s7], [sflag:$0x1] =	stream.linear.gather [spmem:s6], $0x80, $0x38;
	[tilespmem:$0xC800] =	vst v63  }
0xeb: {  	s4 =	simm.s32 $0x7500  }
0xec: {  	[tilespmem:s4], [sflag:$0x1] =	stream.linear.gather [spmem:s3], $0x80, $0x38;
	[tilespmem:$0xC800] =	vst v63  }
0xed: {  	_ =	swait.ge [sflag:s30], $0x280  }
0xee: {  	[sflag:s30] =	ssyncset.done $0x0;
	s6 =	rddreg [dreg:$0xf]  }
0xef: {  	s7 =	simm.s32 $0x6580;
	s4 =	sld [smem:$0x7FD];
	[sflag:s30] =	ssyncadd.s32 $0xFFFFFD80  }
0xf0: {  	[tilespmem:s7], [sflag:$0x1] =	stream.linear.gather [spmem:s6], $0x80, $0x38;
	[tilespmem:$0xC800] =	vst v63  }
0xf1: {  	s6 =	simm.s32 $0x6980  }
0xf2: {  	[tilespmem:s6], [sflag:$0x1] =	stream.linear.gather [spmem:s4], $0x80, $0x38;
	[tilespmem:$0xC800] =	vst v63  }
0xf3: {  	s7 =	simm.s32 $0x6D80  }
0xf4: {  	[tilespmem:s7], [sflag:$0x1] =	stream.linear.gather [spmem:s8], $0x80, $0x38;
	[tilespmem:$0xC800] =	vst v63  }
0xf5: {  	s3 =	simm.s32 $0x7180  }
0xf6: {  	[tilespmem:s3], [sflag:$0x1] =	stream.linear.gather [spmem:s9], $0x80, $0x38;
	[tilespmem:$0xC800] =	vst v63  }
0xf7: {  	s4 =	simm.s32 $0x7580  }
0xf8: {  	[tilespmem:s4], [sflag:$0x1] =	stream.linear.gather [spmem:s10], $0x80, $0x38;
	[tilespmem:$0xC800] =	vst v63  }
0xf9: {  	_ =	swait.ge [sflag:s30], $0x280  }
0xfa: {  	[sflag:s30] =	ssyncset.done $0x0  }
0xfb: {  	s7 =	simm.s32 $0x6600;
	s6 =	rddreg [dreg:$0x10];
	[sflag:s30] =	ssyncadd.s32 $0xFFFFFD80  }
0xfc: {  	[tilespmem:s7], [sflag:$0x1] =	stream.linear.gather [spmem:s6], $0x80, $0x38;
	[tilespmem:$0xC800] =	vst v63  }
0xfd: {  	s3 =	simm.s32 $0x6A00  }
0xfe: {  	[tilespmem:s3], [sflag:$0x1] =	stream.linear.gather [spmem:s11], $0x80, $0x38;
	[tilespmem:$0xC800] =	vst v63  }
0xff: {  	s4 =	simm.s32 $0x6E00  }
0x100: {  	[tilespmem:s4], [sflag:$0x1] =	stream.linear.gather [spmem:s12], $0x80, $0x38;
	[tilespmem:$0xC800] =	vst v63  }
0x101: {  	s6 =	simm.s32 $0x7200  }
0x102: {  	[tilespmem:s6], [sflag:$0x1] =	stream.linear.gather [spmem:s13], $0x80, $0x38;
	[tilespmem:$0xC800] =	vst v63  }
0x103: {  	s7 =	simm.s32 $0x7600  }
0x104: {  	[tilespmem:s7], [sflag:$0x1] =	stream.linear.gather [spmem:s14], $0x80, $0x38;
	[tilespmem:$0xC800] =	vst v63  }
0x105: {  	_ =	swait.ge [sflag:s30], $0x280  }
0x106: {  	[sflag:s30] =	ssyncset.done $0x0  }
0x107: {  	s4 =	simm.s32 $0x6680;
	s3 =	rddreg [dreg:$0x11];
	[sflag:s30] =	ssyncadd.s32 $0xFFFFFD80  }
0x108: {  	[tilespmem:s4], [sflag:$0x1] =	stream.linear.gather [spmem:s3], $0x80, $0x38;
	[tilespmem:$0xC800] =	vst v63  }
0x109: {  	s6 =	simm.s32 $0x6A80  }
0x10a: {  	[tilespmem:s6], [sflag:$0x1] =	stream.linear.gather [spmem:s15], $0x80, $0x38;
	[tilespmem:$0xC800] =	vst v63  }
0x10b: {  	s7 =	simm.s32 $0x6E80  }
0x10c: {  	[tilespmem:s7], [sflag:$0x1] =	stream.linear.gather [spmem:s16], $0x80, $0x38;
	[tilespmem:$0xC800] =	vst v63  }
0x10d: {  	s3 =	simm.s32 $0x7280  }
0x10e: {  	[tilespmem:s3], [sflag:$0x1] =	stream.linear.gather [spmem:s17], $0x80, $0x38;
	[tilespmem:$0xC800] =	vst v63  }
0x10f: {  	s4 =	simm.s32 $0x7680  }
0x110: {  	[tilespmem:s4], [sflag:$0x1] =	stream.linear.gather [spmem:s18], $0x80, $0x38;
	[tilespmem:$0xC800] =	vst v63  }
0x111: {  	_ =	swait.ge [sflag:s30], $0x280  }
0x112: {  	[sflag:s30] =	ssyncset.done $0x0  }
0x113: {  	s7 =	simm.s32 $0x6700;
	s6 =	rddreg [dreg:$0x12];
	[sflag:s30] =	ssyncadd.s32 $0xFFFFFD80  }
0x114: {  	[tilespmem:s7], [sflag:$0x1] =	stream.linear.gather [spmem:s6], $0x80, $0x38;
	[tilespmem:$0xC800] =	vst v63  }
0x115: {  	s3 =	simm.s32 $0x6B00  }
0x116: {  	[tilespmem:s3], [sflag:$0x1] =	stream.linear.gather [spmem:s19], $0x80, $0x38;
	[tilespmem:$0xC800] =	vst v63  }
0x117: {  	s4 =	simm.s32 $0x6F00  }
0x118: {  	[tilespmem:s4], [sflag:$0x1] =	stream.linear.gather [spmem:s20], $0x80, $0x38;
	[tilespmem:$0xC800] =	vst v63  }
0x119: {  	s6 =	simm.s32 $0x7300  }
0x11a: {  	[tilespmem:s6], [sflag:$0x1] =	stream.linear.gather [spmem:s21], $0x80, $0x38;
	[tilespmem:$0xC800] =	vst v63  }
0x11b: {  	s7 =	simm.s32 $0x7700  }
0x11c: {  	[tilespmem:s7], [sflag:$0x1] =	stream.linear.gather [spmem:s22], $0x80, $0x38;
	[tilespmem:$0xC800] =	vst v63  }
0x11d: {  	_ =	swait.ge [sflag:s30], $0x280  }
0x11e: {  	[sflag:s30] =	ssyncset.done $0x0  }
0x11f: {  	s4 =	simm.s32 $0x6780;
	s3 =	rddreg [dreg:$0x13];
	[sflag:s30] =	ssyncadd.s32 $0xFFFFFD80  }
0x120: {  	[tilespmem:s4], [sflag:$0x1] =	stream.linear.gather [spmem:s3], $0x80, $0x38;
	[tilespmem:$0xC800] =	vst v63  }
0x121: {  	s6 =	simm.s32 $0x6B80  }
0x122: {  	[tilespmem:s6], [sflag:$0x1] =	stream.linear.gather [spmem:s23], $0x80, $0x38;
	[tilespmem:$0xC800] =	vst v63  }
0x123: {  	s7 =	simm.s32 $0x6F80  }
0x124: {  	[tilespmem:s7], [sflag:$0x1] =	stream.linear.gather [spmem:s24], $0x80, $0x38;
	[tilespmem:$0xC800] =	vst v63  }
0x125: {  	s3 =	simm.s32 $0x7380  }
0x126: {  	[tilespmem:s3], [sflag:$0x1] =	stream.linear.gather [spmem:s25], $0x80, $0x38;
	[tilespmem:$0xC800] =	vst v63  }
0x127: {  	s4 =	simm.s32 $0x7780  }
0x128: {  	[tilespmem:s4], [sflag:$0x1] =	stream.linear.gather [spmem:s26], $0x80, $0x38;
	[tilespmem:$0xC800] =	vst v63  }
0x129: {  	s2 =	simm.s32 $0x0;
	_ =	swait.ge [sflag:s30], $0x280  }
0x12a: {  	s6 =	sand.u32 $0x70, s2;
	s4 =	sand.u32 $0x1C00, s2;
	[sflag:s30] =	ssyncset.done $0x0  }
0x12b: {  	s3 =	sor.u32 s6, s4;
	[sflag:s30] =	ssyncadd.s32 $0xFFFFFD80  }
0x12c: {  	v2 =	vld [tilespmem:s3+$0x5000];
	_ =	sdelay $0x1  }
0x12d: {  	v3 =	vld [tilespmem:s3+$0x5080];
	_ =	sdelay $0x1  }
0x12e: {  	v4 =	vld [tilespmem:s3+$0x5100]  }
0x12f: {  	v2 =	vadd.f32 $0.0e+00, v2  }
0x130: {  	v5 =	vld [tilespmem:s3+$0x5180]  }
0x131: {  	v2 =	vadd.f32 v3, v2  }
0x132: {  	v3 =	vld [tilespmem:s3+$0x5200]  }
0x133: {  	v2 =	vadd.f32 v4, v2  }
0x134: {  	v4 =	vld [tilespmem:s3+$0x5280]  }
0x135: {  	v2 =	vadd.f32 v5, v2  }
0x136: {  	s7 =	sor.u32 s2, s2;
	v5 =	vld [tilespmem:s3+$0x5300]  }
0x137: {  	s4 =	sor.u32 $0x380, s7;
	v2 =	vadd.f32 v3, v2  }
0x138: {  	v3 =	vld [tilespmem:s4+$0x5000]  }
0x139: {  	v2 =	vadd.f32 v4, v2  }
0x13a: {  	v4 =	vld [tilespmem:s3+$0x6400]  }
0x13b: {  	v2 =	vadd.f32 v5, v2  }
0x13c: {  	v5 =	vld [tilespmem:s3+$0x6480]  }
0x13d: {  	v2 =	vadd.f32 v3, v2  }
0x13e: {  	v3 =	vld [tilespmem:s3+$0x6500]  }
0x13f: {  	v2 =	vadd.f32 v4, v2  }
0x140: {  	v4 =	vld [tilespmem:s3+$0x6580]  }
0x141: {  	v2 =	vadd.f32 v5, v2  }
0x142: {  	v5 =	vld [tilespmem:s3+$0x6600]  }
0x143: {  	v2 =	vadd.f32 v3, v2  }
0x144: {  	v3 =	vld [tilespmem:s3+$0x6680]  }
0x145: {  	v2 =	vadd.f32 v4, v2  }
0x146: {  	v4 =	vld [tilespmem:s3+$0x6700]  }
0x147: {  	v2 =	vadd.f32 v5, v2;
	_ =	sdelay $0x1  }
0x148: {  	v2 =	vadd.f32 v3, v2  }
0x149: {  	v5 =	vld [tilespmem:s3+$0x6780];
	v3 =	vmov s2  }
0x14a: {  	v4 =	vadd.f32 v4, v2;
	v2 =	vshll.u32 v3, $0x4  }
0x14b: {  	v2 =	vor.u32 v1, v2;
	_ =	sdelay $0x2  }
0x14c: {  	s3 =	simm.s32 $0x80;
	s2 =	simm.s32 $0x10;
	v3 =	vadd.f32 v5, v4  }
0x14d: {  	s4 =	simm.s32 $0x20;
	s7 =	sand.u32 $0x1C00, s3;
	s6 =	sand.u32 $0x70, s2  }
.LBB2_6:
0x14e: {  	p0 =	sne.s32 s4, $0x270;
	s6 =	sor.u32 s6, s7;
	[tilespmem:v2+s0+$0x0] =	vst.idx.msk $0xffff, v3  }
0x14f: {  	v2 =	vld [tilespmem:s6+$0x5000];
	_ =	sdelay $0x1  }
0x150: {  	v3 =	vld [tilespmem:s6+$0x5080];
	_ =	sdelay $0x1  }
0x151: {  	v4 =	vld [tilespmem:s6+$0x5100]  }
0x152: {  	v2 =	vadd.f32 $0.0e+00, v2  }
0x153: {  	v5 =	vld [tilespmem:s6+$0x5180]  }
0x154: {  	v2 =	vadd.f32 v3, v2  }
0x155: {  	v3 =	vld [tilespmem:s6+$0x5200]  }
0x156: {  	v2 =	vadd.f32 v4, v2  }
0x157: {  	v4 =	vld [tilespmem:s6+$0x5280]  }
0x158: {  	v2 =	vadd.f32 v5, v2  }
0x159: {  	s7 =	sor.u32 s3, s2;
	v5 =	vld [tilespmem:s6+$0x5300]  }
0x15a: {  	s7 =	sor.u32 $0x380, s7;
	v2 =	vadd.f32 v3, v2  }
0x15b: {  	v3 =	vld [tilespmem:s7+$0x5000]  }
0x15c: {  	v2 =	vadd.f32 v4, v2  }
0x15d: {  	v4 =	vld [tilespmem:s6+$0x6400]  }
0x15e: {  	v2 =	vadd.f32 v5, v2  }
0x15f: {  	v5 =	vld [tilespmem:s6+$0x6480]  }
0x160: {  	v2 =	vadd.f32 v3, v2  }
0x161: {  	v3 =	vld [tilespmem:s6+$0x6500]  }
0x162: {  	v2 =	vadd.f32 v4, v2  }
0x163: {  	v4 =	vld [tilespmem:s6+$0x6580]  }
0x164: {  	v2 =	vadd.f32 v5, v2  }
0x165: {  	v5 =	vld [tilespmem:s6+$0x6600]  }
0x166: {  	v2 =	vadd.f32 v3, v2  }
0x167: {  	v3 =	vld [tilespmem:s6+$0x6680]  }
0x168: {  	v2 =	vadd.f32 v4, v2  }
0x169: {  	v4 =	vld [tilespmem:s6+$0x6700]  }
0x16a: {  	v2 =	vadd.f32 v5, v2  }
0x16b: {  	v6 =	vmov s2;
	s2 =	smov.u32 s4;
	v5 =	vld [tilespmem:s6+$0x6780]  }
0x16c: {  	v3 =	vadd.f32 v3, v2;
	v2 =	vshll.u32 v6, $0x4  }
.Ltmp2:
0x16d: {  	v2 =	vor.u32 v1, v2;
	(pc) =	sbr.rel @p0 .LBB2_6-.Ltmp2, $3  }
0x16e: {  	v3 =	vadd.f32 v4, v3;
	_ =	sdelay $0x1  }
0x16f: {  	s3 =	sadd.s32 $0x80, s3;
	v3 =	vadd.f32 v5, v3  }
0x170: {  	s4 =	sadd.s32 $0x10, s4;
	s7 =	sand.u32 $0x1C00, s3;
	s6 =	sand.u32 $0x70, s2  }
0x171: {  	_ =	sdelay $0x3  }
0x172: {  	s4 =	sor.u32 s6, s7;
	[tilespmem:v2+s0+$0x0] =	vst.idx.msk $0xffff, v3  }
0x173: {  	v2 =	vld [tilespmem:s4+$0x5000];
	_ =	sdelay $0x1  }
0x174: {  	v3 =	vld [tilespmem:s4+$0x5080];
	_ =	sdelay $0x1  }
0x175: {  	v4 =	vld [tilespmem:s4+$0x5100]  }
0x176: {  	v2 =	vadd.f32 $0.0e+00, v2  }
0x177: {  	v5 =	vld [tilespmem:s4+$0x5180]  }
0x178: {  	v2 =	vadd.f32 v3, v2  }
0x179: {  	v3 =	vld [tilespmem:s4+$0x5200]  }
0x17a: {  	v2 =	vadd.f32 v4, v2  }
0x17b: {  	v56 =	vld [tilespmem:s4+$0x5280]  }
0x17c: {  	v2 =	vadd.f32 v5, v2  }
0x17d: {  	s3 =	sor.u32 s3, s2;
	v57 =	vld [tilespmem:s4+$0x5300]  }
0x17e: {  	s3 =	sor.u32 $0x380, s3;
	v2 =	vadd.f32 v3, v2  }
0x17f: {  	v3 =	vld [tilespmem:s3+$0x5000]  }
0x180: {  	v2 =	vadd.f32 v56, v2  }
0x181: {  	v58 =	vld [tilespmem:s4+$0x6400]  }
0x182: {  	v2 =	vadd.f32 v57, v2  }
0x183: {  	v59 =	vld [tilespmem:s4+$0x6480]  }
0x184: {  	v2 =	vadd.f32 v3, v2  }
0x185: {  	v3 =	vld [tilespmem:s4+$0x6500]  }
0x186: {  	v2 =	vadd.f32 v58, v2  }
0x187: {  	v60 =	vld [tilespmem:s4+$0x6580]  }
0x188: {  	v2 =	vadd.f32 v59, v2  }
0x189: {  	v61 =	vld [tilespmem:s4+$0x6600]  }
0x18a: {  	v2 =	vadd.f32 v3, v2  }
0x18b: {  	v3 =	vld [tilespmem:s4+$0x6680]  }
0x18c: {  	v2 =	vadd.f32 v60, v2  }
0x18d: {  	v62 =	vld [tilespmem:s4+$0x6700]  }
0x18e: {  	v2 =	vadd.f32 v61, v2  }
0x18f: {  	v6 =	vmov s2;
	v63 =	vld [tilespmem:s4+$0x6780]  }
0x190: {  	v2 =	vadd.f32 v3, v2;
	v3 =	vshll.u32 v6, $0x4  }
0x191: {  	v3 =	vor.u32 v1, v3  }
0x192: {  	v2 =	vadd.f32 v62, v2;
	_ =	sdelay $0x1  }
0x193: {  	v2 =	vadd.f32 v63, v2;
	_ =	sdelay $0x1  }
0x194: {  	s6 =	simm.s32 $0x100;
	s4 =	rddreg [dreg:$0x14];
	[tilespmem:v3+s0+$0x0] =	vst.idx.msk $0xffff, v2  }
0x195: {  	[hbm4b:s4+s28] =	stream.strided.scatter [tilespmem:s0], [sflag:$0x1], $0x2800, s6, s28, $0x38;
	[tilespmem:$0xC800] =	vst v63  }
0x196: {  	_ =	swait.ge [sflag:s30], $0x2800  }
0x197: {  	s1 =	sadd.s32 $0x1, s1;
	s7 =	rddreg [dreg:$0x15]  }
0x198: {  	p0 =	sne.s32 s1, s7  }
.Ltmp3:
0x199: {  	_ = 	snop;
	(pc) =	sbr.rel @p0 .LBB2_1-.Ltmp3, $3  }
0x19a: {  	_ =	sdelay $0x1  }
0x19b: {  	[sflag:s30] =	ssyncset.done $0x0  }
0x19c: {  	[sflag:s30] =	ssyncadd.s32 $0xFFFFD800  }
0x19d: {  	_ =	sfence.sel $0x180000  }
0x19e: {  	[bflag:$0x0] =	sbarrier.arrive $0xFFFF  }
0x19f: {  	_ =	strace $0x90000047  }
0x1a0: {  	s0 =	stileid.u32;
	[bflag:$0x2] =	sbarrier.arrive $0xFFFF  }
0x1a1: {  	p0 =	sne.s32 s0, $0x0;
	s0 =	rddreg [dreg:$0x2]  }
0x1a2: {  	s0 =	sadd.s32 @!p0 $0x100000, s0  }
0x1a3: {  	[sflag:s0] =	ssyncadd.tile.s32 @!p0 $0x1;
	_ =	shalt  }
.Lfunc_end2:
_tile_overlayer_lowered:
.L_overlay_start_2:
0x1a4: {  	(tag) =	ssettag $0x2  }
0x1a5: {  	s0 =	rddreg [dreg:$0x0];
	s2 =	stileid.u32  }
0x1a6: {  	s1 =	rddreg [dreg:$0x1];
	p0 =	sne.s32 s2, $0x0  }
0x1a7: {  	s3 =	rddreg [dreg:$0x2];
	[bflag:$0x3] =	sbarrier.arrive $0xFFFF;
	s2 =	simm.s32 @!p0 $0x1C01  }
0x1a8: {  	[timem:s3], [sflag:s2] =	dma.local @!p0 [hbm:s0], s1  }
0x1a9: {  	s0 =	simm.s32 @!p0 $0x1  }
0x1aa: {  	_ =	swait.ge @!p0 [sflag:s0], s1  }
0x1ab: {  	s1 =	ssub.s32 @!p0 $0x0, s1;
	[sflag:s0] =	ssyncset.done @!p0 $0x0  }
0x1ac: {  	[sflag:s0] =	ssyncadd.s32 @!p0 s1  }
0x1ad: {  	[bflag:$0x3] =	sbarrier.arrive $0xFFFF  }
0x1ae: {  	_ =	shalt  }

// kernel: kernel.9.cloned.1.call-start
scs
__scs_entry_jumppad:
0x0: {  	(pc) =	sbr.rel $0x88, $3  }
0x1: {  	(tag) =	ssettag $0x0;
	lr =	simm.s32 $0x1  }
0x2: {  	[smem:$0x3F9D] =	sst lr;
	_ =	strace $0xD0000000  }
0x3: {  	_ = 	snop  }
0x4: {  	_ = 	snop  }
0x5: {  	_ = 	snop  }
0x6: {  	_ = 	snop  }
0x7: {  	_ = 	snop  }
__scs_overlays_trampoline_lowered:
0x8: {  	[smem:$0x3FAC] =	sst s0  }
0x9: {  	[smem:$0x3FAD] =	sst s1  }
0xa: {  	[smem:$0x3FAE] =	sst s2  }
0xb: {  	[smem:$0x3FAF] =	sst s3  }
0xc: {  	[smem:$0x3FB0] =	sst s4  }
0xd: {  	[smem:$0x3FB1] =	sst s5  }
0xe: {  	[smem:$0x3FB2] =	sst s6  }
0xf: {  	[smem:$0x3FB3] =	sst s7  }
0x10: {  	[smem:$0x3FB4] =	sst s8  }
0x11: {  	[smem:$0x3FB5] =	sst s9;
	s0 =	simm.s32 @!p0 $0x0  }
0x12: {  	s1 =	sld [smem:$0x3F9B];
	s0 =	simm.s32 @p0 $0x1  }
0x13: {  	[smem:$0x3FB6] =	sst s0;
	s0 =	simm.s32 @!p1 $0x0  }
0x14: {  	s2 =	sld [smem:$0x3F9A];
	s0 =	simm.s32 @p1 $0x1  }
0x15: {  	[smem:$0x3FB7] =	sst s0;
	s0 =	simm.s32 @!p2 $0x0  }
0x16: {  	s3 =	sld [smem:$0x3FDB];
	s0 =	simm.s32 @p2 $0x1  }
0x17: {  	s4 =	simm.s32 $0x1BF5;
	[smem:$0x3FB9] =	sst s0  }
0x18: {  	s0 =	sld [smem:$0x3F9C];
	_ =	swait.ge [sflag:s4], $0x0  }
0x19: {  	s7 =	sld [smem:$0x3F9D]  }
0x1a: {  	s8 =	sadd.s32 $0xFFFFE003, lr  }
0x1b: {  	s9 =	sadd.s32 $0xFFFFFEF7, lr;
	s5 =	simm.s32 $0xFFFFFFFF;
	p2 =	slt.u32 s8, $0xFFFFF086  }
0x1c: {  	p1 =	slt.u32 s9, $0xF7A;
	s5 =	simm.s32 @!p2 $0x0  }
0x1d: {  	s5 =	simm.s32 @p1 $0x1;
	p0 =	seq.s32 s7, s2  }
0x1e: {  	s7 =	smul.u32 @!p0 $0xF7A, s2;
	p2 =	seq.s32 @!p0 s5, $0x0  }
0x1f: {  	s9 =	smul.u32 $0xF7A, s1;
	s8 =	simm.s32 @!p0 $0x1BF5;
	p2 =	por !p2, p0  }
0x20: {  	[sflag:s8] =	ssyncset.s32 @!p0 $0xFFFFF086;
	s6 =	sadd.s32 @!p0 s3, s7;
	s7 =	simm.s32 @!p0 $0x108  }
0x21: {  	s3 =	sadd.s32 s3, s9;
	s6 =	sadd.s32 @!p0 $0x88, s6;
	s7 =	simm.s32 @p2 $0x1082  }
0x22: {  	[simem:s7], [sflag:s8] =	dma.local @!p0 [hbm:s6], $0xF7A  }
0x23: {  	s9 =	sor.u32 $0xD0000000, s2;
	s6 =	simm.s32 $0x108;
	_ =	swait.ge @!p0 [sflag:s8], $0x0  }
0x24: {  	s3 =	sadd.s32 $0x88, s3;
	s6 =	simm.s32 @!p1 $0x1082;
	[sflag:s4] =	ssyncset.s32 $0xFFFFF086  }
0x25: {  	[simem:s6], [sflag:s4] =	dma.local [hbm:s3], $0xF7A  }
0x26: {  	[smem:$0x3F9D] =	sst s1;
	(tag) =	ssettag s2;
	_ =	strace s9  }
0x27: {  	s1 =	sld [smem:$0x3FAD]  }
0x28: {  	s2 =	sld [smem:$0x3FAE]  }
0x29: {  	s4 =	sld [smem:$0x3FB0]  }
0x2a: {  	p0 =	seq.s32 s5, $0x0;
	s5 =	sld [smem:$0x3FB1]  }
0x2b: {  	s6 =	sld [smem:$0x3FB2]  }
0x2c: {  	s7 =	sld [smem:$0x3FB3]  }
0x2d: {  	s3 =	simm.s32 $0x108;
	s8 =	sld [smem:$0x3FB4]  }
0x2e: {  	s3 =	simm.s32 @!p0 $0x1082;
	s9 =	sld [smem:$0x3FB5]  }
0x2f: {  	lr =	sadd.s32 s0, s3;
	s0 =	sld [smem:$0x3FAC]  }
0x30: {  	s3 =	sld [smem:$0x3FAF]  }
0x31: {  	[smem:$0x3FB8] =	sst s10  }
0x32: {  	s10 =	sld [smem:$0x3FB6];
	_ =	sdelay $0x3  }
0x33: {  	p0 =	seq.s32 s10, $0x1;
	s10 =	sld [smem:$0x3FB8];
	_ =	sdelay $0x3  }
0x34: {  	[smem:$0x3FB8] =	sst s10  }
0x35: {  	s10 =	sld [smem:$0x3FB7];
	_ =	sdelay $0x3  }
0x36: {  	p1 =	seq.s32 s10, $0x1;
	s10 =	sld [smem:$0x3FB8];
	_ =	sdelay $0x3  }
0x37: {  	[smem:$0x3FB8] =	sst s10  }
0x38: {  	s10 =	sld [smem:$0x3FB9]  }
0x39: {  	_ = 	snop;
	(pc) =	sbr.ind lr, $3  }
0x3a: {  	_ = 	snop  }
0x3b: {  	_ = 	snop  }
0x3c: {  	p2 =	seq.s32 s10, $0x1;
	s10 =	sld [smem:$0x3FB8]  }
0x3d: {  	_ =	shalt  }
0x3e: {  	_ =	shalt  }
0x3f: {  	_ =	shalt  }
0x40: {  	_ =	shalt  }
0x41: {  	_ =	shalt  }
0x42: {  	_ =	shalt  }
0x43: {  	_ =	shalt  }
0x44: {  	_ =	shalt  }
0x45: {  	_ =	shalt  }
0x46: {  	_ =	shalt  }
0x47: {  	_ =	shalt  }
0x48: {  	_ =	shalt  }
0x49: {  	_ =	shalt  }
0x4a: {  	_ =	shalt  }
0x4b: {  	_ =	shalt  }
0x4c: {  	_ =	shalt  }
0x4d: {  	_ =	shalt  }
0x4e: {  	_ =	shalt  }
0x4f: {  	_ =	shalt  }
0x50: {  	_ =	shalt  }
0x51: {  	_ =	shalt  }
0x52: {  	_ =	shalt  }
0x53: {  	_ =	shalt  }
0x54: {  	_ =	shalt  }
0x55: {  	_ =	shalt  }
0x56: {  	_ =	shalt  }
0x57: {  	_ =	shalt  }
0x58: {  	_ =	shalt  }
0x59: {  	_ =	shalt  }
0x5a: {  	_ =	shalt  }
0x5b: {  	_ =	shalt  }
0x5c: {  	_ =	shalt  }
0x5d: {  	_ =	shalt  }
0x5e: {  	_ =	shalt  }
0x5f: {  	_ =	shalt  }
0x60: {  	_ =	shalt  }
0x61: {  	_ =	shalt  }
0x62: {  	_ =	shalt  }
0x63: {  	_ =	shalt  }
0x64: {  	_ =	shalt  }
0x65: {  	_ =	shalt  }
0x66: {  	_ =	shalt  }
0x67: {  	_ =	shalt  }
0x68: {  	_ =	shalt  }
0x69: {  	_ =	shalt  }
0x6a: {  	_ =	shalt  }
0x6b: {  	_ =	shalt  }
0x6c: {  	_ =	shalt  }
0x6d: {  	_ =	shalt  }
0x6e: {  	_ =	shalt  }
0x6f: {  	_ =	shalt  }
0x70: {  	_ =	shalt  }
0x71: {  	_ =	shalt  }
0x72: {  	_ =	shalt  }
0x73: {  	_ =	shalt  }
0x74: {  	_ =	shalt  }
0x75: {  	_ =	shalt  }
0x76: {  	_ =	shalt  }
0x77: {  	_ =	shalt  }
0x78: {  	_ =	shalt  }
0x79: {  	_ =	shalt  }
0x7a: {  	_ =	shalt  }
0x7b: {  	_ =	shalt  }
0x7c: {  	_ =	shalt  }
0x7d: {  	_ =	shalt  }
0x7e: {  	_ =	shalt  }
0x7f: {  	_ =	shalt  }
0x80: {  	_ =	shalt  }
0x81: {  	_ =	shalt  }
0x82: {  	_ =	shalt  }
0x83: {  	_ =	shalt  }
0x84: {  	_ =	shalt  }
0x85: {  	_ =	shalt  }
0x86: {  	_ =	shalt  }
0x87: {  	_ =	shalt  }
.Lfunc_end0:
.L_simem_size_0:
called_computation.1_lowered:
.L_overlay_start_0:
0x88: {  	s2 =	sld [smem:$0x3FD9]  }
0x89: {  	s3 =	sld [smem:$0x3FFE];
	_ =	sdelay $0x1  }
0x8a: {  	s1 =	srdreg.scid  }
0x8b: {  	s0 =	sand.u32 $0x1, s1  }
0x8c: {  	s17 =	sshll.u32 s0, $0xA;
	s2 =	sadd.s32 s3, s2  }
0x8d: {  	s2 =	sadd.s32 s2, s17  }
0x8e: {  	[smem:$0x3FC4] =	sst s2  }
0x8f: {  	_ = 	snop  }
0x90: {  	s2 =	sld [smem:$0x3FD0];
	(tm) =	ssettm $0x1  }
0x91: {  	s18 =	sld [smem:$0x3FFB];
	_ =	sdelay $0x3  }
0x92: {  	_ =	strace s18  }
0x93: {  	s3 =	sld [smem:$0x3FFC];
	_ =	sdelay $0x3  }
0x94: {  	_ =	strace s3  }
0x95: {  	s3 =	sld [smem:$0x3FFD];
	_ =	sdelay $0x3  }
0x96: {  	_ =	strace s3  }
0x97: {  	_ =	strace $0x8FFFFFFF  }
0x98: {  	s19 =	sld [smem:$0x3FDB];
	_ =	sdelay $0x1  }
0x99: {  	s4 =	simm.s32 $_scs_section_size  }
0x9a: {  	s5 =	simm.s32 $_size__tile_overlayer_lowered;
	s6 =	simm.s32 $_tile_overlayer_lowered  }
0x9b: {  	s22 =	simm.s32 $0x1BFF;
	s21 =	sshll.u32 s6, $0x1;
	s3 =	sadd.s32 s4, s19  }
0x9c: {  	s7 =	simm.s32 $0x0;
	s20 =	sshll.u32 s5, $0x1;
	s5 =	sadd.s32 s21, s3  }
0x9d: {  	[timem:s7], [sflag:s22] =	dma.local [hbm:s5], s20  }
0x9e: {  	_ =	swait.ge [sflag:s22], s20  }
0x9f: {  	s4 =	ssub.s32 $0x0, s20;
	[sflag:s22] =	ssyncset.done $0x0  }
0xa0: {  	[sflag:s22] =	ssyncadd.s32 s4;
	_ =	sdelay $0x1  }
0xa1: {  	s23 =	simm.s32 $0x1B8B  }
0xa2: {  	_ =	swait.ge [sflag:s23], $0x1  }
0xa3: {  	[sflag:s23] =	ssyncset.done $0x0  }
0xa4: {  	s25 =	simm.s32 $0x1B8E;
	s24 =	sld [smem:$0x3FFE];
	[sflag:s23] =	ssyncadd.s32 $0xFFFFFFFF  }
0xa5: {  	s26 =	simm.s32 $execute0_lowered;
	[smem:$0x3FD2] =	sst s25  }
0xa6: {  	s5 =	sshll.u32 s26, $0x1;
	_ =	strace $0x80000049;
	[dreg:$0x1] =	wrdreg $0xFFFFFFFF  }
0xa7: {  	s28 =	simm.s32 $_size_execute0_lowered;
	s3 =	sadd.s32 s3, s5;
	[dreg:$0x0] =	wrdreg $0x0  }
0xa8: {  	s5 =	sshll.u32 s28, $0x1;
	[dreg:$0x2] =	wrdreg s3  }
0xa9: {  	[dreg:$0x3] =	wrdreg s5  }
0xaa: {  	[dreg:$0x4] =	wrdreg $0xC0  }
0xab: {  	_ =	task [dreg:s7], $0x5FFFF  }
0xac: {  	[dreg:$0x1] =	wrdreg $0xFFFFFFFF  }
0xad: {  	[dreg:$0x0] =	wrdreg $0x60  }
0xae: {  	[dreg:$0x2] =	wrdreg s24  }
0xaf: {  	[dreg:$0x3] =	wrdreg s2  }
0xb0: {  	[dreg:$0x4] =	wrdreg $0xA8000  }
0xb1: {  	[dreg:$0x5] =	wrdreg $0x9  }
0xb2: {  	_ =	task.clear_ibuf [dreg:s7], $0x6FFFF;
	_ =	strace $0x90000049  }
0xb3: {  	s29 =	simm.s32 $0x9;
	_ =	strace $0x8000004B  }
0xb4: {  	_ =	swait.ge [sflag:s29], $0x1  }
0xb5: {  	[sflag:s29] =	ssyncadd.s32 $0xFFFFFFFF  }
0xb6: {  	_ =	strace $0x9000004B  }
0xb7: {  	_ =	sfence  }
0xb8: {  	s30 =	sld [smem:$0x0];
	_ =	sdelay $0x2  }
0xb9: {  	s31 =	sshll.u32 s1, $0xD;
	s1 =	sshrl.u32 s1, $0x2  }
0xba: {  	s3 =	sand.u32 $0x4000, s31;
	s1 =	sadd.s32 s1, s30  }
0xbb: {  	s0 =	sor.u32 s3, s0;
	s1 =	sshll.u32 s1, $0x11  }
0xbc: {  	s0 =	sor.u32 s1, s0  }
0xbd: {  	s0 =	sadd.s32 $0x8F2B, s0  }
0xbe: {  	[sflag:s0] =	ssyncadd.remote.s32 $0x1  }
0xbf: {  	_ =	sfence.sel $0xFFFF  }
0xc0: {  	[dreg:$0x0] =	wrdreg $0xFFFFFFFF;
	(pc) =	sbr.abs _section_cstart, $3  }
0xc1: {  	[dreg:$0x1] =	wrdreg $0xFFFFFFFF  }
0xc2: {  	_ =	task.clear_ibuf [dreg:s7], $0x2FFFF;
	_ =	strace $0x9FFFFFFF  }
0xc3: {  	(tm) =	ssettm $0x7FFFFFFF  }
tec
execute0_lowered:
.L_overlay_start_1:
0x0: {  	(tag) =	ssettag $0x1  }
0x1: {  	s0 =	rddreg [dreg:$0x0]  }
0x2: {  	s2 =	rddreg [dreg:$0x1];
	s16 =	stileid.u32  }
0x3: {  	s1 =	rddreg [dreg:$0x2];
	s6 =	smul.u32 $0x280, s16  }
0x4: {  	s3 =	simm.s32 $0x0;
	s5 =	srdreg.scid;
	s8 =	smul.u32 $0x28, s16  }
0x5: {  	[smem:$0x7FF] =	sst s3;
	s10 =	smul.u32 $0x78, s16  }
0x6: {  	s4 =	sadd.s32 $0x6F600, s0;
	s7 =	sadd.s32 $0x15600, s0;
	s12 =	smul.u32 $0x3C00, s16  }
0x7: {  	s5 =	sand.u32 $0x1, s5;
	s9 =	sadd.s32 $0x97600, s0;
	s14 =	smul.u32 $0x14000, s16  }
0x8: {  	_ =	strace $0x8000004A;
	s21 =	ssub.s32 $0x2, s5;
	p0 =	seq.s32 s5, $0x0  }
0x9: {  	s24 =	smul.u32 $0x140000, s5;
	s11 =	sshrl.u32 s21, $0x1;
	s8 =	sadd.s32 $0x780, s8  }
0xa: {  	s23 =	sshrl.u32 s12, $0x3;
	s0 =	ssub.s32 s21, s11;
	s11 =	smin.u32 s6, $0x2490  }
0xb: {  	s8 =	smov.u32 @p0 s10;
	s25 =	sadd.s32 $0x280, s23;
	s6 =	sshll.u32 s6, $0x7  }
0xc: {  	s14 =	sadd.s32 s14, s24;
	p0 =	sne.s32 s5, $0x0;
	s22 =	sshll.u32 s11, $0x4  }
0xd: {  	s8 =	sshll.u32 s8, $0x4;
	s15 =	sadd.s32 s2, s25;
	s14 =	sshrl.u32 s14, $0x3  }
0xe: {  	s0 =	smax.u32 s0, $0x1;
	s10 =	sadd.s32 s4, s22;
	[dreg:$0x7] =	wrdreg s15  }
0xf: {  	s13 =	sadd.s32 s2, s8;
	s8 =	sadd.s32 s7, s8;
	[dreg:$0x4] =	wrdreg s10  }
0x10: {  	s22 =	sshll.u32 s11, $0x7;
	s10 =	sadd.s32 $0x80, s11;
	[dreg:$0x5] =	wrdreg s13  }
0x11: {  	[dreg:$0x6] =	wrdreg s8;
	s13 =	sadd.s32 s7, s25;
	s8 =	sadd.s32 $0x500, s23  }
0x12: {  	s25 =	sadd.s32 $0x100, s11;
	[dreg:$0x8] =	wrdreg s13;
	s2 =	sadd.s32 s2, s8  }
0x13: {  	s13 =	sadd.s32 $0x4000, s6;
	s7 =	sadd.s32 s7, s8;
	[dreg:$0x9] =	wrdreg s2  }
0x14: {  	s23 =	sshll.u32 s10, $0x4;
	s26 =	sadd.s32 s24, s13;
	[dreg:$0xa] =	wrdreg s7  }
0x15: {  	s2 =	sadd.s32 s9, s14;
	s7 =	sadd.s32 $0xC000, s6;
	s5 =	sadd.s32 s4, s23  }
0x16: {  	s28 =	sadd.s32 s13, s1;
	s13 =	simm.s32 $0x2700;
	s15 =	sshrl.u32 s26, $0x3  }
0x17: {  	[dreg:$0xb] =	wrdreg s2;
	s2 =	sadd.s32 $0x8000, s6;
	s6 =	sadd.s32 $0x10000, s6  }
0x18: {  	s19 =	sadd.s32 s24, s7;
	[dreg:$0x11] =	wrdreg s5;
	s26 =	sadd.s32 $0x180, s11  }
0x19: {  	s5 =	sshll.u32 s25, $0x7;
	s30 =	sadd.s32 s7, s1;
	s7 =	simm.s32 $0x1400  }
0x1a: {  	s17 =	sadd.s32 s9, s15;
	s18 =	sadd.s32 s24, s2;
	s12 =	sadd.s32 s24, s6  }
0x1b: {  	s14 =	sshrl.u32 s19, $0x3;
	s24 =	sshll.u32 s10, $0x7;
	s15 =	sshll.u32 s26, $0x7  }
0x1c: {  	s29 =	sadd.s32 s2, s1;
	s31 =	sadd.s32 s6, s1;
	s2 =	simm.s32 $0x2800  }
0x1d: {  	s10 =	simm.s32 $0x2;
	s6 =	simm.s32 $0x5;
	[dreg:$0xc] =	wrdreg s17  }
0x1e: {  	s8 =	sshrl.u32 s18, $0x3;
	s12 =	sshrl.u32 s12, $0x3;
	s20 =	sadd.s32 s9, s14  }
0x1f: {  	s19 =	sadd.s32 s24, s1;
	s14 =	sshll.u32 s26, $0x4;
	s17 =	sadd.s32 $0x200, s11  }
0x20: {  	s18 =	smul.u32 $0x50000, s16;
	s23 =	sadd.s32 s15, s1;
	s11 =	simm.s32 $0x3  }
0x21: {  	s15 =	simm.s32 $0x0;
	s8 =	sadd.s32 s9, s8;
	[dreg:$0xe] =	wrdreg s20  }
0x22: {  	s21 =	sadd.s32 s9, s12;
	s12 =	sshll.u32 s25, $0x4;
	[dreg:$0xd] =	wrdreg s8  }
0x23: {  	s25 =	sshll.u32 s17, $0x4;
	s9 =	simm.s32 $0x6800;
	[dreg:$0xf] =	wrdreg s21  }
.Ltmp0:
0x24: {  	s8 =	sadd.s32 s22, s1;
	s20 =	sadd.s32 s4, s12;
	(pc) =	sbr.rel .LBB2_1-.Ltmp0, $4  }
0x25: {  	s21 =	sadd.s32 s5, s1;
	s22 =	sadd.s32 s4, s14;
	s24 =	sadd.s32 s4, s25  }
0x26: {  	s26 =	sshrl.u32 s18, $0x2;
	s5 =	simm.s32 $0x4;
	s12 =	simm.s32 $0x80  }
0x27: {  	s14 =	simm.s32 $0x2780;
	[dreg:$0x10] =	wrdreg s8;
	s8 =	sshll.u32 s17, $0x7  }
0x28: {  	s26 =	sadd.s32 s26, s1;
	s25 =	sadd.s32 s8, s1;
	s8 =	simm.s32 $0x1  }
.LBB2_8:
0x29: {  	[tilespmem:s9], [sflag:$0x2] =	stream.indirect.gather [hbm4b:s4+s12], $0x80, s17, s12, $0xb8;
	[tilespmem:$0x1E800] =	vst v63  }
0x2a: {  	_ =	swait.ge [sflag:s8], $0x4000  }
0x2b: {  	[sflag:s8] =	ssyncset.done $0x0  }
0x2c: {  	[sflag:s8] =	ssyncadd.s32 $0xFFFFC000  }
0x2d: {  	[spmem:s1] =	stream.indirect.scatter.add.f32 [tilespmem:s2], [sflag:$0x3], $0x80, s13, s12, $0xb8;
	[tilespmem:$0x1E800] =	vst v63  }
0x2e: {  	_ =	swait.ge [sflag:s10], $0x4000  }
0x2f: {  	[sflag:s10] =	ssyncset.done $0x0  }
0x30: {  	[sflag:s10] =	ssyncadd.s32 $0xFFFFC000  }
0x31: {  	[spmem:s1] =	stream.indirect.scatter.add.f32 [tilespmem:s9], [sflag:$0x4], $0x80, s14, s12, $0xb8;
	[tilespmem:$0x1E800] =	vst v63  }
0x32: {  	_ =	swait.ge [sflag:s11], $0x4000  }
0x33: {  	[sflag:s11] =	ssyncset.done $0x0  }
0x34: {  	[sflag:s11] =	ssyncadd.s32 $0xFFFFC000  }
0x35: {  	_ =	swait.ge [sflag:s5], $0x4000  }
0x36: {  	[sflag:s5] =	ssyncset.done $0x0  }
0x37: {  	[sflag:s5] =	ssyncadd.s32 $0xFFFFC000  }
.LBB2_9:
0x38: {  	[bflag:$0x0] =	sbarrier.arrive $0xFFFF  }
0x39: {  	[tilespmem:s2], [sflag:$0x1] =	stream.linear.gather [spmem:s26], $0x4000, $0x38;
	[tilespmem:$0x1E800] =	vst v63  }
0x3a: {  	_ =	swait.ge [sflag:s8], $0x4000  }
0x3b: {  	[sflag:s8] =	ssyncset.done $0x0  }
0x3c: {  	s16 =	rddreg [dreg:$0xb];
	[sflag:s8] =	ssyncadd.s32 $0xFFFFC000  }
0x3d: {  	[hbm4b:s16+s3] =	stream.linear.scatter [tilespmem:s2], [sflag:$0x3], $0x4000, $0x38;
	[tilespmem:$0x1E800] =	vst v63  }
0x3e: {  	_ = 	snop  }
0x3f: {  	[tilespmem:s9], [sflag:$0x2] =	stream.linear.gather [spmem:s28], $0x4000, $0x38;
	[tilespmem:$0x1E800] =	vst v63  }
0x40: {  	_ =	swait.ge [sflag:s10], $0x4000  }
0x41: {  	[sflag:s10] =	ssyncset.done $0x0  }
0x42: {  	s17 =	rddreg [dreg:$0xc];
	[sflag:s10] =	ssyncadd.s32 $0xFFFFC000  }
0x43: {  	[hbm4b:s17+s3] =	stream.linear.scatter [tilespmem:s9], [sflag:$0x4], $0x4000, $0x38;
	[tilespmem:$0x1E800] =	vst v63  }
0x44: {  	_ =	swait.ge [sflag:s11], $0x4000  }
0x45: {  	[sflag:s11] =	ssyncset.done $0x0  }
0x46: {  	[sflag:s11] =	ssyncadd.s32 $0xFFFFC000  }
0x47: {  	[tilespmem:s2], [sflag:$0x1] =	stream.linear.gather [spmem:s29], $0x4000, $0x38;
	[tilespmem:$0x1E800] =	vst v63  }
0x48: {  	_ =	swait.ge [sflag:s8], $0x4000  }
0x49: {  	[sflag:s8] =	ssyncset.done $0x0  }
0x4a: {  	s18 =	rddreg [dreg:$0xd];
	[sflag:s8] =	ssyncadd.s32 $0xFFFFC000  }
0x4b: {  	[hbm4b:s18+s3] =	stream.linear.scatter [tilespmem:s2], [sflag:$0x3], $0x4000, $0x38;
	[tilespmem:$0x1E800] =	vst v63  }
0x4c: {  	_ =	swait.ge [sflag:s5], $0x4000  }
0x4d: {  	[sflag:s5] =	ssyncset.done $0x0  }
0x4e: {  	[sflag:s5] =	ssyncadd.s32 $0xFFFFC000  }
0x4f: {  	[tilespmem:s9], [sflag:$0x2] =	stream.linear.gather [spmem:s30], $0x4000, $0x38;
	[tilespmem:$0x1E800] =	vst v63  }
0x50: {  	_ =	swait.ge [sflag:s10], $0x4000  }
0x51: {  	[sflag:s10] =	ssyncset.done $0x0  }
0x52: {  	s17 =	rddreg [dreg:$0xe];
	[sflag:s10] =	ssyncadd.s32 $0xFFFFC000  }
0x53: {  	[hbm4b:s17+s3] =	stream.linear.scatter [tilespmem:s9], [sflag:$0x4], $0x4000, $0x38;
	[tilespmem:$0x1E800] =	vst v63  }
0x54: {  	_ =	swait.ge [sflag:s11], $0x4000  }
0x55: {  	[sflag:s11] =	ssyncset.done $0x0  }
0x56: {  	[sflag:s11] =	ssyncadd.s32 $0xFFFFC000  }
0x57: {  	[tilespmem:s2], [sflag:$0x1] =	stream.linear.gather [spmem:s31], $0x4000, $0x38;
	[tilespmem:$0x1E800] =	vst v63  }
0x58: {  	_ =	swait.ge [sflag:s8], $0x4000  }
0x59: {  	[sflag:s8] =	ssyncset.done $0x0  }
0x5a: {  	s15 =	sadd.s32 $0x1, s15;
	s18 =	rddreg [dreg:$0xf];
	[sflag:s8] =	ssyncadd.s32 $0xFFFFC000  }
0x5b: {  	[hbm4b:s18+s3] =	stream.linear.scatter [tilespmem:s2], [sflag:$0x3], $0x4000, $0x38;
	[tilespmem:$0x1E800] =	vst v63  }
0x5c: {  	p1 =	sne.s32 s15, s0;
	_ =	swait.ge [sflag:s11], $0x4000  }
.Ltmp1:
0x5d: {  	[sflag:s11] =	ssyncset.done $0x0;
	(pc) =	sbr.rel @!p1 .LBB2_10-.Ltmp1, $4  }
0x5e: {  	[sflag:s11] =	ssyncadd.s32 $0xFFFFC000  }
0x5f: {  	_ =	swait.ge [sflag:s5], $0x4000  }
0x60: {  	[sflag:s5] =	ssyncset.done $0x0  }
0x61: {  	[sflag:s5] =	ssyncadd.s32 $0xFFFFC000  }
.LBB2_1:
0x62: {  	s16 =	rddreg [dreg:$0x4]  }
0x63: {  	[tilespmem:s2], [sflag:$0x1] =	stream.linear.gather [hbm4b:s16+s3], $0x4000, $0x38;
	[tilespmem:$0x1E800] =	vst v63  }
0x64: {  	_ =	swait.ge [sflag:s8], $0x4000  }
0x65: {  	[sflag:s8] =	ssyncset.done $0x0  }
0x66: {  	s18 =	rddreg [dreg:$0x10];
	[sflag:s8] =	ssyncadd.s32 $0xFFFFC000  }
0x67: {  	[spmem:s18] =	stream.linear.scatter [tilespmem:s2], [sflag:$0x3], $0x4000, $0x38;
	[tilespmem:$0x1E800] =	vst v63  }
0x68: {  	s17 =	rddreg [dreg:$0x11]  }
0x69: {  	[tilespmem:s9], [sflag:$0x2] =	stream.linear.gather [hbm4b:s17+s3], $0x4000, $0x38;
	[tilespmem:$0x1E800] =	vst v63  }
0x6a: {  	_ =	swait.ge [sflag:s10], $0x4000  }
0x6b: {  	[sflag:s10] =	ssyncset.done $0x0  }
0x6c: {  	[sflag:s10] =	ssyncadd.s32 $0xFFFFC000  }
0x6d: {  	[spmem:s19] =	stream.linear.scatter [tilespmem:s9], [sflag:$0x4], $0x4000, $0x38;
	[tilespmem:$0x1E800] =	vst v63  }
0x6e: {  	_ =	swait.ge [sflag:s11], $0x4000  }
0x6f: {  	[sflag:s11] =	ssyncset.done $0x0  }
0x70: {  	[sflag:s11] =	ssyncadd.s32 $0xFFFFC000  }
0x71: {  	[tilespmem:s2], [sflag:$0x1] =	stream.linear.gather [hbm4b:s20+s3], $0x4000, $0x38;
	[tilespmem:$0x1E800] =	vst v63  }
0x72: {  	_ =	swait.ge [sflag:s8], $0x4000  }
0x73: {  	[sflag:s8] =	ssyncset.done $0x0  }
0x74: {  	[sflag:s8] =	ssyncadd.s32 $0xFFFFC000  }
0x75: {  	[spmem:s21] =	stream.linear.scatter [tilespmem:s2], [sflag:$0x3], $0x4000, $0x38;
	[tilespmem:$0x1E800] =	vst v63  }
0x76: {  	_ =	swait.ge [sflag:s5], $0x4000  }
0x77: {  	[sflag:s5] =	ssyncset.done $0x0  }
0x78: {  	[sflag:s5] =	ssyncadd.s32 $0xFFFFC000  }
0x79: {  	[tilespmem:s9], [sflag:$0x2] =	stream.linear.gather [hbm4b:s22+s3], $0x4000, $0x38;
	[tilespmem:$0x1E800] =	vst v63  }
0x7a: {  	_ =	swait.ge [sflag:s10], $0x4000  }
0x7b: {  	[sflag:s10] =	ssyncset.done $0x0  }
0x7c: {  	[sflag:s10] =	ssyncadd.s32 $0xFFFFC000  }
0x7d: {  	[spmem:s23] =	stream.linear.scatter [tilespmem:s9], [sflag:$0x4], $0x4000, $0x38;
	[tilespmem:$0x1E800] =	vst v63  }
0x7e: {  	_ =	swait.ge [sflag:s11], $0x4000  }
0x7f: {  	[sflag:s11] =	ssyncset.done $0x0  }
0x80: {  	[sflag:s11] =	ssyncadd.s32 $0xFFFFC000  }
0x81: {  	[tilespmem:s2], [sflag:$0x1] =	stream.linear.gather [hbm4b:s24+s3], $0x4000, $0x38;
	[tilespmem:$0x1E800] =	vst v63  }
0x82: {  	_ =	swait.ge [sflag:s8], $0x4000  }
0x83: {  	[sflag:s8] =	ssyncset.done $0x0  }
0x84: {  	[sflag:s8] =	ssyncadd.s32 $0xFFFFC000  }
0x85: {  	[spmem:s25] =	stream.linear.scatter [tilespmem:s2], [sflag:$0x3], $0x4000, $0x38;
	[tilespmem:$0x1E800] =	vst v63  }
0x86: {  	_ =	swait.ge [sflag:s11], $0x4000  }
0x87: {  	[sflag:s11] =	ssyncset.done $0x0  }
0x88: {  	[sflag:s11] =	ssyncadd.s32 $0xFFFFC000  }
0x89: {  	_ =	swait.ge [sflag:s5], $0x4000  }
0x8a: {  	[sflag:s5] =	ssyncset.done $0x0  }
0x8b: {  	[sflag:s5] =	ssyncadd.s32 $0xFFFFC000  }
0x8c: {  	[bflag:$0x0] =	sbarrier.arrive $0xFFFF  }
0x8d: {  	s18 =	rddreg [dreg:$0x5]  }
0x8e: {  	[tilespmem:s3], [sflag:$0x5] =	stream.linear.gather [hbm4b:s18+s3], $0x1400, $0x38;
	[tilespmem:$0x1E800] =	vst v63  }
0x8f: {  	_ =	swait.ge [sflag:s6], $0x1400  }
0x90: {  	[sflag:s6] =	ssyncset.done $0x0  }
0x91: {  	s17 =	rddreg [dreg:$0x6];
	[sflag:s6] =	ssyncadd.s32 $0xFFFFEC00  }
0x92: {  	[tilespmem:s7], [sflag:$0x5] =	stream.linear.gather [hbm4b:s17+s3], $0x1400, $0x38;
	[tilespmem:$0x1E800] =	vst v63  }
0x93: {  	_ =	swait.ge [sflag:s6], $0x1400  }
0x94: {  	[sflag:s6] =	ssyncset.done $0x0  }
0x95: {  	[sflag:s6] =	ssyncadd.s32 $0xFFFFEC00  }
0x96: {  	[tilespmem:s2], [sflag:$0x1] =	stream.indirect.gather [hbm4b:s4+s12], $0x80, s3, s12, $0xb8;
	[tilespmem:$0x1E800] =	vst v63  }
0x97: {  	_ = 	snop  }
0x98: {  	[tilespmem:s9], [sflag:$0x2] =	stream.indirect.gather [hbm4b:s4+s12], $0x80, s12, s12, $0xb8;
	[tilespmem:$0x1E800] =	vst v63  }
0x99: {  	_ =	swait.ge [sflag:s8], $0x4000  }
0x9a: {  	[sflag:s8] =	ssyncset.done $0x0  }
0x9b: {  	s18 =	simm.s32 $0x1400;
	[sflag:s8] =	ssyncadd.s32 $0xFFFFC000  }
0x9c: {  	[spmem:s1] =	stream.indirect.scatter.add.f32 [tilespmem:s2], [sflag:$0x3], $0x80, s18, s12, $0xb8;
	[tilespmem:$0x1E800] =	vst v63  }
0x9d: {  	_ =	swait.ge [sflag:s10], $0x4000  }
0x9e: {  	[sflag:s10] =	ssyncset.done $0x0  }
0x9f: {  	s17 =	simm.s32 $0x1480;
	[sflag:s10] =	ssyncadd.s32 $0xFFFFC000  }
0xa0: {  	[spmem:s1] =	stream.indirect.scatter.add.f32 [tilespmem:s9], [sflag:$0x4], $0x80, s17, s12, $0xb8;
	[tilespmem:$0x1E800] =	vst v63  }
0xa1: {  	_ =	swait.ge [sflag:s11], $0x4000  }
0xa2: {  	[sflag:s11] =	ssyncset.done $0x0  }
0xa3: {  	s18 =	simm.s32 $0x100;
	[sflag:s11] =	ssyncadd.s32 $0xFFFFC000  }
0xa4: {  	[tilespmem:s2], [sflag:$0x1] =	stream.indirect.gather [hbm4b:s4+s12], $0x80, s18, s12, $0xb8;
	[tilespmem:$0x1E800] =	vst v63  }
0xa5: {  	_ =	swait.ge [sflag:s5], $0x4000  }
0xa6: {  	[sflag:s5] =	ssyncset.done $0x0  }
0xa7: {  	s16 =	simm.s32 $0x400;
	s17 =	simm.s32 $0x180;
	[sflag:s5] =	ssyncadd.s32 $0xFFFFC000  }
.LBB2_2:
0xa8: {  	[tilespmem:s9], [sflag:$0x2] =	stream.indirect.gather [hbm4b:s4+s12], $0x80, s17, s12, $0xb8;
	[tilespmem:$0x1E800] =	vst v63  }
0xa9: {  	s17 =	smov.u32 s16  }
0xaa: {  	p1 =	sne.s32 s16, $0x4800;
	s16 =	sadd.s32 $0x400, s16;
	_ =	swait.ge [sflag:s8], $0x4000  }
0xab: {  	s17 =	sshra.s32 s17, $0x2;
	[sflag:s8] =	ssyncset.done $0x0  }
0xac: {  	s18 =	sadd.s32 $0x1400, s17;
	[sflag:s8] =	ssyncadd.s32 $0xFFFFC000  }
0xad: {  	[spmem:s1] =	stream.indirect.scatter.add.f32 [tilespmem:s2], [sflag:$0x3], $0x80, s18, s12, $0xb8;
	[tilespmem:$0x1E800] =	vst v63  }
0xae: {  	_ =	swait.ge [sflag:s10], $0x4000  }
0xaf: {  	[sflag:s10] =	ssyncset.done $0x0  }
0xb0: {  	s18 =	sadd.s32 $0x1480, s17;
	[sflag:s10] =	ssyncadd.s32 $0xFFFFC000  }
0xb1: {  	[spmem:s1] =	stream.indirect.scatter.add.f32 [tilespmem:s9], [sflag:$0x4], $0x80, s18, s12, $0xb8;
	[tilespmem:$0x1E800] =	vst v63  }
0xb2: {  	_ =	swait.ge [sflag:s11], $0x4000  }
0xb3: {  	[sflag:s11] =	ssyncset.done $0x0  }
.Ltmp2:
0xb4: {  	s18 =	sadd.s32 $0x100, s17;
	[sflag:s11] =	ssyncadd.s32 $0xFFFFC000;
	(pc) =	sbr.rel @p1 .LBB2_2-.Ltmp2, $4  }
0xb5: {  	[tilespmem:s2], [sflag:$0x1] =	stream.indirect.gather [hbm4b:s4+s12], $0x80, s18, s12, $0xb8;
	[tilespmem:$0x1E800] =	vst v63  }
0xb6: {  	_ =	swait.ge [sflag:s5], $0x4000  }
0xb7: {  	[sflag:s5] =	ssyncset.done $0x0  }
0xb8: {  	s17 =	sadd.s32 $0x180, s17;
	[sflag:s5] =	ssyncadd.s32 $0xFFFFC000  }
0xb9: {  	[tilespmem:s9], [sflag:$0x2] =	stream.indirect.gather [hbm4b:s4+s12], $0x80, s17, s12, $0xb8;
	[tilespmem:$0x1E800] =	vst v63  }
0xba: {  	_ =	swait.ge [sflag:s8], $0x4000  }
0xbb: {  	[sflag:s8] =	ssyncset.done $0x0  }
0xbc: {  	[sflag:s8] =	ssyncadd.s32 $0xFFFFC000  }
0xbd: {  	[spmem:s1] =	stream.indirect.scatter.add.f32 [tilespmem:s2], [sflag:$0x3], $0x80, s13, s12, $0xb8;
	[tilespmem:$0x1E800] =	vst v63  }
0xbe: {  	_ =	swait.ge [sflag:s10], $0x4000  }
0xbf: {  	[sflag:s10] =	ssyncset.done $0x0  }
0xc0: {  	[sflag:s10] =	ssyncadd.s32 $0xFFFFC000  }
0xc1: {  	[spmem:s1] =	stream.indirect.scatter.add.f32 [tilespmem:s9], [sflag:$0x4], $0x80, s14, s12, $0xb8;
	[tilespmem:$0x1E800] =	vst v63  }
0xc2: {  	_ =	swait.ge [sflag:s11], $0x4000  }
.Ltmp3:
0xc3: {  	[sflag:s11] =	ssyncset.done $0x0;
	(pc) =	sbr.rel @p0 .LBB2_9-.Ltmp3, $4  }
0xc4: {  	[sflag:s11] =	ssyncadd.s32 $0xFFFFC000  }
0xc5: {  	_ =	swait.ge [sflag:s5], $0x4000  }
0xc6: {  	[sflag:s5] =	ssyncset.done $0x0  }
0xc7: {  	[sflag:s5] =	ssyncadd.s32 $0xFFFFC000  }
0xc8: {  	s16 =	simm.s32 $0x0;
	s17 =	rddreg [dreg:$0x7]  }
0xc9: {  	[tilespmem:s16], [sflag:$0x5] =	stream.linear.gather [hbm4b:s17+s16], $0x1400, $0x38;
	[tilespmem:$0x1E800] =	vst v63  }
0xca: {  	_ =	swait.ge [sflag:s6], $0x1400  }
0xcb: {  	[sflag:s6] =	ssyncset.done $0x0  }
0xcc: {  	s18 =	rddreg [dreg:$0x8];
	[sflag:s6] =	ssyncadd.s32 $0xFFFFEC00  }
0xcd: {  	[tilespmem:s7], [sflag:$0x5] =	stream.linear.gather [hbm4b:s18+s16], $0x1400, $0x38;
	[tilespmem:$0x1E800] =	vst v63  }
0xce: {  	_ =	swait.ge [sflag:s6], $0x1400  }
0xcf: {  	[sflag:s6] =	ssyncset.done $0x0  }
0xd0: {  	[sflag:s6] =	ssyncadd.s32 $0xFFFFEC00  }
0xd1: {  	[tilespmem:s2], [sflag:$0x1] =	stream.indirect.gather [hbm4b:s4+s12], $0x80, s16, s12, $0xb8;
	[tilespmem:$0x1E800] =	vst v63  }
0xd2: {  	_ = 	snop  }
0xd3: {  	[tilespmem:s9], [sflag:$0x2] =	stream.indirect.gather [hbm4b:s4+s12], $0x80, s12, s12, $0xb8;
	[tilespmem:$0x1E800] =	vst v63  }
0xd4: {  	_ =	swait.ge [sflag:s8], $0x4000  }
0xd5: {  	[sflag:s8] =	ssyncset.done $0x0  }
0xd6: {  	s18 =	simm.s32 $0x1400;
	[sflag:s8] =	ssyncadd.s32 $0xFFFFC000  }
0xd7: {  	[spmem:s1] =	stream.indirect.scatter.add.f32 [tilespmem:s2], [sflag:$0x3], $0x80, s18, s12, $0xb8;
	[tilespmem:$0x1E800] =	vst v63  }
0xd8: {  	_ =	swait.ge [sflag:s10], $0x4000  }
0xd9: {  	[sflag:s10] =	ssyncset.done $0x0  }
0xda: {  	s17 =	simm.s32 $0x1480;
	[sflag:s10] =	ssyncadd.s32 $0xFFFFC000  }
0xdb: {  	[spmem:s1] =	stream.indirect.scatter.add.f32 [tilespmem:s9], [sflag:$0x4], $0x80, s17, s12, $0xb8;
	[tilespmem:$0x1E800] =	vst v63  }
0xdc: {  	_ =	swait.ge [sflag:s11], $0x4000  }
0xdd: {  	[sflag:s11] =	ssyncset.done $0x0  }
0xde: {  	s18 =	simm.s32 $0x100;
	[sflag:s11] =	ssyncadd.s32 $0xFFFFC000  }
0xdf: {  	[tilespmem:s2], [sflag:$0x1] =	stream.indirect.gather [hbm4b:s4+s12], $0x80, s18, s12, $0xb8;
	[tilespmem:$0x1E800] =	vst v63  }
0xe0: {  	_ =	swait.ge [sflag:s5], $0x4000  }
0xe1: {  	[sflag:s5] =	ssyncset.done $0x0  }
0xe2: {  	s16 =	simm.s32 $0x400;
	s17 =	simm.s32 $0x180;
	[sflag:s5] =	ssyncadd.s32 $0xFFFFC000  }
.LBB2_5:
0xe3: {  	[tilespmem:s9], [sflag:$0x2] =	stream.indirect.gather [hbm4b:s4+s12], $0x80, s17, s12, $0xb8;
	[tilespmem:$0x1E800] =	vst v63  }
0xe4: {  	s17 =	smov.u32 s16  }
0xe5: {  	p1 =	sne.s32 s16, $0x4800;
	s16 =	sadd.s32 $0x400, s16;
	_ =	swait.ge [sflag:s8], $0x4000  }
0xe6: {  	s17 =	sshra.s32 s17, $0x2;
	[sflag:s8] =	ssyncset.done $0x0  }
0xe7: {  	s18 =	sadd.s32 $0x1400, s17;
	[sflag:s8] =	ssyncadd.s32 $0xFFFFC000  }
0xe8: {  	[spmem:s1] =	stream.indirect.scatter.add.f32 [tilespmem:s2], [sflag:$0x3], $0x80, s18, s12, $0xb8;
	[tilespmem:$0x1E800] =	vst v63  }
0xe9: {  	_ =	swait.ge [sflag:s10], $0x4000  }
0xea: {  	[sflag:s10] =	ssyncset.done $0x0  }
0xeb: {  	s18 =	sadd.s32 $0x1480, s17;
	[sflag:s10] =	ssyncadd.s32 $0xFFFFC000  }
0xec: {  	[spmem:s1] =	stream.indirect.scatter.add.f32 [tilespmem:s9], [sflag:$0x4], $0x80, s18, s12, $0xb8;
	[tilespmem:$0x1E800] =	vst v63  }
0xed: {  	_ =	swait.ge [sflag:s11], $0x4000  }
0xee: {  	[sflag:s11] =	ssyncset.done $0x0  }
.Ltmp4:
0xef: {  	s18 =	sadd.s32 $0x100, s17;
	[sflag:s11] =	ssyncadd.s32 $0xFFFFC000;
	(pc) =	sbr.rel @p1 .LBB2_5-.Ltmp4, $4  }
0xf0: {  	[tilespmem:s2], [sflag:$0x1] =	stream.indirect.gather [hbm4b:s4+s12], $0x80, s18, s12, $0xb8;
	[tilespmem:$0x1E800] =	vst v63  }
0xf1: {  	_ =	swait.ge [sflag:s5], $0x4000  }
0xf2: {  	[sflag:s5] =	ssyncset.done $0x0  }
0xf3: {  	s17 =	sadd.s32 $0x180, s17;
	[sflag:s5] =	ssyncadd.s32 $0xFFFFC000  }
0xf4: {  	[tilespmem:s9], [sflag:$0x2] =	stream.indirect.gather [hbm4b:s4+s12], $0x80, s17, s12, $0xb8;
	[tilespmem:$0x1E800] =	vst v63  }
0xf5: {  	_ =	swait.ge [sflag:s8], $0x4000  }
0xf6: {  	[sflag:s8] =	ssyncset.done $0x0  }
0xf7: {  	[sflag:s8] =	ssyncadd.s32 $0xFFFFC000  }
0xf8: {  	[spmem:s1] =	stream.indirect.scatter.add.f32 [tilespmem:s2], [sflag:$0x3], $0x80, s13, s12, $0xb8;
	[tilespmem:$0x1E800] =	vst v63  }
0xf9: {  	_ =	swait.ge [sflag:s10], $0x4000  }
0xfa: {  	[sflag:s10] =	ssyncset.done $0x0  }
0xfb: {  	[sflag:s10] =	ssyncadd.s32 $0xFFFFC000  }
0xfc: {  	[spmem:s1] =	stream.indirect.scatter.add.f32 [tilespmem:s9], [sflag:$0x4], $0x80, s14, s12, $0xb8;
	[tilespmem:$0x1E800] =	vst v63  }
0xfd: {  	_ =	swait.ge [sflag:s11], $0x4000  }
0xfe: {  	[sflag:s11] =	ssyncset.done $0x0  }
0xff: {  	[sflag:s11] =	ssyncadd.s32 $0xFFFFC000  }
0x100: {  	_ =	swait.ge [sflag:s5], $0x4000  }
0x101: {  	[sflag:s5] =	ssyncset.done $0x0  }
0x102: {  	s16 =	simm.s32 $0x0;
	s18 =	rddreg [dreg:$0x9];
	[sflag:s5] =	ssyncadd.s32 $0xFFFFC000  }
0x103: {  	[tilespmem:s16], [sflag:$0x5] =	stream.linear.gather [hbm4b:s18+s16], $0x1400, $0x38;
	[tilespmem:$0x1E800] =	vst v63  }
0x104: {  	_ =	swait.ge [sflag:s6], $0x1400  }
0x105: {  	[sflag:s6] =	ssyncset.done $0x0  }
0x106: {  	s18 =	rddreg [dreg:$0xa];
	[sflag:s6] =	ssyncadd.s32 $0xFFFFEC00  }
0x107: {  	[tilespmem:s7], [sflag:$0x5] =	stream.linear.gather [hbm4b:s18+s16], $0x1400, $0x38;
	[tilespmem:$0x1E800] =	vst v63  }
0x108: {  	_ =	swait.ge [sflag:s6], $0x1400  }
0x109: {  	[sflag:s6] =	ssyncset.done $0x0  }
0x10a: {  	[sflag:s6] =	ssyncadd.s32 $0xFFFFEC00  }
0x10b: {  	[tilespmem:s2], [sflag:$0x1] =	stream.indirect.gather [hbm4b:s4+s12], $0x80, s16, s12, $0xb8;
	[tilespmem:$0x1E800] =	vst v63  }
0x10c: {  	_ = 	snop  }
0x10d: {  	[tilespmem:s9], [sflag:$0x2] =	stream.indirect.gather [hbm4b:s4+s12], $0x80, s12, s12, $0xb8;
	[tilespmem:$0x1E800] =	vst v63  }
0x10e: {  	_ =	swait.ge [sflag:s8], $0x4000  }
0x10f: {  	[sflag:s8] =	ssyncset.done $0x0  }
0x110: {  	s18 =	simm.s32 $0x1400;
	[sflag:s8] =	ssyncadd.s32 $0xFFFFC000  }
0x111: {  	[spmem:s1] =	stream.indirect.scatter.add.f32 [tilespmem:s2], [sflag:$0x3], $0x80, s18, s12, $0xb8;
	[tilespmem:$0x1E800] =	vst v63  }
0x112: {  	_ =	swait.ge [sflag:s10], $0x4000  }
0x113: {  	[sflag:s10] =	ssyncset.done $0x0  }
0x114: {  	s17 =	simm.s32 $0x1480;
	[sflag:s10] =	ssyncadd.s32 $0xFFFFC000  }
0x115: {  	[spmem:s1] =	stream.indirect.scatter.add.f32 [tilespmem:s9], [sflag:$0x4], $0x80, s17, s12, $0xb8;
	[tilespmem:$0x1E800] =	vst v63  }
0x116: {  	_ =	swait.ge [sflag:s11], $0x4000  }
0x117: {  	[sflag:s11] =	ssyncset.done $0x0  }
0x118: {  	s18 =	simm.s32 $0x100;
	[sflag:s11] =	ssyncadd.s32 $0xFFFFC000  }
0x119: {  	[tilespmem:s2], [sflag:$0x1] =	stream.indirect.gather [hbm4b:s4+s12], $0x80, s18, s12, $0xb8;
	[tilespmem:$0x1E800] =	vst v63  }
0x11a: {  	_ =	swait.ge [sflag:s5], $0x4000  }
0x11b: {  	[sflag:s5] =	ssyncset.done $0x0  }
0x11c: {  	s16 =	simm.s32 $0x400;
	s17 =	simm.s32 $0x180;
	[sflag:s5] =	ssyncadd.s32 $0xFFFFC000  }
.LBB2_7:
0x11d: {  	[tilespmem:s9], [sflag:$0x2] =	stream.indirect.gather [hbm4b:s4+s12], $0x80, s17, s12, $0xb8;
	[tilespmem:$0x1E800] =	vst v63  }
0x11e: {  	s17 =	smov.u32 s16  }
0x11f: {  	p1 =	sne.s32 s16, $0x4800;
	s16 =	sadd.s32 $0x400, s16;
	_ =	swait.ge [sflag:s8], $0x4000  }
0x120: {  	s17 =	sshra.s32 s17, $0x2;
	[sflag:s8] =	ssyncset.done $0x0  }
0x121: {  	s18 =	sadd.s32 $0x1400, s17;
	[sflag:s8] =	ssyncadd.s32 $0xFFFFC000  }
0x122: {  	[spmem:s1] =	stream.indirect.scatter.add.f32 [tilespmem:s2], [sflag:$0x3], $0x80, s18, s12, $0xb8;
	[tilespmem:$0x1E800] =	vst v63  }
0x123: {  	_ =	swait.ge [sflag:s10], $0x4000  }
0x124: {  	[sflag:s10] =	ssyncset.done $0x0  }
0x125: {  	s18 =	sadd.s32 $0x1480, s17;
	[sflag:s10] =	ssyncadd.s32 $0xFFFFC000  }
0x126: {  	[spmem:s1] =	stream.indirect.scatter.add.f32 [tilespmem:s9], [sflag:$0x4], $0x80, s18, s12, $0xb8;
	[tilespmem:$0x1E800] =	vst v63  }
0x127: {  	_ =	swait.ge [sflag:s11], $0x4000  }
0x128: {  	[sflag:s11] =	ssyncset.done $0x0  }
.Ltmp5:
0x129: {  	s18 =	sadd.s32 $0x100, s17;
	[sflag:s11] =	ssyncadd.s32 $0xFFFFC000;
	(pc) =	sbr.rel @p1 .LBB2_7-.Ltmp5, $4  }
0x12a: {  	[tilespmem:s2], [sflag:$0x1] =	stream.indirect.gather [hbm4b:s4+s12], $0x80, s18, s12, $0xb8;
	[tilespmem:$0x1E800] =	vst v63  }
0x12b: {  	_ =	swait.ge [sflag:s5], $0x4000  }
0x12c: {  	[sflag:s5] =	ssyncset.done $0x0  }
0x12d: {  	s17 =	sadd.s32 $0x180, s17;
	[sflag:s5] =	ssyncadd.s32 $0xFFFFC000  }
.Ltmp6:
0x12e: {  	_ = 	snop;
	(pc) =	sbr.rel .LBB2_8-.Ltmp6, $1  }
0x12f: {  	_ =	sdelay $0x3  }
.LBB2_10:
0x130: {  	_ =	sfence.sel $0x180000  }
0x131: {  	[bflag:$0x0] =	sbarrier.arrive $0xFFFF  }
0x132: {  	_ =	strace $0x9000004A  }
0x133: {  	s0 =	stileid.u32;
	[bflag:$0x2] =	sbarrier.arrive $0xFFFF  }
0x134: {  	p0 =	sne.s32 s0, $0x0;
	s0 =	rddreg [dreg:$0x3]  }
0x135: {  	s0 =	sadd.s32 @!p0 $0x100000, s0  }
0x136: {  	[sflag:s0] =	ssyncadd.tile.s32 @!p0 $0x1;
	_ =	shalt  }
.Lfunc_end2:
_tile_overlayer_lowered:
.L_overlay_start_2:
0x137: {  	(tag) =	ssettag $0x2  }
0x138: {  	s0 =	rddreg [dreg:$0x0];
	s2 =	stileid.u32  }
0x139: {  	s1 =	rddreg [dreg:$0x1];
	p0 =	sne.s32 s2, $0x0  }
0x13a: {  	s3 =	rddreg [dreg:$0x2];
	[bflag:$0x3] =	sbarrier.arrive $0xFFFF;
	s2 =	simm.s32 @!p0 $0x1C05  }
0x13b: {  	[timem:s3], [sflag:s2] =	dma.local @!p0 [hbm:s0], s1  }
0x13c: {  	s0 =	simm.s32 @!p0 $0x5  }
0x13d: {  	_ =	swait.ge @!p0 [sflag:s0], s1  }
0x13e: {  	s1 =	ssub.s32 @!p0 $0x0, s1;
	[sflag:s0] =	ssyncset.done @!p0 $0x0  }
0x13f: {  	[sflag:s0] =	ssyncadd.s32 @!p0 s1  }
0x140: {  	[bflag:$0x3] =	sbarrier.arrive $0xFFFF  }
0x141: {  	_ =	shalt  }

</sc_bundles>
